<compile_context>
chip_gen: v7x
topology: tpu7x:2x2x1
jax: 0.10.2.dev20260603
libtpu: 0.0.44.dev20260713+nightly
codegen_flags: <defaults>
</compile_context>

<pallas_src>
import functools

import jax
import jax.numpy as jnp
from jax import lax
from jax.experimental import pallas as pl
from jax.experimental.pallas import tpu as pltpu
from jax.experimental.pallas import tpu_sc as plsc

_N = 10000
_E = 320000
_G = 64
_NP = 10240
_DH = 256
_HF = 128

_BR = 512

_NSUB = 16
_K = 80
_KA = 80
_EPT = _E // _NSUB
_RPT = _NP // _NSUB
_DW = 16

_HIGH = jax.lax.Precision.HIGHEST




def _sc_deg(dst):
    mesh = plsc.VectorSubcoreMesh(core_axis_name="c", subcore_axis_name="s")
    zer = jnp.zeros((_RPT, _DW), jnp.float32)
    half = _E // 2
    ept = half // _NSUB
    nit = ept // _K

    @functools.partial(
        pl.kernel,
        mesh=mesh,
        out_type=[
            jax.ShapeDtypeStruct((_NP, _DW), jnp.float32),
            jax.ShapeDtypeStruct((_NP, _DW), jnp.float32),
        ],
        scratch_types=[
            pltpu.VMEM((_K,), jnp.int32),
            pltpu.VMEM((_K, _DW), jnp.float32),
            pltpu.VMEM_SHARED((_NP, _DW), jnp.float32),
        ],
    )
    def k(dst_hbm, zer_hbm, out0, out1, didx, ones_v, acc):
        c = lax.axis_index("c")
        s = lax.axis_index("s")
        r0 = s * _RPT
        pltpu.sync_copy(zer_hbm, acc.at[pl.ds(r0, _RPT)])

        def fill(j, carry):
            ones_v[j, pl.ds(0, _DW)] = jnp.ones((_DW,), jnp.float32)
            return carry

        lax.fori_loop(0, _K, fill, 0)
        plsc.subcore_barrier()

        base0 = c * half + s * ept

        def body(i, carry):
            base = base0 + i * _K
            pltpu.sync_copy(dst_hbm.at[pl.ds(base, _K)], didx)
            pltpu.sync_copy(ones_v, acc.at[didx], add=True)
            return carry

        lax.fori_loop(0, nit, body, 0)
        plsc.subcore_barrier()

        @pl.when(c == 0)
        def _():
            pltpu.sync_copy(acc.at[pl.ds(r0, _RPT)], out0.at[pl.ds(r0, _RPT)])

        @pl.when(c == 1)
        def _():
            pltpu.sync_copy(acc.at[pl.ds(r0, _RPT)], out1.at[pl.ds(r0, _RPT)])

    return k(dst, zer)




def _sc_agg(glo, ghi, src, dst):
    mesh = plsc.VectorSubcoreMesh(core_axis_name="c", subcore_axis_name="s")
    zer = jnp.zeros((_RPT, _HF), jnp.float32)
    nit = _EPT // _KA

    @functools.partial(
        pl.kernel,
        mesh=mesh,
        out_type=[
            jax.ShapeDtypeStruct((_NP, _HF), jnp.float32),
            jax.ShapeDtypeStruct((_NP, _HF), jnp.float32),
        ],
        scratch_types=[
            pltpu.VMEM((_KA,), jnp.int32),
            pltpu.VMEM((_KA,), jnp.int32),
            pltpu.VMEM((_KA,), jnp.int32),
            pltpu.VMEM((_KA,), jnp.int32),
            pltpu.VMEM((_KA, _HF), jnp.float32),
            pltpu.VMEM((_KA, _HF), jnp.float32),
            pltpu.VMEM_SHARED((_NP, _HF), jnp.float32),
            pltpu.SemaphoreType.DMA,
            pltpu.SemaphoreType.DMA,
        ],
    )
    def k(glo_hbm, ghi_hbm, src_hbm, dst_hbm, zer_hbm, out0, out1,
          sidx0, sidx1, didx0, didx1, rows0, rows1, acc, sem0, sem1):
        c = lax.axis_index("c")
        s = lax.axis_index("s")
        r0 = s * _RPT
        pltpu.sync_copy(zer_hbm, acc.at[pl.ds(r0, _RPT)])
        plsc.subcore_barrier()

        bufs = ((sidx0, didx0, rows0, sem0), (sidx1, didx1, rows1, sem1))

        def run(g_hbm):
            for b, (sidx, didx, rows, sem) in enumerate(bufs):
                base = s * _EPT + b * _KA
                pltpu.sync_copy(src_hbm.at[pl.ds(base, _KA)], sidx)
                pltpu.sync_copy(dst_hbm.at[pl.ds(base, _KA)], didx)
                pltpu.async_copy(g_hbm.at[sidx], rows, sem)

            def body(g, carry):
                for b, (sidx, didx, rows, sem) in enumerate(bufs):
                    i = 2 * g + b
                    pltpu.make_async_copy(g_hbm.at[sidx], rows, sem).wait()
                    pltpu.sync_copy(rows, acc.at[didx], add=True)
                    nb = lax.rem(i + 2, nit)
                    base = s * _EPT + nb * _KA
                    pltpu.sync_copy(src_hbm.at[pl.ds(base, _KA)], sidx)
                    pltpu.sync_copy(dst_hbm.at[pl.ds(base, _KA)], didx)
                    pltpu.async_copy(g_hbm.at[sidx], rows, sem)
                return carry

            lax.fori_loop(0, nit // 2, body, 0)
            for sidx, didx, rows, sem in bufs:
                pltpu.make_async_copy(g_hbm.at[sidx], rows, sem).wait()

        @pl.when(c == 0)
        def _():
            run(glo_hbm)

        @pl.when(c == 1)
        def _():
            run(ghi_hbm)

        plsc.subcore_barrier()

        @pl.when(c == 0)
        def _():
            pltpu.sync_copy(acc.at[pl.ds(r0, _RPT)], out0.at[pl.ds(r0, _RPT)])

        @pl.when(c == 1)
        def _():
            pltpu.sync_copy(acc.at[pl.ds(r0, _RPT)], out1.at[pl.ds(r0, _RPT)])

    return k(glo, ghi, src, dst, zer)




def _prep1_body(x_ref, w_ref, d0_ref, d1_ref, dinv_ref, glo_ref, ghi_ref):
    i = pl.program_id(0)
    deg = d0_ref[...] + d1_ref[...] + 1.0
    rows = i * _BR + lax.broadcasted_iota(jnp.int32, (_BR, 1), 0)
    dinv = jnp.where(rows < _N, lax.rsqrt(deg), 0.0)
    dinv_ref[...] = dinv
    g = jnp.dot(x_ref[...], w_ref[...],
                preferred_element_type=jnp.float32, precision=_HIGH) * dinv
    glo_ref[...] = g[:, :_HF]
    ghi_ref[...] = g[:, _HF:]


def _prep1(x_pad, w1, d0, d1):
    return pl.pallas_call(
        _prep1_body,
        grid=(_NP // _BR,),
        in_specs=[
            pl.BlockSpec((_BR, 128), lambda i: (i, 0)),
            pl.BlockSpec((128, _DH), lambda i: (0, 0)),
            pl.BlockSpec((_BR, 1), lambda i: (i, 0)),
            pl.BlockSpec((_BR, 1), lambda i: (i, 0)),
        ],
        out_specs=[
            pl.BlockSpec((_BR, 1), lambda i: (i, 0)),
            pl.BlockSpec((_BR, _HF), lambda i: (i, 0)),
            pl.BlockSpec((_BR, _HF), lambda i: (i, 0)),
        ],
        out_shape=[
            jax.ShapeDtypeStruct((_NP, 1), jnp.float32),
            jax.ShapeDtypeStruct((_NP, _HF), jnp.float32),
            jax.ShapeDtypeStruct((_NP, _HF), jnp.float32),
        ],
    )(x_pad, w1, d0, d1)




def _fuse_body(s0_ref, s1_ref, gl_ref, gh_ref, dinv_ref, b_ref, w_ref,
               olo_ref, ohi_ref):
    dinv = dinv_ref[...]
    h = jnp.concatenate(
        [s0_ref[...] + gl_ref[...], s1_ref[...] + gh_ref[...]], axis=1)
    h = jnp.maximum(h * dinv + b_ref[...], 0.0)
    g = jnp.dot(h, w_ref[...],
                preferred_element_type=jnp.float32, precision=_HIGH) * dinv
    olo_ref[...] = g[:, :_HF]
    ohi_ref[...] = g[:, _HF:]


def _fuse(s0, s1, gl, gh, dinv, b, w):
    return pl.pallas_call(
        _fuse_body,
        grid=(_NP // _BR,),
        in_specs=[
            pl.BlockSpec((_BR, _HF), lambda i: (i, 0)),
            pl.BlockSpec((_BR, _HF), lambda i: (i, 0)),
            pl.BlockSpec((_BR, _HF), lambda i: (i, 0)),
            pl.BlockSpec((_BR, _HF), lambda i: (i, 0)),
            pl.BlockSpec((_BR, 1), lambda i: (i, 0)),
            pl.BlockSpec((1, _DH), lambda i: (0, 0)),
            pl.BlockSpec((_DH, _DH), lambda i: (0, 0)),
        ],
        out_specs=[
            pl.BlockSpec((_BR, _HF), lambda i: (i, 0)),
            pl.BlockSpec((_BR, _HF), lambda i: (i, 0)),
        ],
        out_shape=[
            jax.ShapeDtypeStruct((_NP, _HF), jnp.float32),
            jax.ShapeDtypeStruct((_NP, _HF), jnp.float32),
        ],
    )(s0, s1, gl, gh, dinv, b, w)




def _pool_body(s0_ref, s1_ref, gl_ref, gh_ref, dinv_ref, b_ref, batch_ref,
               wp_ref, bp_ref, sums_ref, cnt_ref, out_ref, *, nblk):
    i = pl.program_id(0)

    @pl.when(i == 0)
    def _init():
        sums_ref[...] = jnp.zeros_like(sums_ref)
        cnt_ref[...] = jnp.zeros_like(cnt_ref)

    h = jnp.concatenate(
        [s0_ref[...] + gl_ref[...], s1_ref[...] + gh_ref[...]], axis=1)
    h = h * dinv_ref[...] + b_ref[...]
    v = jnp.dot(h, wp_ref[...],
                preferred_element_type=jnp.float32, precision=_HIGH)
    ids = lax.broadcasted_iota(jnp.int32, (1, _G), 1)
    oh = (batch_ref[...] == ids).astype(jnp.float32)
    sums_ref[...] += lax.dot_general(
        oh, v, (((0,), (0,)), ((), ())),
        preferred_element_type=jnp.float32, precision=_HIGH)
    cnt_ref[...] += jnp.sum(oh, axis=0)[:, None]

    @pl.when(i == nblk - 1)
    def _epilogue():
        out_ref[...] = (sums_ref[...] / jnp.maximum(cnt_ref[...], 1.0)
                        + bp_ref[...])


def _pool(s0, s1, gl, gh, dinv, b, batch_pad, wp, bp):
    nblk = _NP // _BR
    body = functools.partial(_pool_body, nblk=nblk)
    _, _, out = pl.pallas_call(
        body,
        grid=(nblk,),
        in_specs=[
            pl.BlockSpec((_BR, _HF), lambda i: (i, 0)),
            pl.BlockSpec((_BR, _HF), lambda i: (i, 0)),
            pl.BlockSpec((_BR, _HF), lambda i: (i, 0)),
            pl.BlockSpec((_BR, _HF), lambda i: (i, 0)),
            pl.BlockSpec((_BR, 1), lambda i: (i, 0)),
            pl.BlockSpec((1, _DH), lambda i: (0, 0)),
            pl.BlockSpec((_BR, 1), lambda i: (i, 0)),
            pl.BlockSpec((_DH, 1), lambda i: (0, 0)),
            pl.BlockSpec((1, 1), lambda i: (0, 0)),
        ],
        out_specs=[
            pl.BlockSpec((_G, 1), lambda i: (0, 0)),
            pl.BlockSpec((_G, 1), lambda i: (0, 0)),
            pl.BlockSpec((_G, 1), lambda i: (0, 0)),
        ],
        out_shape=[
            jax.ShapeDtypeStruct((_G, 1), jnp.float32),
            jax.ShapeDtypeStruct((_G, 1), jnp.float32),
            jax.ShapeDtypeStruct((_G, 1), jnp.float32),
        ],
    )(s0, s1, gl, gh, dinv, b, batch_pad, wp, bp)
    return out




def kernel(x, edge_index, batch, W1, b1, W2, b2, W3, b3, Wp, bp):
    src, dst = edge_index[0], edge_index[1]

    deg0, deg1 = _sc_deg(dst)

    x_pad = jnp.zeros((_NP, 128), jnp.float32).at[:_N].set(x)
    dinv, gl, gh = _prep1(x_pad, W1, deg0[:, :1], deg1[:, :1])

    s0, s1 = _sc_agg(gl, gh, src, dst)
    gl, gh = _fuse(s0, s1, gl, gh, dinv, b1[None, :], W2)
    s0, s1 = _sc_agg(gl, gh, src, dst)
    gl, gh = _fuse(s0, s1, gl, gh, dinv, b2[None, :], W3)
    s0, s1 = _sc_agg(gl, gh, src, dst)

    batch_pad = jnp.full((_NP, 1), _G, jnp.int32).at[:_N, 0].set(batch)
    return _pool(s0, s1, gl, gh, dinv, b3[None, :], batch_pad, Wp,
                 bp[:, None])

# --- scband reference (transcript-rebuilt; emitter-appended) ---
"""Pipeline reference for scband-gnnwrapper-10368051052682 (READ-ONLY COPY).

The authoritative reference and input builder live on the scoring server;
editing this copy changes nothing except your own understanding.
"""

import jax, jax.numpy as jnp
import numpy as np

N = 10000
E = 320000
NUM_GRAPHS = 64
D_IN = 128
D_H = 256


def gcn_conv(x, W, b, src, dst, n):
    # GCNConv: linear transform, add self loops, symmetric normalization, scatter-add
    x = x @ W
    loop = jnp.arange(n, dtype=src.dtype)
    src2 = jnp.concatenate([src, loop])
    dst2 = jnp.concatenate([dst, loop])
    deg = jax.ops.segment_sum(jnp.ones(src2.shape, dtype=x.dtype), dst2, num_segments=n)
    dinv = jnp.where(deg > 0, 1.0 / jnp.sqrt(jnp.maximum(deg, 1e-12)), 0.0)
    norm = dinv[src2] * dinv[dst2]
    msg = x[src2] * norm[:, None]
    out = jax.ops.segment_sum(msg, dst2, num_segments=n)
    return out + b


def glorot(k, shape):
    lim = (6.0 / (shape[0] + shape[1])) ** 0.5
    return jax.random.uniform(k, shape, jnp.float32, -lim, lim)


def setup_inputs(seed: int = 0) -> dict:
    key = jax.random.key(seed)
    ks = jax.random.split(key, 8)
    x = jax.random.normal(ks[0], (N, D_IN), dtype=jnp.float32)
    edge_index = jax.random.randint(ks[1], (2, E), 0, N, dtype=jnp.int32)
    batch = jnp.sort(jax.random.randint(ks[2], (N,), 0, NUM_GRAPHS, dtype=jnp.int32))
    W1 = glorot(ks[3], (D_IN, D_H)); b1 = jnp.zeros((D_H,), jnp.float32)
    W2 = glorot(ks[4], (D_H, D_H)); b2 = jnp.zeros((D_H,), jnp.float32)
    W3 = glorot(ks[5], (D_H, D_H)); b3 = jnp.zeros((D_H,), jnp.float32)
    Wp = glorot(ks[6], (D_H, 1)); bp = jnp.zeros((1,), jnp.float32)
    return {"x": x, "edge_index": edge_index, "batch": batch,
            "W1": W1, "b1": b1, "W2": W2, "b2": b2, "W3": W3, "b3": b3,
            "Wp": Wp, "bp": bp}


def reference(x, edge_index, batch, W1, b1, W2, b2, W3, b3, Wp, bp):
    src, dst = edge_index[0], edge_index[1]
    h = gcn_conv(x, W1, b1, src, dst, N)
    h = jax.nn.relu(h)
    h = gcn_conv(h, W2, b2, src, dst, N)
    h = jax.nn.relu(h)
    h = gcn_conv(h, W3, b3, src, dst, N)
    # global mean pooling over batch (graph) ids
    sums = jax.ops.segment_sum(h, batch, num_segments=NUM_GRAPHS)
    cnt = jax.ops.segment_sum(jnp.ones((N,), h.dtype), batch, num_segments=NUM_GRAPHS)
    pooled = sums / jnp.maximum(cnt, 1.0)[:, None]
    # predictor: single Linear(hidden_channels, 1)
    return pooled @ Wp + bp

if __name__ == "__main__":
    import jax
    _d = setup_inputs()
    print(jax.jit(kernel)(*tuple(_d.values())))

</pallas_src>

<mosaic_0001>
#map = affine_map<(d0, d1) -> (0, 0)>
#map1 = affine_map<(d0, d1) -> (0)>
module attributes {stable_mosaic.version = 14 : i64} {
  func.func @k(%arg0: i32, %arg1: i32, %arg2: memref<10240x128xf32, #tpu.memory_space<hbm>>, %arg3: memref<10240x128xf32, #tpu.memory_space<hbm>>, %arg4: memref<320000xi32, #tpu.memory_space<hbm>>, %arg5: memref<320000xi32, #tpu.memory_space<hbm>>, %arg6: memref<640x128xf32, #tpu.memory_space<hbm>>, %arg7: memref<10240x128xf32, #tpu.memory_space<hbm>>, %arg8: memref<10240x128xf32, #tpu.memory_space<hbm>>, %arg9: memref<80xi32, #tpu.memory_space<vmem>>, %arg10: memref<80xi32, #tpu.memory_space<vmem>>, %arg11: memref<80xi32, #tpu.memory_space<vmem>>, %arg12: memref<80xi32, #tpu.memory_space<vmem>>, %arg13: memref<80x128xf32, #tpu.memory_space<vmem>>, %arg14: memref<80x128xf32, #tpu.memory_space<vmem>>, %arg15: memref<10240x128xf32, #tpu.memory_space<vmem_shared>>, %arg16: memref<!tpu.dma_semaphore, #tpu.memory_space<semaphore_mem>>, %arg17: memref<!tpu.dma_semaphore, #tpu.memory_space<semaphore_mem>>) attributes {dimension_semantics = [#tpu.dimension_semantics<core_parallel>, #tpu.dimension_semantics<subcore_parallel>], iteration_bounds = array<i64: 2, 16>, scalar_prefetch = 0 : i64, scratch_operands = 9 : i64, tpu.core_type = #tpu.core_type<sc_vector_subcore>, window_params = [{transform_indices = #map}, {transform_indices = #map}, {transform_indices = #map1}, {transform_indices = #map1}, {transform_indices = #map}, {transform_indices = #map}, {transform_indices = #map}]} {
    %mul3A = arith.constant 640 : i32
    %mul3A_0 = arith.muli %arg1, %mul3A : i32
    "tpu.region"() ({
      %run_scoped3A = tpu.sem_alloc : memref<!tpu.dma_semaphore, #tpu.memory_space<semaphore_mem>>
      %dma_start3A = arith.constant 0 : i32
      %dma_start3A_19 = tpu.memref_slice %arg15[%mul3A_0, %dma_start3A] : memref<10240x128xf32, #tpu.memory_space<vmem_shared>> -> memref<640x128xf32, #tpu.memory_space<vmem_shared>>
      tpu.enqueue_dma source(%arg6 : memref<640x128xf32, #tpu.memory_space<hbm>>) target(%dma_start3A_19 : memref<640x128xf32, #tpu.memory_space<vmem_shared>>) target_semaphore(%run_scoped3A : memref<!tpu.dma_semaphore, #tpu.memory_space<semaphore_mem>>)
      %dma_wait3A = arith.constant 0 : i32
      %dma_wait3A_20 = tpu.memref_slice %arg15[%mul3A_0, %dma_wait3A] : memref<10240x128xf32, #tpu.memory_space<vmem_shared>> -> memref<640x128xf32, #tpu.memory_space<vmem_shared>>
      tpu.wait_dma2 semaphore(%run_scoped3A : memref<!tpu.dma_semaphore, #tpu.memory_space<semaphore_mem>>) src(%arg6 : memref<640x128xf32, #tpu.memory_space<hbm>>) dst(%dma_wait3A_20 : memref<640x128xf32, #tpu.memory_space<vmem_shared>>)
      tpu.yield
    }) : () -> ()
    %barrier3A = arith.constant 0 : index
    tpu.barrier barrier_id(%barrier3A)
    %eq3A = arith.constant 0 : i32
    %eq3A_1 = arith.cmpi eq, %arg0, %eq3A : i32
    %convert_element_type3A = arith.extui %eq3A_1 : i1 to i32
    %cond3A = arith.constant 0 : i32
    %cond3A_2 = arith.cmpi ne, %convert_element_type3A, %cond3A : i32
    scf.if %cond3A_2 {
      %mul3A_19 = arith.constant 20000 : i32
      %mul3A_20 = arith.muli %arg1, %mul3A_19 : i32
      %add3A = arith.constant 0 : i32
      %add3A_21 = arith.addi %mul3A_20, %add3A : i32
      "tpu.region"() ({
        %run_scoped3A = tpu.sem_alloc : memref<!tpu.dma_semaphore, #tpu.memory_space<semaphore_mem>>
        %dma_start3A_41 = tpu.memref_slice %arg4[%add3A_21] : memref<320000xi32, #tpu.memory_space<hbm>> -> memref<80xi32, #tpu.memory_space<hbm>>
        %dma_start3A_42 = tpu.memref_slice %arg4[%add3A_21] : memref<320000xi32, #tpu.memory_space<hbm>> -> memref<80xi32, #tpu.memory_space<hbm>>
        tpu.enqueue_dma source(%dma_start3A_42 : memref<80xi32, #tpu.memory_space<hbm>>) target(%arg9 : memref<80xi32, #tpu.memory_space<vmem>>) target_semaphore(%run_scoped3A : memref<!tpu.dma_semaphore, #tpu.memory_space<semaphore_mem>>)
        %dma_wait3A_43 = tpu.memref_slice %arg4[%add3A_21] : memref<320000xi32, #tpu.memory_space<hbm>> -> memref<80xi32, #tpu.memory_space<hbm>>
        %dma_wait3A_44 = tpu.memref_slice %arg4[%add3A_21] : memref<320000xi32, #tpu.memory_space<hbm>> -> memref<80xi32, #tpu.memory_space<hbm>>
        tpu.wait_dma2 semaphore(%run_scoped3A : memref<!tpu.dma_semaphore, #tpu.memory_space<semaphore_mem>>) src(%dma_wait3A_44 : memref<80xi32, #tpu.memory_space<hbm>>) dst(%arg9 : memref<80xi32, #tpu.memory_space<vmem>>)
        tpu.yield
      }) : () -> ()
      "tpu.region"() ({
        %run_scoped3A = tpu.sem_alloc : memref<!tpu.dma_semaphore, #tpu.memory_space<semaphore_mem>>
        %dma_start3A_41 = tpu.memref_slice %arg5[%add3A_21] : memref<320000xi32, #tpu.memory_space<hbm>> -> memref<80xi32, #tpu.memory_space<hbm>>
        %dma_start3A_42 = tpu.memref_slice %arg5[%add3A_21] : memref<320000xi32, #tpu.memory_space<hbm>> -> memref<80xi32, #tpu.memory_space<hbm>>
        tpu.enqueue_dma source(%dma_start3A_42 : memref<80xi32, #tpu.memory_space<hbm>>) target(%arg11 : memref<80xi32, #tpu.memory_space<vmem>>) target_semaphore(%run_scoped3A : memref<!tpu.dma_semaphore, #tpu.memory_space<semaphore_mem>>)
        %dma_wait3A_43 = tpu.memref_slice %arg5[%add3A_21] : memref<320000xi32, #tpu.memory_space<hbm>> -> memref<80xi32, #tpu.memory_space<hbm>>
        %dma_wait3A_44 = tpu.memref_slice %arg5[%add3A_21] : memref<320000xi32, #tpu.memory_space<hbm>> -> memref<80xi32, #tpu.memory_space<hbm>>
        tpu.wait_dma2 semaphore(%run_scoped3A : memref<!tpu.dma_semaphore, #tpu.memory_space<semaphore_mem>>) src(%dma_wait3A_44 : memref<80xi32, #tpu.memory_space<hbm>>) dst(%arg11 : memref<80xi32, #tpu.memory_space<vmem>>)
        tpu.yield
      }) : () -> ()
      %dma_start3A = arith.constant 0 : i32
      %dma_start3A_22 = arith.constant 0 : i32
      %dma_start3A_23 = tpu.memref_slice %arg2[%dma_start3A, %dma_start3A_22] : memref<10240x128xf32, #tpu.memory_space<hbm>> -> memref<10240x128xf32, #tpu.memory_space<hbm>>
      tpu.enqueue_indirect_dma source(%dma_start3A_23 : memref<10240x128xf32, #tpu.memory_space<hbm>>) target(%arg13 : memref<80x128xf32, #tpu.memory_space<vmem>>) offsets(%arg9 : memref<80xi32, #tpu.memory_space<vmem>>) semaphore(%arg16 : memref<!tpu.dma_semaphore, #tpu.memory_space<semaphore_mem>>)
      %mul3A_24 = arith.constant 20000 : i32
      %mul3A_25 = arith.muli %arg1, %mul3A_24 : i32
      %add3A_26 = arith.constant 80 : i32
      %add3A_27 = arith.addi %mul3A_25, %add3A_26 : i32
      "tpu.region"() ({
        %run_scoped3A = tpu.sem_alloc : memref<!tpu.dma_semaphore, #tpu.memory_space<semaphore_mem>>
        %dma_start3A_41 = tpu.memref_slice %arg4[%add3A_27] : memref<320000xi32, #tpu.memory_space<hbm>> -> memref<80xi32, #tpu.memory_space<hbm>>
        %dma_start3A_42 = tpu.memref_slice %arg4[%add3A_27] : memref<320000xi32, #tpu.memory_space<hbm>> -> memref<80xi32, #tpu.memory_space<hbm>>
        tpu.enqueue_dma source(%dma_start3A_42 : memref<80xi32, #tpu.memory_space<hbm>>) target(%arg10 : memref<80xi32, #tpu.memory_space<vmem>>) target_semaphore(%run_scoped3A : memref<!tpu.dma_semaphore, #tpu.memory_space<semaphore_mem>>)
        %dma_wait3A_43 = tpu.memref_slice %arg4[%add3A_27] : memref<320000xi32, #tpu.memory_space<hbm>> -> memref<80xi32, #tpu.memory_space<hbm>>
        %dma_wait3A_44 = tpu.memref_slice %arg4[%add3A_27] : memref<320000xi32, #tpu.memory_space<hbm>> -> memref<80xi32, #tpu.memory_space<hbm>>
        tpu.wait_dma2 semaphore(%run_scoped3A : memref<!tpu.dma_semaphore, #tpu.memory_space<semaphore_mem>>) src(%dma_wait3A_44 : memref<80xi32, #tpu.memory_space<hbm>>) dst(%arg10 : memref<80xi32, #tpu.memory_space<vmem>>)
        tpu.yield
      }) : () -> ()
      "tpu.region"() ({
        %run_scoped3A = tpu.sem_alloc : memref<!tpu.dma_semaphore, #tpu.memory_space<semaphore_mem>>
        %dma_start3A_41 = tpu.memref_slice %arg5[%add3A_27] : memref<320000xi32, #tpu.memory_space<hbm>> -> memref<80xi32, #tpu.memory_space<hbm>>
        %dma_start3A_42 = tpu.memref_slice %arg5[%add3A_27] : memref<320000xi32, #tpu.memory_space<hbm>> -> memref<80xi32, #tpu.memory_space<hbm>>
        tpu.enqueue_dma source(%dma_start3A_42 : memref<80xi32, #tpu.memory_space<hbm>>) target(%arg12 : memref<80xi32, #tpu.memory_space<vmem>>) target_semaphore(%run_scoped3A : memref<!tpu.dma_semaphore, #tpu.memory_space<semaphore_mem>>)
        %dma_wait3A_43 = tpu.memref_slice %arg5[%add3A_27] : memref<320000xi32, #tpu.memory_space<hbm>> -> memref<80xi32, #tpu.memory_space<hbm>>
        %dma_wait3A_44 = tpu.memref_slice %arg5[%add3A_27] : memref<320000xi32, #tpu.memory_space<hbm>> -> memref<80xi32, #tpu.memory_space<hbm>>
        tpu.wait_dma2 semaphore(%run_scoped3A : memref<!tpu.dma_semaphore, #tpu.memory_space<semaphore_mem>>) src(%dma_wait3A_44 : memref<80xi32, #tpu.memory_space<hbm>>) dst(%arg12 : memref<80xi32, #tpu.memory_space<vmem>>)
        tpu.yield
      }) : () -> ()
      %dma_start3A_28 = arith.constant 0 : i32
      %dma_start3A_29 = arith.constant 0 : i32
      %dma_start3A_30 = tpu.memref_slice %arg2[%dma_start3A_28, %dma_start3A_29] : memref<10240x128xf32, #tpu.memory_space<hbm>> -> memref<10240x128xf32, #tpu.memory_space<hbm>>
      tpu.enqueue_indirect_dma source(%dma_start3A_30 : memref<10240x128xf32, #tpu.memory_space<hbm>>) target(%arg14 : memref<80x128xf32, #tpu.memory_space<vmem>>) offsets(%arg10 : memref<80xi32, #tpu.memory_space<vmem>>) semaphore(%arg17 : memref<!tpu.dma_semaphore, #tpu.memory_space<semaphore_mem>>)
      %scan3A = arith.constant 0 : i32
      %scan3A_31 = arith.constant 0 : i32
      %scan3A_32 = arith.constant 125 : i32
      %scan3A_33 = arith.addi %scan3A_31, %scan3A_32 : i32
      %scan3A_34 = arith.constant 1 : i32
      scf.for %scan3A_41 = %scan3A_31 to %scan3A_33 step %scan3A_34  : i32 {
        %mul3A_42 = arith.constant 2 : i32
        %mul3A_43 = arith.muli %mul3A_42, %scan3A_41 : i32
        %add3A_44 = arith.constant 0 : i32
        %add3A_45 = arith.addi %mul3A_43, %add3A_44 : i32
        %dma_wait3A_46 = arith.constant 0 : i32
        %dma_wait3A_47 = arith.constant 0 : i32
        %dma_wait3A_48 = tpu.memref_slice %arg2[%dma_wait3A_46, %dma_wait3A_47] : memref<10240x128xf32, #tpu.memory_space<hbm>> -> memref<10240x128xf32, #tpu.memory_space<hbm>>
        tpu.wait_indirect_dma semaphore(%arg16 : memref<!tpu.dma_semaphore, #tpu.memory_space<semaphore_mem>>) src(%dma_wait3A_48 : memref<10240x128xf32, #tpu.memory_space<hbm>>) dst(%arg13 : memref<80x128xf32, #tpu.memory_space<vmem>>)
        "tpu.region"() ({
          %run_scoped3A = tpu.sem_alloc : memref<!tpu.dma_semaphore, #tpu.memory_space<semaphore_mem>>
          %dma_start3A_79 = arith.constant 0 : i32
          %dma_start3A_80 = arith.constant 0 : i32
          %dma_start3A_81 = tpu.memref_slice %arg15[%dma_start3A_79, %dma_start3A_80] : memref<10240x128xf32, #tpu.memory_space<vmem_shared>> -> memref<10240x128xf32, #tpu.memory_space<vmem_shared>>
          tpu.enqueue_indirect_dma source(%arg13 : memref<80x128xf32, #tpu.memory_space<vmem>>) target(%dma_start3A_81 : memref<10240x128xf32, #tpu.memory_space<vmem_shared>>) offsets(%arg11 : memref<80xi32, #tpu.memory_space<vmem>>) semaphore(%run_scoped3A : memref<!tpu.dma_semaphore, #tpu.memory_space<semaphore_mem>>) {add = true}
          %dma_wait3A_82 = arith.constant 0 : i32
          %dma_wait3A_83 = arith.constant 0 : i32
          %dma_wait3A_84 = tpu.memref_slice %arg15[%dma_wait3A_82, %dma_wait3A_83] : memref<10240x128xf32, #tpu.memory_space<vmem_shared>> -> memref<10240x128xf32, #tpu.memory_space<vmem_shared>>
          tpu.wait_indirect_dma semaphore(%run_scoped3A : memref<!tpu.dma_semaphore, #tpu.memory_space<semaphore_mem>>) src(%arg13 : memref<80x128xf32, #tpu.memory_space<vmem>>) dst(%dma_wait3A_84 : memref<10240x128xf32, #tpu.memory_space<vmem_shared>>)
          tpu.yield
        }) : () -> ()
        %add3A_49 = arith.constant 2 : i32
        %add3A_50 = arith.addi %add3A_45, %add3A_49 : i32
        %rem3A = arith.constant 250 : i32
        %rem3A_51 = arith.remsi %add3A_50, %rem3A : i32
        %mul3A_52 = arith.constant 20000 : i32
        %mul3A_53 = arith.muli %arg1, %mul3A_52 : i32
        %mul3A_54 = arith.constant 80 : i32
        %mul3A_55 = arith.muli %rem3A_51, %mul3A_54 : i32
        %add3A_56 = arith.addi %mul3A_53, %mul3A_55 : i32
        "tpu.region"() ({
          %run_scoped3A = tpu.sem_alloc : memref<!tpu.dma_semaphore, #tpu.memory_space<semaphore_mem>>
          %dma_start3A_79 = tpu.memref_slice %arg4[%add3A_56] : memref<320000xi32, #tpu.memory_space<hbm>> -> memref<80xi32, #tpu.memory_space<hbm>>
          %dma_start3A_80 = tpu.memref_slice %arg4[%add3A_56] : memref<320000xi32, #tpu.memory_space<hbm>> -> memref<80xi32, #tpu.memory_space<hbm>>
          tpu.enqueue_dma source(%dma_start3A_80 : memref<80xi32, #tpu.memory_space<hbm>>) target(%arg9 : memref<80xi32, #tpu.memory_space<vmem>>) target_semaphore(%run_scoped3A : memref<!tpu.dma_semaphore, #tpu.memory_space<semaphore_mem>>)
          %dma_wait3A_81 = tpu.memref_slice %arg4[%add3A_56] : memref<320000xi32, #tpu.memory_space<hbm>> -> memref<80xi32, #tpu.memory_space<hbm>>
          %dma_wait3A_82 = tpu.memref_slice %arg4[%add3A_56] : memref<320000xi32, #tpu.memory_space<hbm>> -> memref<80xi32, #tpu.memory_space<hbm>>
          tpu.wait_dma2 semaphore(%run_scoped3A : memref<!tpu.dma_semaphore, #tpu.memory_space<semaphore_mem>>) src(%dma_wait3A_82 : memref<80xi32, #tpu.memory_space<hbm>>) dst(%arg9 : memref<80xi32, #tpu.memory_space<vmem>>)
          tpu.yield
        }) : () -> ()
        "tpu.region"() ({
          %run_scoped3A = tpu.sem_alloc : memref<!tpu.dma_semaphore, #tpu.memory_space<semaphore_mem>>
          %dma_start3A_79 = tpu.memref_slice %arg5[%add3A_56] : memref<320000xi32, #tpu.memory_space<hbm>> -> memref<80xi32, #tpu.memory_space<hbm>>
          %dma_start3A_80 = tpu.memref_slice %arg5[%add3A_56] : memref<320000xi32, #tpu.memory_space<hbm>> -> memref<80xi32, #tpu.memory_space<hbm>>
          tpu.enqueue_dma source(%dma_start3A_80 : memref<80xi32, #tpu.memory_space<hbm>>) target(%arg11 : memref<80xi32, #tpu.memory_space<vmem>>) target_semaphore(%run_scoped3A : memref<!tpu.dma_semaphore, #tpu.memory_space<semaphore_mem>>)
          %dma_wait3A_81 = tpu.memref_slice %arg5[%add3A_56] : memref<320000xi32, #tpu.memory_space<hbm>> -> memref<80xi32, #tpu.memory_space<hbm>>
          %dma_wait3A_82 = tpu.memref_slice %arg5[%add3A_56] : memref<320000xi32, #tpu.memory_space<hbm>> -> memref<80xi32, #tpu.memory_space<hbm>>
          tpu.wait_dma2 semaphore(%run_scoped3A : memref<!tpu.dma_semaphore, #tpu.memory_space<semaphore_mem>>) src(%dma_wait3A_82 : memref<80xi32, #tpu.memory_space<hbm>>) dst(%arg11 : memref<80xi32, #tpu.memory_space<vmem>>)
          tpu.yield
        }) : () -> ()
        %dma_start3A_57 = arith.constant 0 : i32
        %dma_start3A_58 = arith.constant 0 : i32
        %dma_start3A_59 = tpu.memref_slice %arg2[%dma_start3A_57, %dma_start3A_58] : memref<10240x128xf32, #tpu.memory_space<hbm>> -> memref<10240x128xf32, #tpu.memory_space<hbm>>
        tpu.enqueue_indirect_dma source(%dma_start3A_59 : memref<10240x128xf32, #tpu.memory_space<hbm>>) target(%arg13 : memref<80x128xf32, #tpu.memory_space<vmem>>) offsets(%arg9 : memref<80xi32, #tpu.memory_space<vmem>>) semaphore(%arg16 : memref<!tpu.dma_semaphore, #tpu.memory_space<semaphore_mem>>)
        %mul3A_60 = arith.constant 2 : i32
        %mul3A_61 = arith.muli %mul3A_60, %scan3A_41 : i32
        %add3A_62 = arith.constant 1 : i32
        %add3A_63 = arith.addi %mul3A_61, %add3A_62 : i32
        %dma_wait3A_64 = arith.constant 0 : i32
        %dma_wait3A_65 = arith.constant 0 : i32
        %dma_wait3A_66 = tpu.memref_slice %arg2[%dma_wait3A_64, %dma_wait3A_65] : memref<10240x128xf32, #tpu.memory_space<hbm>> -> memref<10240x128xf32, #tpu.memory_space<hbm>>
        tpu.wait_indirect_dma semaphore(%arg17 : memref<!tpu.dma_semaphore, #tpu.memory_space<semaphore_mem>>) src(%dma_wait3A_66 : memref<10240x128xf32, #tpu.memory_space<hbm>>) dst(%arg14 : memref<80x128xf32, #tpu.memory_space<vmem>>)
        "tpu.region"() ({
          %run_scoped3A = tpu.sem_alloc : memref<!tpu.dma_semaphore, #tpu.memory_space<semaphore_mem>>
          %dma_start3A_79 = arith.constant 0 : i32
          %dma_start3A_80 = arith.constant 0 : i32
          %dma_start3A_81 = tpu.memref_slice %arg15[%dma_start3A_79, %dma_start3A_80] : memref<10240x128xf32, #tpu.memory_space<vmem_shared>> -> memref<10240x128xf32, #tpu.memory_space<vmem_shared>>
          tpu.enqueue_indirect_dma source(%arg14 : memref<80x128xf32, #tpu.memory_space<vmem>>) target(%dma_start3A_81 : memref<10240x128xf32, #tpu.memory_space<vmem_shared>>) offsets(%arg12 : memref<80xi32, #tpu.memory_space<vmem>>) semaphore(%run_scoped3A : memref<!tpu.dma_semaphore, #tpu.memory_space<semaphore_mem>>) {add = true}
          %dma_wait3A_82 = arith.constant 0 : i32
          %dma_wait3A_83 = arith.constant 0 : i32
          %dma_wait3A_84 = tpu.memref_slice %arg15[%dma_wait3A_82, %dma_wait3A_83] : memref<10240x128xf32, #tpu.memory_space<vmem_shared>> -> memref<10240x128xf32, #tpu.memory_space<vmem_shared>>
          tpu.wait_indirect_dma semaphore(%run_scoped3A : memref<!tpu.dma_semaphore, #tpu.memory_space<semaphore_mem>>) src(%arg14 : memref<80x128xf32, #tpu.memory_space<vmem>>) dst(%dma_wait3A_84 : memref<10240x128xf32, #tpu.memory_space<vmem_shared>>)
          tpu.yield
        }) : () -> ()
        %add3A_67 = arith.constant 2 : i32
        %add3A_68 = arith.addi %add3A_63, %add3A_67 : i32
        %rem3A_69 = arith.constant 250 : i32
        %rem3A_70 = arith.remsi %add3A_68, %rem3A_69 : i32
        %mul3A_71 = arith.constant 20000 : i32
        %mul3A_72 = arith.muli %arg1, %mul3A_71 : i32
        %mul3A_73 = arith.constant 80 : i32
        %mul3A_74 = arith.muli %rem3A_70, %mul3A_73 : i32
        %add3A_75 = arith.addi %mul3A_72, %mul3A_74 : i32
        "tpu.region"() ({
          %run_scoped3A = tpu.sem_alloc : memref<!tpu.dma_semaphore, #tpu.memory_space<semaphore_mem>>
          %dma_start3A_79 = tpu.memref_slice %arg4[%add3A_75] : memref<320000xi32, #tpu.memory_space<hbm>> -> memref<80xi32, #tpu.memory_space<hbm>>
          %dma_start3A_80 = tpu.memref_slice %arg4[%add3A_75] : memref<320000xi32, #tpu.memory_space<hbm>> -> memref<80xi32, #tpu.memory_space<hbm>>
          tpu.enqueue_dma source(%dma_start3A_80 : memref<80xi32, #tpu.memory_space<hbm>>) target(%arg10 : memref<80xi32, #tpu.memory_space<vmem>>) target_semaphore(%run_scoped3A : memref<!tpu.dma_semaphore, #tpu.memory_space<semaphore_mem>>)
          %dma_wait3A_81 = tpu.memref_slice %arg4[%add3A_75] : memref<320000xi32, #tpu.memory_space<hbm>> -> memref<80xi32, #tpu.memory_space<hbm>>
          %dma_wait3A_82 = tpu.memref_slice %arg4[%add3A_75] : memref<320000xi32, #tpu.memory_space<hbm>> -> memref<80xi32, #tpu.memory_space<hbm>>
          tpu.wait_dma2 semaphore(%run_scoped3A : memref<!tpu.dma_semaphore, #tpu.memory_space<semaphore_mem>>) src(%dma_wait3A_82 : memref<80xi32, #tpu.memory_space<hbm>>) dst(%arg10 : memref<80xi32, #tpu.memory_space<vmem>>)
          tpu.yield
        }) : () -> ()
        "tpu.region"() ({
          %run_scoped3A = tpu.sem_alloc : memref<!tpu.dma_semaphore, #tpu.memory_space<semaphore_mem>>
          %dma_start3A_79 = tpu.memref_slice %arg5[%add3A_75] : memref<320000xi32, #tpu.memory_space<hbm>> -> memref<80xi32, #tpu.memory_space<hbm>>
          %dma_start3A_80 = tpu.memref_slice %arg5[%add3A_75] : memref<320000xi32, #tpu.memory_space<hbm>> -> memref<80xi32, #tpu.memory_space<hbm>>
          tpu.enqueue_dma source(%dma_start3A_80 : memref<80xi32, #tpu.memory_space<hbm>>) target(%arg12 : memref<80xi32, #tpu.memory_space<vmem>>) target_semaphore(%run_scoped3A : memref<!tpu.dma_semaphore, #tpu.memory_space<semaphore_mem>>)
          %dma_wait3A_81 = tpu.memref_slice %arg5[%add3A_75] : memref<320000xi32, #tpu.memory_space<hbm>> -> memref<80xi32, #tpu.memory_space<hbm>>
          %dma_wait3A_82 = tpu.memref_slice %arg5[%add3A_75] : memref<320000xi32, #tpu.memory_space<hbm>> -> memref<80xi32, #tpu.memory_space<hbm>>
          tpu.wait_dma2 semaphore(%run_scoped3A : memref<!tpu.dma_semaphore, #tpu.memory_space<semaphore_mem>>) src(%dma_wait3A_82 : memref<80xi32, #tpu.memory_space<hbm>>) dst(%arg12 : memref<80xi32, #tpu.memory_space<vmem>>)
          tpu.yield
        }) : () -> ()
        %dma_start3A_76 = arith.constant 0 : i32
        %dma_start3A_77 = arith.constant 0 : i32
        %dma_start3A_78 = tpu.memref_slice %arg2[%dma_start3A_76, %dma_start3A_77] : memref<10240x128xf32, #tpu.memory_space<hbm>> -> memref<10240x128xf32, #tpu.memory_space<hbm>>
        tpu.enqueue_indirect_dma source(%dma_start3A_78 : memref<10240x128xf32, #tpu.memory_space<hbm>>) target(%arg14 : memref<80x128xf32, #tpu.memory_space<vmem>>) offsets(%arg10 : memref<80xi32, #tpu.memory_space<vmem>>) semaphore(%arg17 : memref<!tpu.dma_semaphore, #tpu.memory_space<semaphore_mem>>)
      }
      %scan3A_35 = arith.constant 125 : i32
      %dma_wait3A = arith.constant 0 : i32
      %dma_wait3A_36 = arith.constant 0 : i32
      %dma_wait3A_37 = tpu.memref_slice %arg2[%dma_wait3A, %dma_wait3A_36] : memref<10240x128xf32, #tpu.memory_space<hbm>> -> memref<10240x128xf32, #tpu.memory_space<hbm>>
      tpu.wait_indirect_dma semaphore(%arg16 : memref<!tpu.dma_semaphore, #tpu.memory_space<semaphore_mem>>) src(%dma_wait3A_37 : memref<10240x128xf32, #tpu.memory_space<hbm>>) dst(%arg13 : memref<80x128xf32, #tpu.memory_space<vmem>>)
      %dma_wait3A_38 = arith.constant 0 : i32
      %dma_wait3A_39 = arith.constant 0 : i32
      %dma_wait3A_40 = tpu.memref_slice %arg2[%dma_wait3A_38, %dma_wait3A_39] : memref<10240x128xf32, #tpu.memory_space<hbm>> -> memref<10240x128xf32, #tpu.memory_space<hbm>>
      tpu.wait_indirect_dma semaphore(%arg17 : memref<!tpu.dma_semaphore, #tpu.memory_space<semaphore_mem>>) src(%dma_wait3A_40 : memref<10240x128xf32, #tpu.memory_space<hbm>>) dst(%arg14 : memref<80x128xf32, #tpu.memory_space<vmem>>)
    } else {
    }
    %eq3A_3 = arith.constant 1 : i32
    %eq3A_4 = arith.cmpi eq, %arg0, %eq3A_3 : i32
    %convert_element_type3A_5 = arith.extui %eq3A_4 : i1 to i32
    %cond3A_6 = arith.constant 0 : i32
    %cond3A_7 = arith.cmpi ne, %convert_element_type3A_5, %cond3A_6 : i32
    scf.if %cond3A_7 {
      %mul3A_19 = arith.constant 20000 : i32
      %mul3A_20 = arith.muli %arg1, %mul3A_19 : i32
      %add3A = arith.constant 0 : i32
      %add3A_21 = arith.addi %mul3A_20, %add3A : i32
      "tpu.region"() ({
        %run_scoped3A = tpu.sem_alloc : memref<!tpu.dma_semaphore, #tpu.memory_space<semaphore_mem>>
        %dma_start3A_41 = tpu.memref_slice %arg4[%add3A_21] : memref<320000xi32, #tpu.memory_space<hbm>> -> memref<80xi32, #tpu.memory_space<hbm>>
        %dma_start3A_42 = tpu.memref_slice %arg4[%add3A_21] : memref<320000xi32, #tpu.memory_space<hbm>> -> memref<80xi32, #tpu.memory_space<hbm>>
        tpu.enqueue_dma source(%dma_start3A_42 : memref<80xi32, #tpu.memory_space<hbm>>) target(%arg9 : memref<80xi32, #tpu.memory_space<vmem>>) target_semaphore(%run_scoped3A : memref<!tpu.dma_semaphore, #tpu.memory_space<semaphore_mem>>)
        %dma_wait3A_43 = tpu.memref_slice %arg4[%add3A_21] : memref<320000xi32, #tpu.memory_space<hbm>> -> memref<80xi32, #tpu.memory_space<hbm>>
        %dma_wait3A_44 = tpu.memref_slice %arg4[%add3A_21] : memref<320000xi32, #tpu.memory_space<hbm>> -> memref<80xi32, #tpu.memory_space<hbm>>
        tpu.wait_dma2 semaphore(%run_scoped3A : memref<!tpu.dma_semaphore, #tpu.memory_space<semaphore_mem>>) src(%dma_wait3A_44 : memref<80xi32, #tpu.memory_space<hbm>>) dst(%arg9 : memref<80xi32, #tpu.memory_space<vmem>>)
        tpu.yield
      }) : () -> ()
      "tpu.region"() ({
        %run_scoped3A = tpu.sem_alloc : memref<!tpu.dma_semaphore, #tpu.memory_space<semaphore_mem>>
        %dma_start3A_41 = tpu.memref_slice %arg5[%add3A_21] : memref<320000xi32, #tpu.memory_space<hbm>> -> memref<80xi32, #tpu.memory_space<hbm>>
        %dma_start3A_42 = tpu.memref_slice %arg5[%add3A_21] : memref<320000xi32, #tpu.memory_space<hbm>> -> memref<80xi32, #tpu.memory_space<hbm>>
        tpu.enqueue_dma source(%dma_start3A_42 : memref<80xi32, #tpu.memory_space<hbm>>) target(%arg11 : memref<80xi32, #tpu.memory_space<vmem>>) target_semaphore(%run_scoped3A : memref<!tpu.dma_semaphore, #tpu.memory_space<semaphore_mem>>)
        %dma_wait3A_43 = tpu.memref_slice %arg5[%add3A_21] : memref<320000xi32, #tpu.memory_space<hbm>> -> memref<80xi32, #tpu.memory_space<hbm>>
        %dma_wait3A_44 = tpu.memref_slice %arg5[%add3A_21] : memref<320000xi32, #tpu.memory_space<hbm>> -> memref<80xi32, #tpu.memory_space<hbm>>
        tpu.wait_dma2 semaphore(%run_scoped3A : memref<!tpu.dma_semaphore, #tpu.memory_space<semaphore_mem>>) src(%dma_wait3A_44 : memref<80xi32, #tpu.memory_space<hbm>>) dst(%arg11 : memref<80xi32, #tpu.memory_space<vmem>>)
        tpu.yield
      }) : () -> ()
      %dma_start3A = arith.constant 0 : i32
      %dma_start3A_22 = arith.constant 0 : i32
      %dma_start3A_23 = tpu.memref_slice %arg3[%dma_start3A, %dma_start3A_22] : memref<10240x128xf32, #tpu.memory_space<hbm>> -> memref<10240x128xf32, #tpu.memory_space<hbm>>
      tpu.enqueue_indirect_dma source(%dma_start3A_23 : memref<10240x128xf32, #tpu.memory_space<hbm>>) target(%arg13 : memref<80x128xf32, #tpu.memory_space<vmem>>) offsets(%arg9 : memref<80xi32, #tpu.memory_space<vmem>>) semaphore(%arg16 : memref<!tpu.dma_semaphore, #tpu.memory_space<semaphore_mem>>)
      %mul3A_24 = arith.constant 20000 : i32
      %mul3A_25 = arith.muli %arg1, %mul3A_24 : i32
      %add3A_26 = arith.constant 80 : i32
      %add3A_27 = arith.addi %mul3A_25, %add3A_26 : i32
      "tpu.region"() ({
        %run_scoped3A = tpu.sem_alloc : memref<!tpu.dma_semaphore, #tpu.memory_space<semaphore_mem>>
        %dma_start3A_41 = tpu.memref_slice %arg4[%add3A_27] : memref<320000xi32, #tpu.memory_space<hbm>> -> memref<80xi32, #tpu.memory_space<hbm>>
        %dma_start3A_42 = tpu.memref_slice %arg4[%add3A_27] : memref<320000xi32, #tpu.memory_space<hbm>> -> memref<80xi32, #tpu.memory_space<hbm>>
        tpu.enqueue_dma source(%dma_start3A_42 : memref<80xi32, #tpu.memory_space<hbm>>) target(%arg10 : memref<80xi32, #tpu.memory_space<vmem>>) target_semaphore(%run_scoped3A : memref<!tpu.dma_semaphore, #tpu.memory_space<semaphore_mem>>)
        %dma_wait3A_43 = tpu.memref_slice %arg4[%add3A_27] : memref<320000xi32, #tpu.memory_space<hbm>> -> memref<80xi32, #tpu.memory_space<hbm>>
        %dma_wait3A_44 = tpu.memref_slice %arg4[%add3A_27] : memref<320000xi32, #tpu.memory_space<hbm>> -> memref<80xi32, #tpu.memory_space<hbm>>
        tpu.wait_dma2 semaphore(%run_scoped3A : memref<!tpu.dma_semaphore, #tpu.memory_space<semaphore_mem>>) src(%dma_wait3A_44 : memref<80xi32, #tpu.memory_space<hbm>>) dst(%arg10 : memref<80xi32, #tpu.memory_space<vmem>>)
        tpu.yield
      }) : () -> ()
      "tpu.region"() ({
        %run_scoped3A = tpu.sem_alloc : memref<!tpu.dma_semaphore, #tpu.memory_space<semaphore_mem>>
        %dma_start3A_41 = tpu.memref_slice %arg5[%add3A_27] : memref<320000xi32, #tpu.memory_space<hbm>> -> memref<80xi32, #tpu.memory_space<hbm>>
        %dma_start3A_42 = tpu.memref_slice %arg5[%add3A_27] : memref<320000xi32, #tpu.memory_space<hbm>> -> memref<80xi32, #tpu.memory_space<hbm>>
        tpu.enqueue_dma source(%dma_start3A_42 : memref<80xi32, #tpu.memory_space<hbm>>) target(%arg12 : memref<80xi32, #tpu.memory_space<vmem>>) target_semaphore(%run_scoped3A : memref<!tpu.dma_semaphore, #tpu.memory_space<semaphore_mem>>)
        %dma_wait3A_43 = tpu.memref_slice %arg5[%add3A_27] : memref<320000xi32, #tpu.memory_space<hbm>> -> memref<80xi32, #tpu.memory_space<hbm>>
        %dma_wait3A_44 = tpu.memref_slice %arg5[%add3A_27] : memref<320000xi32, #tpu.memory_space<hbm>> -> memref<80xi32, #tpu.memory_space<hbm>>
        tpu.wait_dma2 semaphore(%run_scoped3A : memref<!tpu.dma_semaphore, #tpu.memory_space<semaphore_mem>>) src(%dma_wait3A_44 : memref<80xi32, #tpu.memory_space<hbm>>) dst(%arg12 : memref<80xi32, #tpu.memory_space<vmem>>)
        tpu.yield
      }) : () -> ()
      %dma_start3A_28 = arith.constant 0 : i32
      %dma_start3A_29 = arith.constant 0 : i32
      %dma_start3A_30 = tpu.memref_slice %arg3[%dma_start3A_28, %dma_start3A_29] : memref<10240x128xf32, #tpu.memory_space<hbm>> -> memref<10240x128xf32, #tpu.memory_space<hbm>>
      tpu.enqueue_indirect_dma source(%dma_start3A_30 : memref<10240x128xf32, #tpu.memory_space<hbm>>) target(%arg14 : memref<80x128xf32, #tpu.memory_space<vmem>>) offsets(%arg10 : memref<80xi32, #tpu.memory_space<vmem>>) semaphore(%arg17 : memref<!tpu.dma_semaphore, #tpu.memory_space<semaphore_mem>>)
      %scan3A = arith.constant 0 : i32
      %scan3A_31 = arith.constant 0 : i32
      %scan3A_32 = arith.constant 125 : i32
      %scan3A_33 = arith.addi %scan3A_31, %scan3A_32 : i32
      %scan3A_34 = arith.constant 1 : i32
      scf.for %scan3A_41 = %scan3A_31 to %scan3A_33 step %scan3A_34  : i32 {
        %mul3A_42 = arith.constant 2 : i32
        %mul3A_43 = arith.muli %mul3A_42, %scan3A_41 : i32
        %add3A_44 = arith.constant 0 : i32
        %add3A_45 = arith.addi %mul3A_43, %add3A_44 : i32
        %dma_wait3A_46 = arith.constant 0 : i32
        %dma_wait3A_47 = arith.constant 0 : i32
        %dma_wait3A_48 = tpu.memref_slice %arg3[%dma_wait3A_46, %dma_wait3A_47] : memref<10240x128xf32, #tpu.memory_space<hbm>> -> memref<10240x128xf32, #tpu.memory_space<hbm>>
        tpu.wait_indirect_dma semaphore(%arg16 : memref<!tpu.dma_semaphore, #tpu.memory_space<semaphore_mem>>) src(%dma_wait3A_48 : memref<10240x128xf32, #tpu.memory_space<hbm>>) dst(%arg13 : memref<80x128xf32, #tpu.memory_space<vmem>>)
        "tpu.region"() ({
          %run_scoped3A = tpu.sem_alloc : memref<!tpu.dma_semaphore, #tpu.memory_space<semaphore_mem>>
          %dma_start3A_79 = arith.constant 0 : i32
          %dma_start3A_80 = arith.constant 0 : i32
          %dma_start3A_81 = tpu.memref_slice %arg15[%dma_start3A_79, %dma_start3A_80] : memref<10240x128xf32, #tpu.memory_space<vmem_shared>> -> memref<10240x128xf32, #tpu.memory_space<vmem_shared>>
          tpu.enqueue_indirect_dma source(%arg13 : memref<80x128xf32, #tpu.memory_space<vmem>>) target(%dma_start3A_81 : memref<10240x128xf32, #tpu.memory_space<vmem_shared>>) offsets(%arg11 : memref<80xi32, #tpu.memory_space<vmem>>) semaphore(%run_scoped3A : memref<!tpu.dma_semaphore, #tpu.memory_space<semaphore_mem>>) {add = true}
          %dma_wait3A_82 = arith.constant 0 : i32
          %dma_wait3A_83 = arith.constant 0 : i32
          %dma_wait3A_84 = tpu.memref_slice %arg15[%dma_wait3A_82, %dma_wait3A_83] : memref<10240x128xf32, #tpu.memory_space<vmem_shared>> -> memref<10240x128xf32, #tpu.memory_space<vmem_shared>>
          tpu.wait_indirect_dma semaphore(%run_scoped3A : memref<!tpu.dma_semaphore, #tpu.memory_space<semaphore_mem>>) src(%arg13 : memref<80x128xf32, #tpu.memory_space<vmem>>) dst(%dma_wait3A_84 : memref<10240x128xf32, #tpu.memory_space<vmem_shared>>)
          tpu.yield
        }) : () -> ()
        %add3A_49 = arith.constant 2 : i32
        %add3A_50 = arith.addi %add3A_45, %add3A_49 : i32
        %rem3A = arith.constant 250 : i32
        %rem3A_51 = arith.remsi %add3A_50, %rem3A : i32
        %mul3A_52 = arith.constant 20000 : i32
        %mul3A_53 = arith.muli %arg1, %mul3A_52 : i32
        %mul3A_54 = arith.constant 80 : i32
        %mul3A_55 = arith.muli %rem3A_51, %mul3A_54 : i32
        %add3A_56 = arith.addi %mul3A_53, %mul3A_55 : i32
        "tpu.region"() ({
          %run_scoped3A = tpu.sem_alloc : memref<!tpu.dma_semaphore, #tpu.memory_space<semaphore_mem>>
          %dma_start3A_79 = tpu.memref_slice %arg4[%add3A_56] : memref<320000xi32, #tpu.memory_space<hbm>> -> memref<80xi32, #tpu.memory_space<hbm>>
          %dma_start3A_80 = tpu.memref_slice %arg4[%add3A_56] : memref<320000xi32, #tpu.memory_space<hbm>> -> memref<80xi32, #tpu.memory_space<hbm>>
          tpu.enqueue_dma source(%dma_start3A_80 : memref<80xi32, #tpu.memory_space<hbm>>) target(%arg9 : memref<80xi32, #tpu.memory_space<vmem>>) target_semaphore(%run_scoped3A : memref<!tpu.dma_semaphore, #tpu.memory_space<semaphore_mem>>)
          %dma_wait3A_81 = tpu.memref_slice %arg4[%add3A_56] : memref<320000xi32, #tpu.memory_space<hbm>> -> memref<80xi32, #tpu.memory_space<hbm>>
          %dma_wait3A_82 = tpu.memref_slice %arg4[%add3A_56] : memref<320000xi32, #tpu.memory_space<hbm>> -> memref<80xi32, #tpu.memory_space<hbm>>
          tpu.wait_dma2 semaphore(%run_scoped3A : memref<!tpu.dma_semaphore, #tpu.memory_space<semaphore_mem>>) src(%dma_wait3A_82 : memref<80xi32, #tpu.memory_space<hbm>>) dst(%arg9 : memref<80xi32, #tpu.memory_space<vmem>>)
          tpu.yield
        }) : () -> ()
        "tpu.region"() ({
          %run_scoped3A = tpu.sem_alloc : memref<!tpu.dma_semaphore, #tpu.memory_space<semaphore_mem>>
          %dma_start3A_79 = tpu.memref_slice %arg5[%add3A_56] : memref<320000xi32, #tpu.memory_space<hbm>> -> memref<80xi32, #tpu.memory_space<hbm>>
          %dma_start3A_80 = tpu.memref_slice %arg5[%add3A_56] : memref<320000xi32, #tpu.memory_space<hbm>> -> memref<80xi32, #tpu.memory_space<hbm>>
          tpu.enqueue_dma source(%dma_start3A_80 : memref<80xi32, #tpu.memory_space<hbm>>) target(%arg11 : memref<80xi32, #tpu.memory_space<vmem>>) target_semaphore(%run_scoped3A : memref<!tpu.dma_semaphore, #tpu.memory_space<semaphore_mem>>)
          %dma_wait3A_81 = tpu.memref_slice %arg5[%add3A_56] : memref<320000xi32, #tpu.memory_space<hbm>> -> memref<80xi32, #tpu.memory_space<hbm>>
          %dma_wait3A_82 = tpu.memref_slice %arg5[%add3A_56] : memref<320000xi32, #tpu.memory_space<hbm>> -> memref<80xi32, #tpu.memory_space<hbm>>
          tpu.wait_dma2 semaphore(%run_scoped3A : memref<!tpu.dma_semaphore, #tpu.memory_space<semaphore_mem>>) src(%dma_wait3A_82 : memref<80xi32, #tpu.memory_space<hbm>>) dst(%arg11 : memref<80xi32, #tpu.memory_space<vmem>>)
          tpu.yield
        }) : () -> ()
        %dma_start3A_57 = arith.constant 0 : i32
        %dma_start3A_58 = arith.constant 0 : i32
        %dma_start3A_59 = tpu.memref_slice %arg3[%dma_start3A_57, %dma_start3A_58] : memref<10240x128xf32, #tpu.memory_space<hbm>> -> memref<10240x128xf32, #tpu.memory_space<hbm>>
        tpu.enqueue_indirect_dma source(%dma_start3A_59 : memref<10240x128xf32, #tpu.memory_space<hbm>>) target(%arg13 : memref<80x128xf32, #tpu.memory_space<vmem>>) offsets(%arg9 : memref<80xi32, #tpu.memory_space<vmem>>) semaphore(%arg16 : memref<!tpu.dma_semaphore, #tpu.memory_space<semaphore_mem>>)
        %mul3A_60 = arith.constant 2 : i32
        %mul3A_61 = arith.muli %mul3A_60, %scan3A_41 : i32
        %add3A_62 = arith.constant 1 : i32
        %add3A_63 = arith.addi %mul3A_61, %add3A_62 : i32
        %dma_wait3A_64 = arith.constant 0 : i32
        %dma_wait3A_65 = arith.constant 0 : i32
        %dma_wait3A_66 = tpu.memref_slice %arg3[%dma_wait3A_64, %dma_wait3A_65] : memref<10240x128xf32, #tpu.memory_space<hbm>> -> memref<10240x128xf32, #tpu.memory_space<hbm>>
        tpu.wait_indirect_dma semaphore(%arg17 : memref<!tpu.dma_semaphore, #tpu.memory_space<semaphore_mem>>) src(%dma_wait3A_66 : memref<10240x128xf32, #tpu.memory_space<hbm>>) dst(%arg14 : memref<80x128xf32, #tpu.memory_space<vmem>>)
        "tpu.region"() ({
          %run_scoped3A = tpu.sem_alloc : memref<!tpu.dma_semaphore, #tpu.memory_space<semaphore_mem>>
          %dma_start3A_79 = arith.constant 0 : i32
          %dma_start3A_80 = arith.constant 0 : i32
          %dma_start3A_81 = tpu.memref_slice %arg15[%dma_start3A_79, %dma_start3A_80] : memref<10240x128xf32, #tpu.memory_space<vmem_shared>> -> memref<10240x128xf32, #tpu.memory_space<vmem_shared>>
          tpu.enqueue_indirect_dma source(%arg14 : memref<80x128xf32, #tpu.memory_space<vmem>>) target(%dma_start3A_81 : memref<10240x128xf32, #tpu.memory_space<vmem_shared>>) offsets(%arg12 : memref<80xi32, #tpu.memory_space<vmem>>) semaphore(%run_scoped3A : memref<!tpu.dma_semaphore, #tpu.memory_space<semaphore_mem>>) {add = true}
          %dma_wait3A_82 = arith.constant 0 : i32
          %dma_wait3A_83 = arith.constant 0 : i32
          %dma_wait3A_84 = tpu.memref_slice %arg15[%dma_wait3A_82, %dma_wait3A_83] : memref<10240x128xf32, #tpu.memory_space<vmem_shared>> -> memref<10240x128xf32, #tpu.memory_space<vmem_shared>>
          tpu.wait_indirect_dma semaphore(%run_scoped3A : memref<!tpu.dma_semaphore, #tpu.memory_space<semaphore_mem>>) src(%arg14 : memref<80x128xf32, #tpu.memory_space<vmem>>) dst(%dma_wait3A_84 : memref<10240x128xf32, #tpu.memory_space<vmem_shared>>)
          tpu.yield
        }) : () -> ()
        %add3A_67 = arith.constant 2 : i32
        %add3A_68 = arith.addi %add3A_63, %add3A_67 : i32
        %rem3A_69 = arith.constant 250 : i32
        %rem3A_70 = arith.remsi %add3A_68, %rem3A_69 : i32
        %mul3A_71 = arith.constant 20000 : i32
        %mul3A_72 = arith.muli %arg1, %mul3A_71 : i32
        %mul3A_73 = arith.constant 80 : i32
        %mul3A_74 = arith.muli %rem3A_70, %mul3A_73 : i32
        %add3A_75 = arith.addi %mul3A_72, %mul3A_74 : i32
        "tpu.region"() ({
          %run_scoped3A = tpu.sem_alloc : memref<!tpu.dma_semaphore, #tpu.memory_space<semaphore_mem>>
          %dma_start3A_79 = tpu.memref_slice %arg4[%add3A_75] : memref<320000xi32, #tpu.memory_space<hbm>> -> memref<80xi32, #tpu.memory_space<hbm>>
          %dma_start3A_80 = tpu.memref_slice %arg4[%add3A_75] : memref<320000xi32, #tpu.memory_space<hbm>> -> memref<80xi32, #tpu.memory_space<hbm>>
          tpu.enqueue_dma source(%dma_start3A_80 : memref<80xi32, #tpu.memory_space<hbm>>) target(%arg10 : memref<80xi32, #tpu.memory_space<vmem>>) target_semaphore(%run_scoped3A : memref<!tpu.dma_semaphore, #tpu.memory_space<semaphore_mem>>)
          %dma_wait3A_81 = tpu.memref_slice %arg4[%add3A_75] : memref<320000xi32, #tpu.memory_space<hbm>> -> memref<80xi32, #tpu.memory_space<hbm>>
          %dma_wait3A_82 = tpu.memref_slice %arg4[%add3A_75] : memref<320000xi32, #tpu.memory_space<hbm>> -> memref<80xi32, #tpu.memory_space<hbm>>
          tpu.wait_dma2 semaphore(%run_scoped3A : memref<!tpu.dma_semaphore, #tpu.memory_space<semaphore_mem>>) src(%dma_wait3A_82 : memref<80xi32, #tpu.memory_space<hbm>>) dst(%arg10 : memref<80xi32, #tpu.memory_space<vmem>>)
          tpu.yield
        }) : () -> ()
        "tpu.region"() ({
          %run_scoped3A = tpu.sem_alloc : memref<!tpu.dma_semaphore, #tpu.memory_space<semaphore_mem>>
          %dma_start3A_79 = tpu.memref_slice %arg5[%add3A_75] : memref<320000xi32, #tpu.memory_space<hbm>> -> memref<80xi32, #tpu.memory_space<hbm>>
          %dma_start3A_80 = tpu.memref_slice %arg5[%add3A_75] : memref<320000xi32, #tpu.memory_space<hbm>> -> memref<80xi32, #tpu.memory_space<hbm>>
          tpu.enqueue_dma source(%dma_start3A_80 : memref<80xi32, #tpu.memory_space<hbm>>) target(%arg12 : memref<80xi32, #tpu.memory_space<vmem>>) target_semaphore(%run_scoped3A : memref<!tpu.dma_semaphore, #tpu.memory_space<semaphore_mem>>)
          %dma_wait3A_81 = tpu.memref_slice %arg5[%add3A_75] : memref<320000xi32, #tpu.memory_space<hbm>> -> memref<80xi32, #tpu.memory_space<hbm>>
          %dma_wait3A_82 = tpu.memref_slice %arg5[%add3A_75] : memref<320000xi32, #tpu.memory_space<hbm>> -> memref<80xi32, #tpu.memory_space<hbm>>
          tpu.wait_dma2 semaphore(%run_scoped3A : memref<!tpu.dma_semaphore, #tpu.memory_space<semaphore_mem>>) src(%dma_wait3A_82 : memref<80xi32, #tpu.memory_space<hbm>>) dst(%arg12 : memref<80xi32, #tpu.memory_space<vmem>>)
          tpu.yield
        }) : () -> ()
        %dma_start3A_76 = arith.constant 0 : i32
        %dma_start3A_77 = arith.constant 0 : i32
        %dma_start3A_78 = tpu.memref_slice %arg3[%dma_start3A_76, %dma_start3A_77] : memref<10240x128xf32, #tpu.memory_space<hbm>> -> memref<10240x128xf32, #tpu.memory_space<hbm>>
        tpu.enqueue_indirect_dma source(%dma_start3A_78 : memref<10240x128xf32, #tpu.memory_space<hbm>>) target(%arg14 : memref<80x128xf32, #tpu.memory_space<vmem>>) offsets(%arg10 : memref<80xi32, #tpu.memory_space<vmem>>) semaphore(%arg17 : memref<!tpu.dma_semaphore, #tpu.memory_space<semaphore_mem>>)
      }
      %scan3A_35 = arith.constant 125 : i32
      %dma_wait3A = arith.constant 0 : i32
      %dma_wait3A_36 = arith.constant 0 : i32
      %dma_wait3A_37 = tpu.memref_slice %arg3[%dma_wait3A, %dma_wait3A_36] : memref<10240x128xf32, #tpu.memory_space<hbm>> -> memref<10240x128xf32, #tpu.memory_space<hbm>>
      tpu.wait_indirect_dma semaphore(%arg16 : memref<!tpu.dma_semaphore, #tpu.memory_space<semaphore_mem>>) src(%dma_wait3A_37 : memref<10240x128xf32, #tpu.memory_space<hbm>>) dst(%arg13 : memref<80x128xf32, #tpu.memory_space<vmem>>)
      %dma_wait3A_38 = arith.constant 0 : i32
      %dma_wait3A_39 = arith.constant 0 : i32
      %dma_wait3A_40 = tpu.memref_slice %arg3[%dma_wait3A_38, %dma_wait3A_39] : memref<10240x128xf32, #tpu.memory_space<hbm>> -> memref<10240x128xf32, #tpu.memory_space<hbm>>
      tpu.wait_indirect_dma semaphore(%arg17 : memref<!tpu.dma_semaphore, #tpu.memory_space<semaphore_mem>>) src(%dma_wait3A_40 : memref<10240x128xf32, #tpu.memory_space<hbm>>) dst(%arg14 : memref<80x128xf32, #tpu.memory_space<vmem>>)
    } else {
    }
    %barrier3A_8 = arith.constant 0 : index
    tpu.barrier barrier_id(%barrier3A_8)
    %eq3A_9 = arith.constant 0 : i32
    %eq3A_10 = arith.cmpi eq, %arg0, %eq3A_9 : i32
    %convert_element_type3A_11 = arith.extui %eq3A_10 : i1 to i32
    %cond3A_12 = arith.constant 0 : i32
    %cond3A_13 = arith.cmpi ne, %convert_element_type3A_11, %cond3A_12 : i32
    scf.if %cond3A_13 {
      "tpu.region"() ({
        %run_scoped3A = tpu.sem_alloc : memref<!tpu.dma_semaphore, #tpu.memory_space<semaphore_mem>>
        %dma_start3A = arith.constant 0 : i32
        %dma_start3A_19 = tpu.memref_slice %arg7[%mul3A_0, %dma_start3A] : memref<10240x128xf32, #tpu.memory_space<hbm>> -> memref<640x128xf32, #tpu.memory_space<hbm>>
        %dma_start3A_20 = arith.constant 0 : i32
        %dma_start3A_21 = tpu.memref_slice %arg15[%mul3A_0, %dma_start3A_20] : memref<10240x128xf32, #tpu.memory_space<vmem_shared>> -> memref<640x128xf32, #tpu.memory_space<vmem_shared>>
        tpu.enqueue_dma source(%dma_start3A_21 : memref<640x128xf32, #tpu.memory_space<vmem_shared>>) target(%dma_start3A_19 : memref<640x128xf32, #tpu.memory_space<hbm>>) target_semaphore(%run_scoped3A : memref<!tpu.dma_semaphore, #tpu.memory_space<semaphore_mem>>)
        %dma_wait3A = arith.constant 0 : i32
        %dma_wait3A_22 = tpu.memref_slice %arg7[%mul3A_0, %dma_wait3A] : memref<10240x128xf32, #tpu.memory_space<hbm>> -> memref<640x128xf32, #tpu.memory_space<hbm>>
        %dma_wait3A_23 = arith.constant 0 : i32
        %dma_wait3A_24 = tpu.memref_slice %arg15[%mul3A_0, %dma_wait3A_23] : memref<10240x128xf32, #tpu.memory_space<vmem_shared>> -> memref<640x128xf32, #tpu.memory_space<vmem_shared>>
        tpu.wait_dma2 semaphore(%run_scoped3A : memref<!tpu.dma_semaphore, #tpu.memory_space<semaphore_mem>>) src(%dma_wait3A_24 : memref<640x128xf32, #tpu.memory_space<vmem_shared>>) dst(%dma_wait3A_22 : memref<640x128xf32, #tpu.memory_space<hbm>>)
        tpu.yield
      }) : () -> ()
    } else {
    }
    %eq3A_14 = arith.constant 1 : i32
    %eq3A_15 = arith.cmpi eq, %arg0, %eq3A_14 : i32
    %convert_element_type3A_16 = arith.extui %eq3A_15 : i1 to i32
    %cond3A_17 = arith.constant 0 : i32
    %cond3A_18 = arith.cmpi ne, %convert_element_type3A_16, %cond3A_17 : i32
    scf.if %cond3A_18 {
      "tpu.region"() ({
        %run_scoped3A = tpu.sem_alloc : memref<!tpu.dma_semaphore, #tpu.memory_space<semaphore_mem>>
        %dma_start3A = arith.constant 0 : i32
        %dma_start3A_19 = tpu.memref_slice %arg8[%mul3A_0, %dma_start3A] : memref<10240x128xf32, #tpu.memory_space<hbm>> -> memref<640x128xf32, #tpu.memory_space<hbm>>
        %dma_start3A_20 = arith.constant 0 : i32
        %dma_start3A_21 = tpu.memref_slice %arg15[%mul3A_0, %dma_start3A_20] : memref<10240x128xf32, #tpu.memory_space<vmem_shared>> -> memref<640x128xf32, #tpu.memory_space<vmem_shared>>
        tpu.enqueue_dma source(%dma_start3A_21 : memref<640x128xf32, #tpu.memory_space<vmem_shared>>) target(%dma_start3A_19 : memref<640x128xf32, #tpu.memory_space<hbm>>) target_semaphore(%run_scoped3A : memref<!tpu.dma_semaphore, #tpu.memory_space<semaphore_mem>>)
        %dma_wait3A = arith.constant 0 : i32
        %dma_wait3A_22 = tpu.memref_slice %arg8[%mul3A_0, %dma_wait3A] : memref<10240x128xf32, #tpu.memory_space<hbm>> -> memref<640x128xf32, #tpu.memory_space<hbm>>
        %dma_wait3A_23 = arith.constant 0 : i32
        %dma_wait3A_24 = tpu.memref_slice %arg15[%mul3A_0, %dma_wait3A_23] : memref<10240x128xf32, #tpu.memory_space<vmem_shared>> -> memref<640x128xf32, #tpu.memory_space<vmem_shared>>
        tpu.wait_dma2 semaphore(%run_scoped3A : memref<!tpu.dma_semaphore, #tpu.memory_space<semaphore_mem>>) src(%dma_wait3A_24 : memref<640x128xf32, #tpu.memory_space<vmem_shared>>) dst(%dma_wait3A_22 : memref<640x128xf32, #tpu.memory_space<hbm>>)
        tpu.yield
      }) : () -> ()
    } else {
    }
    return
  }
}

#map = affine_map<(d0, d1) -> (0)>
#map1 = affine_map<(d0, d1) -> (0, 0)>
module attributes {stable_mosaic.version = 14 : i64} {
  func.func @k(%arg0: i32, %arg1: i32, %arg2: memref<320000xi32, #tpu.memory_space<hbm>>, %arg3: memref<640x16xf32, #tpu.memory_space<hbm>>, %arg4: memref<10240x16xf32, #tpu.memory_space<hbm>>, %arg5: memref<10240x16xf32, #tpu.memory_space<hbm>>, %arg6: memref<80xi32, #tpu.memory_space<vmem>>, %arg7: memref<80x16xf32, #tpu.memory_space<vmem>>, %arg8: memref<10240x16xf32, #tpu.memory_space<vmem_shared>>) attributes {dimension_semantics = [#tpu.dimension_semantics<core_parallel>, #tpu.dimension_semantics<subcore_parallel>], iteration_bounds = array<i64: 2, 16>, scalar_prefetch = 0 : i64, scratch_operands = 3 : i64, tpu.core_type = #tpu.core_type<sc_vector_subcore>, window_params = [{transform_indices = #map}, {transform_indices = #map1}, {transform_indices = #map1}, {transform_indices = #map1}]} {
    %mul3A = arith.constant 640 : i32
    %mul3A_0 = arith.muli %arg1, %mul3A : i32
    "tpu.region"() ({
      %run_scoped3A = tpu.sem_alloc : memref<!tpu.dma_semaphore, #tpu.memory_space<semaphore_mem>>
      %dma_start3A = arith.constant 0 : i32
      %dma_start3A_24 = tpu.memref_slice %arg8[%mul3A_0, %dma_start3A] : memref<10240x16xf32, #tpu.memory_space<vmem_shared>> -> memref<640x16xf32, #tpu.memory_space<vmem_shared>>
      tpu.enqueue_dma source(%arg3 : memref<640x16xf32, #tpu.memory_space<hbm>>) target(%dma_start3A_24 : memref<640x16xf32, #tpu.memory_space<vmem_shared>>) target_semaphore(%run_scoped3A : memref<!tpu.dma_semaphore, #tpu.memory_space<semaphore_mem>>)
      %dma_wait3A = arith.constant 0 : i32
      %dma_wait3A_25 = tpu.memref_slice %arg8[%mul3A_0, %dma_wait3A] : memref<10240x16xf32, #tpu.memory_space<vmem_shared>> -> memref<640x16xf32, #tpu.memory_space<vmem_shared>>
      tpu.wait_dma2 semaphore(%run_scoped3A : memref<!tpu.dma_semaphore, #tpu.memory_space<semaphore_mem>>) src(%arg3 : memref<640x16xf32, #tpu.memory_space<hbm>>) dst(%dma_wait3A_25 : memref<640x16xf32, #tpu.memory_space<vmem_shared>>)
      tpu.yield
    }) : () -> ()
    %scan3A = arith.constant 0 : i32
    %scan3A_1 = arith.constant 0 : i32
    %scan3A_2 = arith.constant 80 : i32
    %scan3A_3 = arith.addi %scan3A_1, %scan3A_2 : i32
    %scan3A_4 = arith.constant 1 : i32
    scf.for %scan3A_24 = %scan3A_1 to %scan3A_3 step %scan3A_4  : i32 {
      %broadcast_in_dim3A = arith.constant 1.000000e+00 : f32
      %broadcast_in_dim3A_25 = vector.broadcast %broadcast_in_dim3A : f32 to vector<16xf32>
      %swap3A = arith.index_cast %scan3A_24 : i32 to index
      %swap3A_26 = arith.constant 0 : index
      %swap3A_27 = tpu.vector_load %arg7[%swap3A, %swap3A_26] {strides = array<i32>} : memref<80x16xf32, #tpu.memory_space<vmem>>, vector<1x16xf32>,
      %swap3A_28 = vector.shape_cast %swap3A_27 : vector<1x16xf32> to vector<16xf32>
      %swap3A_29 = vector.shape_cast %broadcast_in_dim3A_25 : vector<16xf32> to vector<1x16xf32>
      tpu.vector_store %arg7[%swap3A, %swap3A_26], %swap3A_29 {strides = array<i32>} : memref<80x16xf32, #tpu.memory_space<vmem>>, vector<1x16xf32>,
    }
    %scan3A_5 = arith.constant 80 : i32
    %barrier3A = arith.constant 0 : index
    tpu.barrier barrier_id(%barrier3A)
    %mul3A_6 = arith.constant 160000 : i32
    %mul3A_7 = arith.muli %arg0, %mul3A_6 : i32
    %mul3A_8 = arith.constant 10000 : i32
    %mul3A_9 = arith.muli %arg1, %mul3A_8 : i32
    %add3A = arith.addi %mul3A_7, %mul3A_9 : i32
    %scan3A_10 = arith.constant 0 : i32
    %scan3A_11 = arith.constant 0 : i32
    %scan3A_12 = arith.constant 125 : i32
    %scan3A_13 = arith.addi %scan3A_11, %scan3A_12 : i32
    %scan3A_14 = arith.constant 1 : i32
    scf.for %scan3A_24 = %scan3A_11 to %scan3A_13 step %scan3A_14  : i32 {
      %mul3A_25 = arith.constant 80 : i32
      %mul3A_26 = arith.muli %scan3A_24, %mul3A_25 : i32
      %add3A_27 = arith.addi %add3A, %mul3A_26 : i32
      "tpu.region"() ({
        %run_scoped3A = tpu.sem_alloc : memref<!tpu.dma_semaphore, #tpu.memory_space<semaphore_mem>>
        %dma_start3A = tpu.memref_slice %arg2[%add3A_27] : memref<320000xi32, #tpu.memory_space<hbm>> -> memref<80xi32, #tpu.memory_space<hbm>>
        %dma_start3A_28 = tpu.memref_slice %arg2[%add3A_27] : memref<320000xi32, #tpu.memory_space<hbm>> -> memref<80xi32, #tpu.memory_space<hbm>>
        tpu.enqueue_dma source(%dma_start3A_28 : memref<80xi32, #tpu.memory_space<hbm>>) target(%arg6 : memref<80xi32, #tpu.memory_space<vmem>>) target_semaphore(%run_scoped3A : memref<!tpu.dma_semaphore, #tpu.memory_space<semaphore_mem>>)
        %dma_wait3A = tpu.memref_slice %arg2[%add3A_27] : memref<320000xi32, #tpu.memory_space<hbm>> -> memref<80xi32, #tpu.memory_space<hbm>>
        %dma_wait3A_29 = tpu.memref_slice %arg2[%add3A_27] : memref<320000xi32, #tpu.memory_space<hbm>> -> memref<80xi32, #tpu.memory_space<hbm>>
        tpu.wait_dma2 semaphore(%run_scoped3A : memref<!tpu.dma_semaphore, #tpu.memory_space<semaphore_mem>>) src(%dma_wait3A_29 : memref<80xi32, #tpu.memory_space<hbm>>) dst(%arg6 : memref<80xi32, #tpu.memory_space<vmem>>)
        tpu.yield
      }) : () -> ()
      "tpu.region"() ({
        %run_scoped3A = tpu.sem_alloc : memref<!tpu.dma_semaphore, #tpu.memory_space<semaphore_mem>>
        %dma_start3A = arith.constant 0 : i32
        %dma_start3A_28 = arith.constant 0 : i32
        %dma_start3A_29 = tpu.memref_slice %arg8[%dma_start3A, %dma_start3A_28] : memref<10240x16xf32, #tpu.memory_space<vmem_shared>> -> memref<10240x16xf32, #tpu.memory_space<vmem_shared>>
        tpu.enqueue_indirect_dma source(%arg7 : memref<80x16xf32, #tpu.memory_space<vmem>>) target(%dma_start3A_29 : memref<10240x16xf32, #tpu.memory_space<vmem_shared>>) offsets(%arg6 : memref<80xi32, #tpu.memory_space<vmem>>) semaphore(%run_scoped3A : memref<!tpu.dma_semaphore, #tpu.memory_space<semaphore_mem>>) {add = true}
        %dma_wait3A = arith.constant 0 : i32
        %dma_wait3A_30 = arith.constant 0 : i32
        %dma_wait3A_31 = tpu.memref_slice %arg8[%dma_wait3A, %dma_wait3A_30] : memref<10240x16xf32, #tpu.memory_space<vmem_shared>> -> memref<10240x16xf32, #tpu.memory_space<vmem_shared>>
        tpu.wait_indirect_dma semaphore(%run_scoped3A : memref<!tpu.dma_semaphore, #tpu.memory_space<semaphore_mem>>) src(%arg7 : memref<80x16xf32, #tpu.memory_space<vmem>>) dst(%dma_wait3A_31 : memref<10240x16xf32, #tpu.memory_space<vmem_shared>>)
        tpu.yield
      }) : () -> ()
    }
    %scan3A_15 = arith.constant 125 : i32
    %barrier3A_16 = arith.constant 0 : index
    tpu.barrier barrier_id(%barrier3A_16)
    %eq3A = arith.constant 0 : i32
    %eq3A_17 = arith.cmpi eq, %arg0, %eq3A : i32
    %convert_element_type3A = arith.extui %eq3A_17 : i1 to i32
    %cond3A = arith.constant 0 : i32
    %cond3A_18 = arith.cmpi ne, %convert_element_type3A, %cond3A : i32
    scf.if %cond3A_18 {
      "tpu.region"() ({
        %run_scoped3A = tpu.sem_alloc : memref<!tpu.dma_semaphore, #tpu.memory_space<semaphore_mem>>
        %dma_start3A = arith.constant 0 : i32
        %dma_start3A_24 = tpu.memref_slice %arg4[%mul3A_0, %dma_start3A] : memref<10240x16xf32, #tpu.memory_space<hbm>> -> memref<640x16xf32, #tpu.memory_space<hbm>>
        %dma_start3A_25 = arith.constant 0 : i32
        %dma_start3A_26 = tpu.memref_slice %arg8[%mul3A_0, %dma_start3A_25] : memref<10240x16xf32, #tpu.memory_space<vmem_shared>> -> memref<640x16xf32, #tpu.memory_space<vmem_shared>>
        tpu.enqueue_dma source(%dma_start3A_26 : memref<640x16xf32, #tpu.memory_space<vmem_shared>>) target(%dma_start3A_24 : memref<640x16xf32, #tpu.memory_space<hbm>>) target_semaphore(%run_scoped3A : memref<!tpu.dma_semaphore, #tpu.memory_space<semaphore_mem>>)
        %dma_wait3A = arith.constant 0 : i32
        %dma_wait3A_27 = tpu.memref_slice %arg4[%mul3A_0, %dma_wait3A] : memref<10240x16xf32, #tpu.memory_space<hbm>> -> memref<640x16xf32, #tpu.memory_space<hbm>>
        %dma_wait3A_28 = arith.constant 0 : i32
        %dma_wait3A_29 = tpu.memref_slice %arg8[%mul3A_0, %dma_wait3A_28] : memref<10240x16xf32, #tpu.memory_space<vmem_shared>> -> memref<640x16xf32, #tpu.memory_space<vmem_shared>>
        tpu.wait_dma2 semaphore(%run_scoped3A : memref<!tpu.dma_semaphore, #tpu.memory_space<semaphore_mem>>) src(%dma_wait3A_29 : memref<640x16xf32, #tpu.memory_space<vmem_shared>>) dst(%dma_wait3A_27 : memref<640x16xf32, #tpu.memory_space<hbm>>)
        tpu.yield
      }) : () -> ()
    } else {
    }
    %eq3A_19 = arith.constant 1 : i32
    %eq3A_20 = arith.cmpi eq, %arg0, %eq3A_19 : i32
    %convert_element_type3A_21 = arith.extui %eq3A_20 : i1 to i32
    %cond3A_22 = arith.constant 0 : i32
    %cond3A_23 = arith.cmpi ne, %convert_element_type3A_21, %cond3A_22 : i32
    scf.if %cond3A_23 {
      "tpu.region"() ({
        %run_scoped3A = tpu.sem_alloc : memref<!tpu.dma_semaphore, #tpu.memory_space<semaphore_mem>>
        %dma_start3A = arith.constant 0 : i32
        %dma_start3A_24 = tpu.memref_slice %arg5[%mul3A_0, %dma_start3A] : memref<10240x16xf32, #tpu.memory_space<hbm>> -> memref<640x16xf32, #tpu.memory_space<hbm>>
        %dma_start3A_25 = arith.constant 0 : i32
        %dma_start3A_26 = tpu.memref_slice %arg8[%mul3A_0, %dma_start3A_25] : memref<10240x16xf32, #tpu.memory_space<vmem_shared>> -> memref<640x16xf32, #tpu.memory_space<vmem_shared>>
        tpu.enqueue_dma source(%dma_start3A_26 : memref<640x16xf32, #tpu.memory_space<vmem_shared>>) target(%dma_start3A_24 : memref<640x16xf32, #tpu.memory_space<hbm>>) target_semaphore(%run_scoped3A : memref<!tpu.dma_semaphore, #tpu.memory_space<semaphore_mem>>)
        %dma_wait3A = arith.constant 0 : i32
        %dma_wait3A_27 = tpu.memref_slice %arg5[%mul3A_0, %dma_wait3A] : memref<10240x16xf32, #tpu.memory_space<hbm>> -> memref<640x16xf32, #tpu.memory_space<hbm>>
        %dma_wait3A_28 = arith.constant 0 : i32
        %dma_wait3A_29 = tpu.memref_slice %arg8[%mul3A_0, %dma_wait3A_28] : memref<10240x16xf32, #tpu.memory_space<vmem_shared>> -> memref<640x16xf32, #tpu.memory_space<vmem_shared>>
        tpu.wait_dma2 semaphore(%run_scoped3A : memref<!tpu.dma_semaphore, #tpu.memory_space<semaphore_mem>>) src(%dma_wait3A_29 : memref<640x16xf32, #tpu.memory_space<vmem_shared>>) dst(%dma_wait3A_27 : memref<640x16xf32, #tpu.memory_space<hbm>>)
        tpu.yield
      }) : () -> ()
    } else {
    }
    return
  }
}

#map = affine_map<(d0, d1) -> (0, 0)>
#map1 = affine_map<(d0, d1) -> (0)>
module attributes {stable_mosaic.version = 14 : i64} {
  func.func @k(%arg0: i32, %arg1: i32, %arg2: memref<10240x128xf32, #tpu.memory_space<hbm>>, %arg3: memref<10240x128xf32, #tpu.memory_space<hbm>>, %arg4: memref<320000xi32, #tpu.memory_space<hbm>>, %arg5: memref<320000xi32, #tpu.memory_space<hbm>>, %arg6: memref<640x128xf32, #tpu.memory_space<hbm>>, %arg7: memref<10240x128xf32, #tpu.memory_space<hbm>>, %arg8: memref<10240x128xf32, #tpu.memory_space<hbm>>, %arg9: memref<80xi32, #tpu.memory_space<vmem>>, %arg10: memref<80xi32, #tpu.memory_space<vmem>>, %arg11: memref<80xi32, #tpu.memory_space<vmem>>, %arg12: memref<80xi32, #tpu.memory_space<vmem>>, %arg13: memref<80x128xf32, #tpu.memory_space<vmem>>, %arg14: memref<80x128xf32, #tpu.memory_space<vmem>>, %arg15: memref<10240x128xf32, #tpu.memory_space<vmem_shared>>, %arg16: memref<!tpu.dma_semaphore, #tpu.memory_space<semaphore_mem>>, %arg17: memref<!tpu.dma_semaphore, #tpu.memory_space<semaphore_mem>>) attributes {dimension_semantics = [#tpu.dimension_semantics<core_parallel>, #tpu.dimension_semantics<subcore_parallel>], iteration_bounds = array<i64: 2, 16>, scalar_prefetch = 0 : i64, scratch_operands = 9 : i64, tpu.core_type = #tpu.core_type<sc_vector_subcore>, window_params = [{transform_indices = #map}, {transform_indices = #map}, {transform_indices = #map1}, {transform_indices = #map1}, {transform_indices = #map}, {transform_indices = #map}, {transform_indices = #map}]} {
    %mul3A = arith.constant 640 : i32
    %mul3A_0 = arith.muli %arg1, %mul3A : i32
    "tpu.region"() ({
      %run_scoped3A = tpu.sem_alloc : memref<!tpu.dma_semaphore, #tpu.memory_space<semaphore_mem>>
      %dma_start3A = arith.constant 0 : i32
      %dma_start3A_19 = tpu.memref_slice %arg15[%mul3A_0, %dma_start3A] : memref<10240x128xf32, #tpu.memory_space<vmem_shared>> -> memref<640x128xf32, #tpu.memory_space<vmem_shared>>
      tpu.enqueue_dma source(%arg6 : memref<640x128xf32, #tpu.memory_space<hbm>>) target(%dma_start3A_19 : memref<640x128xf32, #tpu.memory_space<vmem_shared>>) target_semaphore(%run_scoped3A : memref<!tpu.dma_semaphore, #tpu.memory_space<semaphore_mem>>)
      %dma_wait3A = arith.constant 0 : i32
      %dma_wait3A_20 = tpu.memref_slice %arg15[%mul3A_0, %dma_wait3A] : memref<10240x128xf32, #tpu.memory_space<vmem_shared>> -> memref<640x128xf32, #tpu.memory_space<vmem_shared>>
      tpu.wait_dma2 semaphore(%run_scoped3A : memref<!tpu.dma_semaphore, #tpu.memory_space<semaphore_mem>>) src(%arg6 : memref<640x128xf32, #tpu.memory_space<hbm>>) dst(%dma_wait3A_20 : memref<640x128xf32, #tpu.memory_space<vmem_shared>>)
      tpu.yield
    }) : () -> ()
    %barrier3A = arith.constant 0 : index
    tpu.barrier barrier_id(%barrier3A)
    %eq3A = arith.constant 0 : i32
    %eq3A_1 = arith.cmpi eq, %arg0, %eq3A : i32
    %convert_element_type3A = arith.extui %eq3A_1 : i1 to i32
    %cond3A = arith.constant 0 : i32
    %cond3A_2 = arith.cmpi ne, %convert_element_type3A, %cond3A : i32
    scf.if %cond3A_2 {
      %mul3A_19 = arith.constant 20000 : i32
      %mul3A_20 = arith.muli %arg1, %mul3A_19 : i32
      %add3A = arith.constant 0 : i32
      %add3A_21 = arith.addi %mul3A_20, %add3A : i32
      "tpu.region"() ({
        %run_scoped3A = tpu.sem_alloc : memref<!tpu.dma_semaphore, #tpu.memory_space<semaphore_mem>>
        %dma_start3A_41 = tpu.memref_slice %arg4[%add3A_21] : memref<320000xi32, #tpu.memory_space<hbm>> -> memref<80xi32, #tpu.memory_space<hbm>>
        %dma_start3A_42 = tpu.memref_slice %arg4[%add3A_21] : memref<320000xi32, #tpu.memory_space<hbm>> -> memref<80xi32, #tpu.memory_space<hbm>>
        tpu.enqueue_dma source(%dma_start3A_42 : memref<80xi32, #tpu.memory_space<hbm>>) target(%arg9 : memref<80xi32, #tpu.memory_space<vmem>>) target_semaphore(%run_scoped3A : memref<!tpu.dma_semaphore, #tpu.memory_space<semaphore_mem>>)
        %dma_wait3A_43 = tpu.memref_slice %arg4[%add3A_21] : memref<320000xi32, #tpu.memory_space<hbm>> -> memref<80xi32, #tpu.memory_space<hbm>>
        %dma_wait3A_44 = tpu.memref_slice %arg4[%add3A_21] : memref<320000xi32, #tpu.memory_space<hbm>> -> memref<80xi32, #tpu.memory_space<hbm>>
        tpu.wait_dma2 semaphore(%run_scoped3A : memref<!tpu.dma_semaphore, #tpu.memory_space<semaphore_mem>>) src(%dma_wait3A_44 : memref<80xi32, #tpu.memory_space<hbm>>) dst(%arg9 : memref<80xi32, #tpu.memory_space<vmem>>)
        tpu.yield
      }) : () -> ()
      "tpu.region"() ({
        %run_scoped3A = tpu.sem_alloc : memref<!tpu.dma_semaphore, #tpu.memory_space<semaphore_mem>>
        %dma_start3A_41 = tpu.memref_slice %arg5[%add3A_21] : memref<320000xi32, #tpu.memory_space<hbm>> -> memref<80xi32, #tpu.memory_space<hbm>>
        %dma_start3A_42 = tpu.memref_slice %arg5[%add3A_21] : memref<320000xi32, #tpu.memory_space<hbm>> -> memref<80xi32, #tpu.memory_space<hbm>>
        tpu.enqueue_dma source(%dma_start3A_42 : memref<80xi32, #tpu.memory_space<hbm>>) target(%arg11 : memref<80xi32, #tpu.memory_space<vmem>>) target_semaphore(%run_scoped3A : memref<!tpu.dma_semaphore, #tpu.memory_space<semaphore_mem>>)
        %dma_wait3A_43 = tpu.memref_slice %arg5[%add3A_21] : memref<320000xi32, #tpu.memory_space<hbm>> -> memref<80xi32, #tpu.memory_space<hbm>>
        %dma_wait3A_44 = tpu.memref_slice %arg5[%add3A_21] : memref<320000xi32, #tpu.memory_space<hbm>> -> memref<80xi32, #tpu.memory_space<hbm>>
        tpu.wait_dma2 semaphore(%run_scoped3A : memref<!tpu.dma_semaphore, #tpu.memory_space<semaphore_mem>>) src(%dma_wait3A_44 : memref<80xi32, #tpu.memory_space<hbm>>) dst(%arg11 : memref<80xi32, #tpu.memory_space<vmem>>)
        tpu.yield
      }) : () -> ()
      %dma_start3A = arith.constant 0 : i32
      %dma_start3A_22 = arith.constant 0 : i32
      %dma_start3A_23 = tpu.memref_slice %arg2[%dma_start3A, %dma_start3A_22] : memref<10240x128xf32, #tpu.memory_space<hbm>> -> memref<10240x128xf32, #tpu.memory_space<hbm>>
      tpu.enqueue_indirect_dma source(%dma_start3A_23 : memref<10240x128xf32, #tpu.memory_space<hbm>>) target(%arg13 : memref<80x128xf32, #tpu.memory_space<vmem>>) offsets(%arg9 : memref<80xi32, #tpu.memory_space<vmem>>) semaphore(%arg16 : memref<!tpu.dma_semaphore, #tpu.memory_space<semaphore_mem>>)
      %mul3A_24 = arith.constant 20000 : i32
      %mul3A_25 = arith.muli %arg1, %mul3A_24 : i32
      %add3A_26 = arith.constant 80 : i32
      %add3A_27 = arith.addi %mul3A_25, %add3A_26 : i32
      "tpu.region"() ({
        %run_scoped3A = tpu.sem_alloc : memref<!tpu.dma_semaphore, #tpu.memory_space<semaphore_mem>>
        %dma_start3A_41 = tpu.memref_slice %arg4[%add3A_27] : memref<320000xi32, #tpu.memory_space<hbm>> -> memref<80xi32, #tpu.memory_space<hbm>>
        %dma_start3A_42 = tpu.memref_slice %arg4[%add3A_27] : memref<320000xi32, #tpu.memory_space<hbm>> -> memref<80xi32, #tpu.memory_space<hbm>>
        tpu.enqueue_dma source(%dma_start3A_42 : memref<80xi32, #tpu.memory_space<hbm>>) target(%arg10 : memref<80xi32, #tpu.memory_space<vmem>>) target_semaphore(%run_scoped3A : memref<!tpu.dma_semaphore, #tpu.memory_space<semaphore_mem>>)
        %dma_wait3A_43 = tpu.memref_slice %arg4[%add3A_27] : memref<320000xi32, #tpu.memory_space<hbm>> -> memref<80xi32, #tpu.memory_space<hbm>>
        %dma_wait3A_44 = tpu.memref_slice %arg4[%add3A_27] : memref<320000xi32, #tpu.memory_space<hbm>> -> memref<80xi32, #tpu.memory_space<hbm>>
        tpu.wait_dma2 semaphore(%run_scoped3A : memref<!tpu.dma_semaphore, #tpu.memory_space<semaphore_mem>>) src(%dma_wait3A_44 : memref<80xi32, #tpu.memory_space<hbm>>) dst(%arg10 : memref<80xi32, #tpu.memory_space<vmem>>)
        tpu.yield
      }) : () -> ()
      "tpu.region"() ({
        %run_scoped3A = tpu.sem_alloc : memref<!tpu.dma_semaphore, #tpu.memory_space<semaphore_mem>>
        %dma_start3A_41 = tpu.memref_slice %arg5[%add3A_27] : memref<320000xi32, #tpu.memory_space<hbm>> -> memref<80xi32, #tpu.memory_space<hbm>>
        %dma_start3A_42 = tpu.memref_slice %arg5[%add3A_27] : memref<320000xi32, #tpu.memory_space<hbm>> -> memref<80xi32, #tpu.memory_space<hbm>>
        tpu.enqueue_dma source(%dma_start3A_42 : memref<80xi32, #tpu.memory_space<hbm>>) target(%arg12 : memref<80xi32, #tpu.memory_space<vmem>>) target_semaphore(%run_scoped3A : memref<!tpu.dma_semaphore, #tpu.memory_space<semaphore_mem>>)
        %dma_wait3A_43 = tpu.memref_slice %arg5[%add3A_27] : memref<320000xi32, #tpu.memory_space<hbm>> -> memref<80xi32, #tpu.memory_space<hbm>>
        %dma_wait3A_44 = tpu.memref_slice %arg5[%add3A_27] : memref<320000xi32, #tpu.memory_space<hbm>> -> memref<80xi32, #tpu.memory_space<hbm>>
        tpu.wait_dma2 semaphore(%run_scoped3A : memref<!tpu.dma_semaphore, #tpu.memory_space<semaphore_mem>>) src(%dma_wait3A_44 : memref<80xi32, #tpu.memory_space<hbm>>) dst(%arg12 : memref<80xi32, #tpu.memory_space<vmem>>)
        tpu.yield
      }) : () -> ()
      %dma_start3A_28 = arith.constant 0 : i32
      %dma_start3A_29 = arith.constant 0 : i32
      %dma_start3A_30 = tpu.memref_slice %arg2[%dma_start3A_28, %dma_start3A_29] : memref<10240x128xf32, #tpu.memory_space<hbm>> -> memref<10240x128xf32, #tpu.memory_space<hbm>>
      tpu.enqueue_indirect_dma source(%dma_start3A_30 : memref<10240x128xf32, #tpu.memory_space<hbm>>) target(%arg14 : memref<80x128xf32, #tpu.memory_space<vmem>>) offsets(%arg10 : memref<80xi32, #tpu.memory_space<vmem>>) semaphore(%arg17 : memref<!tpu.dma_semaphore, #tpu.memory_space<semaphore_mem>>)
      %scan3A = arith.constant 0 : i32
      %scan3A_31 = arith.constant 0 : i32
      %scan3A_32 = arith.constant 125 : i32
      %scan3A_33 = arith.addi %scan3A_31, %scan3A_32 : i32
      %scan3A_34 = arith.constant 1 : i32
      scf.for %scan3A_41 = %scan3A_31 to %scan3A_33 step %scan3A_34  : i32 {
        %mul3A_42 = arith.constant 2 : i32
        %mul3A_43 = arith.muli %mul3A_42, %scan3A_41 : i32
        %add3A_44 = arith.constant 0 : i32
        %add3A_45 = arith.addi %mul3A_43, %add3A_44 : i32
        %dma_wait3A_46 = arith.constant 0 : i32
        %dma_wait3A_47 = arith.constant 0 : i32
        %dma_wait3A_48 = tpu.memref_slice %arg2[%dma_wait3A_46, %dma_wait3A_47] : memref<10240x128xf32, #tpu.memory_space<hbm>> -> memref<10240x128xf32, #tpu.memory_space<hbm>>
        tpu.wait_indirect_dma semaphore(%arg16 : memref<!tpu.dma_semaphore, #tpu.memory_space<semaphore_mem>>) src(%dma_wait3A_48 : memref<10240x128xf32, #tpu.memory_space<hbm>>) dst(%arg13 : memref<80x128xf32, #tpu.memory_space<vmem>>)
        "tpu.region"() ({
          %run_scoped3A = tpu.sem_alloc : memref<!tpu.dma_semaphore, #tpu.memory_space<semaphore_mem>>
          %dma_start3A_79 = arith.constant 0 : i32
          %dma_start3A_80 = arith.constant 0 : i32
          %dma_start3A_81 = tpu.memref_slice %arg15[%dma_start3A_79, %dma_start3A_80] : memref<10240x128xf32, #tpu.memory_space<vmem_shared>> -> memref<10240x128xf32, #tpu.memory_space<vmem_shared>>
          tpu.enqueue_indirect_dma source(%arg13 : memref<80x128xf32, #tpu.memory_space<vmem>>) target(%dma_start3A_81 : memref<10240x128xf32, #tpu.memory_space<vmem_shared>>) offsets(%arg11 : memref<80xi32, #tpu.memory_space<vmem>>) semaphore(%run_scoped3A : memref<!tpu.dma_semaphore, #tpu.memory_space<semaphore_mem>>) {add = true}
          %dma_wait3A_82 = arith.constant 0 : i32
          %dma_wait3A_83 = arith.constant 0 : i32
          %dma_wait3A_84 = tpu.memref_slice %arg15[%dma_wait3A_82, %dma_wait3A_83] : memref<10240x128xf32, #tpu.memory_space<vmem_shared>> -> memref<10240x128xf32, #tpu.memory_space<vmem_shared>>
          tpu.wait_indirect_dma semaphore(%run_scoped3A : memref<!tpu.dma_semaphore, #tpu.memory_space<semaphore_mem>>) src(%arg13 : memref<80x128xf32, #tpu.memory_space<vmem>>) dst(%dma_wait3A_84 : memref<10240x128xf32, #tpu.memory_space<vmem_shared>>)
          tpu.yield
        }) : () -> ()
        %add3A_49 = arith.constant 2 : i32
        %add3A_50 = arith.addi %add3A_45, %add3A_49 : i32
        %rem3A = arith.constant 250 : i32
        %rem3A_51 = arith.remsi %add3A_50, %rem3A : i32
        %mul3A_52 = arith.constant 20000 : i32
        %mul3A_53 = arith.muli %arg1, %mul3A_52 : i32
        %mul3A_54 = arith.constant 80 : i32
        %mul3A_55 = arith.muli %rem3A_51, %mul3A_54 : i32
        %add3A_56 = arith.addi %mul3A_53, %mul3A_55 : i32
        "tpu.region"() ({
          %run_scoped3A = tpu.sem_alloc : memref<!tpu.dma_semaphore, #tpu.memory_space<semaphore_mem>>
          %dma_start3A_79 = tpu.memref_slice %arg4[%add3A_56] : memref<320000xi32, #tpu.memory_space<hbm>> -> memref<80xi32, #tpu.memory_space<hbm>>
          %dma_start3A_80 = tpu.memref_slice %arg4[%add3A_56] : memref<320000xi32, #tpu.memory_space<hbm>> -> memref<80xi32, #tpu.memory_space<hbm>>
          tpu.enqueue_dma source(%dma_start3A_80 : memref<80xi32, #tpu.memory_space<hbm>>) target(%arg9 : memref<80xi32, #tpu.memory_space<vmem>>) target_semaphore(%run_scoped3A : memref<!tpu.dma_semaphore, #tpu.memory_space<semaphore_mem>>)
          %dma_wait3A_81 = tpu.memref_slice %arg4[%add3A_56] : memref<320000xi32, #tpu.memory_space<hbm>> -> memref<80xi32, #tpu.memory_space<hbm>>
          %dma_wait3A_82 = tpu.memref_slice %arg4[%add3A_56] : memref<320000xi32, #tpu.memory_space<hbm>> -> memref<80xi32, #tpu.memory_space<hbm>>
          tpu.wait_dma2 semaphore(%run_scoped3A : memref<!tpu.dma_semaphore, #tpu.memory_space<semaphore_mem>>) src(%dma_wait3A_82 : memref<80xi32, #tpu.memory_space<hbm>>) dst(%arg9 : memref<80xi32, #tpu.memory_space<vmem>>)
          tpu.yield
        }) : () -> ()
        "tpu.region"() ({
          %run_scoped3A = tpu.sem_alloc : memref<!tpu.dma_semaphore, #tpu.memory_space<semaphore_mem>>
          %dma_start3A_79 = tpu.memref_slice %arg5[%add3A_56] : memref<320000xi32, #tpu.memory_space<hbm>> -> memref<80xi32, #tpu.memory_space<hbm>>
          %dma_start3A_80 = tpu.memref_slice %arg5[%add3A_56] : memref<320000xi32, #tpu.memory_space<hbm>> -> memref<80xi32, #tpu.memory_space<hbm>>
          tpu.enqueue_dma source(%dma_start3A_80 : memref<80xi32, #tpu.memory_space<hbm>>) target(%arg11 : memref<80xi32, #tpu.memory_space<vmem>>) target_semaphore(%run_scoped3A : memref<!tpu.dma_semaphore, #tpu.memory_space<semaphore_mem>>)
          %dma_wait3A_81 = tpu.memref_slice %arg5[%add3A_56] : memref<320000xi32, #tpu.memory_space<hbm>> -> memref<80xi32, #tpu.memory_space<hbm>>
          %dma_wait3A_82 = tpu.memref_slice %arg5[%add3A_56] : memref<320000xi32, #tpu.memory_space<hbm>> -> memref<80xi32, #tpu.memory_space<hbm>>
          tpu.wait_dma2 semaphore(%run_scoped3A : memref<!tpu.dma_semaphore, #tpu.memory_space<semaphore_mem>>) src(%dma_wait3A_82 : memref<80xi32, #tpu.memory_space<hbm>>) dst(%arg11 : memref<80xi32, #tpu.memory_space<vmem>>)
          tpu.yield
        }) : () -> ()
        %dma_start3A_57 = arith.constant 0 : i32
        %dma_start3A_58 = arith.constant 0 : i32
        %dma_start3A_59 = tpu.memref_slice %arg2[%dma_start3A_57, %dma_start3A_58] : memref<10240x128xf32, #tpu.memory_space<hbm>> -> memref<10240x128xf32, #tpu.memory_space<hbm>>
        tpu.enqueue_indirect_dma source(%dma_start3A_59 : memref<10240x128xf32, #tpu.memory_space<hbm>>) target(%arg13 : memref<80x128xf32, #tpu.memory_space<vmem>>) offsets(%arg9 : memref<80xi32, #tpu.memory_space<vmem>>) semaphore(%arg16 : memref<!tpu.dma_semaphore, #tpu.memory_space<semaphore_mem>>)
        %mul3A_60 = arith.constant 2 : i32
        %mul3A_61 = arith.muli %mul3A_60, %scan3A_41 : i32
        %add3A_62 = arith.constant 1 : i32
        %add3A_63 = arith.addi %mul3A_61, %add3A_62 : i32
        %dma_wait3A_64 = arith.constant 0 : i32
        %dma_wait3A_65 = arith.constant 0 : i32
        %dma_wait3A_66 = tpu.memref_slice %arg2[%dma_wait3A_64, %dma_wait3A_65] : memref<10240x128xf32, #tpu.memory_space<hbm>> -> memref<10240x128xf32, #tpu.memory_space<hbm>>
        tpu.wait_indirect_dma semaphore(%arg17 : memref<!tpu.dma_semaphore, #tpu.memory_space<semaphore_mem>>) src(%dma_wait3A_66 : memref<10240x128xf32, #tpu.memory_space<hbm>>) dst(%arg14 : memref<80x128xf32, #tpu.memory_space<vmem>>)
        "tpu.region"() ({
          %run_scoped3A = tpu.sem_alloc : memref<!tpu.dma_semaphore, #tpu.memory_space<semaphore_mem>>
          %dma_start3A_79 = arith.constant 0 : i32
          %dma_start3A_80 = arith.constant 0 : i32
          %dma_start3A_81 = tpu.memref_slice %arg15[%dma_start3A_79, %dma_start3A_80] : memref<10240x128xf32, #tpu.memory_space<vmem_shared>> -> memref<10240x128xf32, #tpu.memory_space<vmem_shared>>
          tpu.enqueue_indirect_dma source(%arg14 : memref<80x128xf32, #tpu.memory_space<vmem>>) target(%dma_start3A_81 : memref<10240x128xf32, #tpu.memory_space<vmem_shared>>) offsets(%arg12 : memref<80xi32, #tpu.memory_space<vmem>>) semaphore(%run_scoped3A : memref<!tpu.dma_semaphore, #tpu.memory_space<semaphore_mem>>) {add = true}
          %dma_wait3A_82 = arith.constant 0 : i32
          %dma_wait3A_83 = arith.constant 0 : i32
          %dma_wait3A_84 = tpu.memref_slice %arg15[%dma_wait3A_82, %dma_wait3A_83] : memref<10240x128xf32, #tpu.memory_space<vmem_shared>> -> memref<10240x128xf32, #tpu.memory_space<vmem_shared>>
          tpu.wait_indirect_dma semaphore(%run_scoped3A : memref<!tpu.dma_semaphore, #tpu.memory_space<semaphore_mem>>) src(%arg14 : memref<80x128xf32, #tpu.memory_space<vmem>>) dst(%dma_wait3A_84 : memref<10240x128xf32, #tpu.memory_space<vmem_shared>>)
          tpu.yield
        }) : () -> ()
        %add3A_67 = arith.constant 2 : i32
        %add3A_68 = arith.addi %add3A_63, %add3A_67 : i32
        %rem3A_69 = arith.constant 250 : i32
        %rem3A_70 = arith.remsi %add3A_68, %rem3A_69 : i32
        %mul3A_71 = arith.constant 20000 : i32
        %mul3A_72 = arith.muli %arg1, %mul3A_71 : i32
        %mul3A_73 = arith.constant 80 : i32
        %mul3A_74 = arith.muli %rem3A_70, %mul3A_73 : i32
        %add3A_75 = arith.addi %mul3A_72, %mul3A_74 : i32
        "tpu.region"() ({
          %run_scoped3A = tpu.sem_alloc : memref<!tpu.dma_semaphore, #tpu.memory_space<semaphore_mem>>
          %dma_start3A_79 = tpu.memref_slice %arg4[%add3A_75] : memref<320000xi32, #tpu.memory_space<hbm>> -> memref<80xi32, #tpu.memory_space<hbm>>
          %dma_start3A_80 = tpu.memref_slice %arg4[%add3A_75] : memref<320000xi32, #tpu.memory_space<hbm>> -> memref<80xi32, #tpu.memory_space<hbm>>
          tpu.enqueue_dma source(%dma_start3A_80 : memref<80xi32, #tpu.memory_space<hbm>>) target(%arg10 : memref<80xi32, #tpu.memory_space<vmem>>) target_semaphore(%run_scoped3A : memref<!tpu.dma_semaphore, #tpu.memory_space<semaphore_mem>>)
          %dma_wait3A_81 = tpu.memref_slice %arg4[%add3A_75] : memref<320000xi32, #tpu.memory_space<hbm>> -> memref<80xi32, #tpu.memory_space<hbm>>
          %dma_wait3A_82 = tpu.memref_slice %arg4[%add3A_75] : memref<320000xi32, #tpu.memory_space<hbm>> -> memref<80xi32, #tpu.memory_space<hbm>>
          tpu.wait_dma2 semaphore(%run_scoped3A : memref<!tpu.dma_semaphore, #tpu.memory_space<semaphore_mem>>) src(%dma_wait3A_82 : memref<80xi32, #tpu.memory_space<hbm>>) dst(%arg10 : memref<80xi32, #tpu.memory_space<vmem>>)
          tpu.yield
        }) : () -> ()
        "tpu.region"() ({
          %run_scoped3A = tpu.sem_alloc : memref<!tpu.dma_semaphore, #tpu.memory_space<semaphore_mem>>
          %dma_start3A_79 = tpu.memref_slice %arg5[%add3A_75] : memref<320000xi32, #tpu.memory_space<hbm>> -> memref<80xi32, #tpu.memory_space<hbm>>
          %dma_start3A_80 = tpu.memref_slice %arg5[%add3A_75] : memref<320000xi32, #tpu.memory_space<hbm>> -> memref<80xi32, #tpu.memory_space<hbm>>
          tpu.enqueue_dma source(%dma_start3A_80 : memref<80xi32, #tpu.memory_space<hbm>>) target(%arg12 : memref<80xi32, #tpu.memory_space<vmem>>) target_semaphore(%run_scoped3A : memref<!tpu.dma_semaphore, #tpu.memory_space<semaphore_mem>>)
          %dma_wait3A_81 = tpu.memref_slice %arg5[%add3A_75] : memref<320000xi32, #tpu.memory_space<hbm>> -> memref<80xi32, #tpu.memory_space<hbm>>
          %dma_wait3A_82 = tpu.memref_slice %arg5[%add3A_75] : memref<320000xi32, #tpu.memory_space<hbm>> -> memref<80xi32, #tpu.memory_space<hbm>>
          tpu.wait_dma2 semaphore(%run_scoped3A : memref<!tpu.dma_semaphore, #tpu.memory_space<semaphore_mem>>) src(%dma_wait3A_82 : memref<80xi32, #tpu.memory_space<hbm>>) dst(%arg12 : memref<80xi32, #tpu.memory_space<vmem>>)
          tpu.yield
        }) : () -> ()
        %dma_start3A_76 = arith.constant 0 : i32
        %dma_start3A_77 = arith.constant 0 : i32
        %dma_start3A_78 = tpu.memref_slice %arg2[%dma_start3A_76, %dma_start3A_77] : memref<10240x128xf32, #tpu.memory_space<hbm>> -> memref<10240x128xf32, #tpu.memory_space<hbm>>
        tpu.enqueue_indirect_dma source(%dma_start3A_78 : memref<10240x128xf32, #tpu.memory_space<hbm>>) target(%arg14 : memref<80x128xf32, #tpu.memory_space<vmem>>) offsets(%arg10 : memref<80xi32, #tpu.memory_space<vmem>>) semaphore(%arg17 : memref<!tpu.dma_semaphore, #tpu.memory_space<semaphore_mem>>)
      }
      %scan3A_35 = arith.constant 125 : i32
      %dma_wait3A = arith.constant 0 : i32
      %dma_wait3A_36 = arith.constant 0 : i32
      %dma_wait3A_37 = tpu.memref_slice %arg2[%dma_wait3A, %dma_wait3A_36] : memref<10240x128xf32, #tpu.memory_space<hbm>> -> memref<10240x128xf32, #tpu.memory_space<hbm>>
      tpu.wait_indirect_dma semaphore(%arg16 : memref<!tpu.dma_semaphore, #tpu.memory_space<semaphore_mem>>) src(%dma_wait3A_37 : memref<10240x128xf32, #tpu.memory_space<hbm>>) dst(%arg13 : memref<80x128xf32, #tpu.memory_space<vmem>>)
      %dma_wait3A_38 = arith.constant 0 : i32
      %dma_wait3A_39 = arith.constant 0 : i32
      %dma_wait3A_40 = tpu.memref_slice %arg2[%dma_wait3A_38, %dma_wait3A_39] : memref<10240x128xf32, #tpu.memory_space<hbm>> -> memref<10240x128xf32, #tpu.memory_space<hbm>>
      tpu.wait_indirect_dma semaphore(%arg17 : memref<!tpu.dma_semaphore, #tpu.memory_space<semaphore_mem>>) src(%dma_wait3A_40 : memref<10240x128xf32, #tpu.memory_space<hbm>>) dst(%arg14 : memref<80x128xf32, #tpu.memory_space<vmem>>)
    } else {
    }
    %eq3A_3 = arith.constant 1 : i32
    %eq3A_4 = arith.cmpi eq, %arg0, %eq3A_3 : i32
    %convert_element_type3A_5 = arith.extui %eq3A_4 : i1 to i32
    %cond3A_6 = arith.constant 0 : i32
    %cond3A_7 = arith.cmpi ne, %convert_element_type3A_5, %cond3A_6 : i32
    scf.if %cond3A_7 {
      %mul3A_19 = arith.constant 20000 : i32
      %mul3A_20 = arith.muli %arg1, %mul3A_19 : i32
      %add3A = arith.constant 0 : i32
      %add3A_21 = arith.addi %mul3A_20, %add3A : i32
      "tpu.region"() ({
        %run_scoped3A = tpu.sem_alloc : memref<!tpu.dma_semaphore, #tpu.memory_space<semaphore_mem>>
        %dma_start3A_41 = tpu.memref_slice %arg4[%add3A_21] : memref<320000xi32, #tpu.memory_space<hbm>> -> memref<80xi32, #tpu.memory_space<hbm>>
        %dma_start3A_42 = tpu.memref_slice %arg4[%add3A_21] : memref<320000xi32, #tpu.memory_space<hbm>> -> memref<80xi32, #tpu.memory_space<hbm>>
        tpu.enqueue_dma source(%dma_start3A_42 : memref<80xi32, #tpu.memory_space<hbm>>) target(%arg9 : memref<80xi32, #tpu.memory_space<vmem>>) target_semaphore(%run_scoped3A : memref<!tpu.dma_semaphore, #tpu.memory_space<semaphore_mem>>)
        %dma_wait3A_43 = tpu.memref_slice %arg4[%add3A_21] : memref<320000xi32, #tpu.memory_space<hbm>> -> memref<80xi32, #tpu.memory_space<hbm>>
        %dma_wait3A_44 = tpu.memref_slice %arg4[%add3A_21] : memref<320000xi32, #tpu.memory_space<hbm>> -> memref<80xi32, #tpu.memory_space<hbm>>
        tpu.wait_dma2 semaphore(%run_scoped3A : memref<!tpu.dma_semaphore, #tpu.memory_space<semaphore_mem>>) src(%dma_wait3A_44 : memref<80xi32, #tpu.memory_space<hbm>>) dst(%arg9 : memref<80xi32, #tpu.memory_space<vmem>>)
        tpu.yield
      }) : () -> ()
      "tpu.region"() ({
        %run_scoped3A = tpu.sem_alloc : memref<!tpu.dma_semaphore, #tpu.memory_space<semaphore_mem>>
        %dma_start3A_41 = tpu.memref_slice %arg5[%add3A_21] : memref<320000xi32, #tpu.memory_space<hbm>> -> memref<80xi32, #tpu.memory_space<hbm>>
        %dma_start3A_42 = tpu.memref_slice %arg5[%add3A_21] : memref<320000xi32, #tpu.memory_space<hbm>> -> memref<80xi32, #tpu.memory_space<hbm>>
        tpu.enqueue_dma source(%dma_start3A_42 : memref<80xi32, #tpu.memory_space<hbm>>) target(%arg11 : memref<80xi32, #tpu.memory_space<vmem>>) target_semaphore(%run_scoped3A : memref<!tpu.dma_semaphore, #tpu.memory_space<semaphore_mem>>)
        %dma_wait3A_43 = tpu.memref_slice %arg5[%add3A_21] : memref<320000xi32, #tpu.memory_space<hbm>> -> memref<80xi32, #tpu.memory_space<hbm>>
        %dma_wait3A_44 = tpu.memref_slice %arg5[%add3A_21] : memref<320000xi32, #tpu.memory_space<hbm>> -> memref<80xi32, #tpu.memory_space<hbm>>
        tpu.wait_dma2 semaphore(%run_scoped3A : memref<!tpu.dma_semaphore, #tpu.memory_space<semaphore_mem>>) src(%dma_wait3A_44 : memref<80xi32, #tpu.memory_space<hbm>>) dst(%arg11 : memref<80xi32, #tpu.memory_space<vmem>>)
        tpu.yield
      }) : () -> ()
      %dma_start3A = arith.constant 0 : i32
      %dma_start3A_22 = arith.constant 0 : i32
      %dma_start3A_23 = tpu.memref_slice %arg3[%dma_start3A, %dma_start3A_22] : memref<10240x128xf32, #tpu.memory_space<hbm>> -> memref<10240x128xf32, #tpu.memory_space<hbm>>
      tpu.enqueue_indirect_dma source(%dma_start3A_23 : memref<10240x128xf32, #tpu.memory_space<hbm>>) target(%arg13 : memref<80x128xf32, #tpu.memory_space<vmem>>) offsets(%arg9 : memref<80xi32, #tpu.memory_space<vmem>>) semaphore(%arg16 : memref<!tpu.dma_semaphore, #tpu.memory_space<semaphore_mem>>)
      %mul3A_24 = arith.constant 20000 : i32
      %mul3A_25 = arith.muli %arg1, %mul3A_24 : i32
      %add3A_26 = arith.constant 80 : i32
      %add3A_27 = arith.addi %mul3A_25, %add3A_26 : i32
      "tpu.region"() ({
        %run_scoped3A = tpu.sem_alloc : memref<!tpu.dma_semaphore, #tpu.memory_space<semaphore_mem>>
        %dma_start3A_41 = tpu.memref_slice %arg4[%add3A_27] : memref<320000xi32, #tpu.memory_space<hbm>> -> memref<80xi32, #tpu.memory_space<hbm>>
        %dma_start3A_42 = tpu.memref_slice %arg4[%add3A_27] : memref<320000xi32, #tpu.memory_space<hbm>> -> memref<80xi32, #tpu.memory_space<hbm>>
        tpu.enqueue_dma source(%dma_start3A_42 : memref<80xi32, #tpu.memory_space<hbm>>) target(%arg10 : memref<80xi32, #tpu.memory_space<vmem>>) target_semaphore(%run_scoped3A : memref<!tpu.dma_semaphore, #tpu.memory_space<semaphore_mem>>)
        %dma_wait3A_43 = tpu.memref_slice %arg4[%add3A_27] : memref<320000xi32, #tpu.memory_space<hbm>> -> memref<80xi32, #tpu.memory_space<hbm>>
        %dma_wait3A_44 = tpu.memref_slice %arg4[%add3A_27] : memref<320000xi32, #tpu.memory_space<hbm>> -> memref<80xi32, #tpu.memory_space<hbm>>
        tpu.wait_dma2 semaphore(%run_scoped3A : memref<!tpu.dma_semaphore, #tpu.memory_space<semaphore_mem>>) src(%dma_wait3A_44 : memref<80xi32, #tpu.memory_space<hbm>>) dst(%arg10 : memref<80xi32, #tpu.memory_space<vmem>>)
        tpu.yield
      }) : () -> ()
      "tpu.region"() ({
        %run_scoped3A = tpu.sem_alloc : memref<!tpu.dma_semaphore, #tpu.memory_space<semaphore_mem>>
        %dma_start3A_41 = tpu.memref_slice %arg5[%add3A_27] : memref<320000xi32, #tpu.memory_space<hbm>> -> memref<80xi32, #tpu.memory_space<hbm>>
        %dma_start3A_42 = tpu.memref_slice %arg5[%add3A_27] : memref<320000xi32, #tpu.memory_space<hbm>> -> memref<80xi32, #tpu.memory_space<hbm>>
        tpu.enqueue_dma source(%dma_start3A_42 : memref<80xi32, #tpu.memory_space<hbm>>) target(%arg12 : memref<80xi32, #tpu.memory_space<vmem>>) target_semaphore(%run_scoped3A : memref<!tpu.dma_semaphore, #tpu.memory_space<semaphore_mem>>)
        %dma_wait3A_43 = tpu.memref_slice %arg5[%add3A_27] : memref<320000xi32, #tpu.memory_space<hbm>> -> memref<80xi32, #tpu.memory_space<hbm>>
        %dma_wait3A_44 = tpu.memref_slice %arg5[%add3A_27] : memref<320000xi32, #tpu.memory_space<hbm>> -> memref<80xi32, #tpu.memory_space<hbm>>
        tpu.wait_dma2 semaphore(%run_scoped3A : memref<!tpu.dma_semaphore, #tpu.memory_space<semaphore_mem>>) src(%dma_wait3A_44 : memref<80xi32, #tpu.memory_space<hbm>>) dst(%arg12 : memref<80xi32, #tpu.memory_space<vmem>>)
        tpu.yield
      }) : () -> ()
      %dma_start3A_28 = arith.constant 0 : i32
      %dma_start3A_29 = arith.constant 0 : i32
      %dma_start3A_30 = tpu.memref_slice %arg3[%dma_start3A_28, %dma_start3A_29] : memref<10240x128xf32, #tpu.memory_space<hbm>> -> memref<10240x128xf32, #tpu.memory_space<hbm>>
      tpu.enqueue_indirect_dma source(%dma_start3A_30 : memref<10240x128xf32, #tpu.memory_space<hbm>>) target(%arg14 : memref<80x128xf32, #tpu.memory_space<vmem>>) offsets(%arg10 : memref<80xi32, #tpu.memory_space<vmem>>) semaphore(%arg17 : memref<!tpu.dma_semaphore, #tpu.memory_space<semaphore_mem>>)
      %scan3A = arith.constant 0 : i32
      %scan3A_31 = arith.constant 0 : i32
      %scan3A_32 = arith.constant 125 : i32
      %scan3A_33 = arith.addi %scan3A_31, %scan3A_32 : i32
      %scan3A_34 = arith.constant 1 : i32
      scf.for %scan3A_41 = %scan3A_31 to %scan3A_33 step %scan3A_34  : i32 {
        %mul3A_42 = arith.constant 2 : i32
        %mul3A_43 = arith.muli %mul3A_42, %scan3A_41 : i32
        %add3A_44 = arith.constant 0 : i32
        %add3A_45 = arith.addi %mul3A_43, %add3A_44 : i32
        %dma_wait3A_46 = arith.constant 0 : i32
        %dma_wait3A_47 = arith.constant 0 : i32
        %dma_wait3A_48 = tpu.memref_slice %arg3[%dma_wait3A_46, %dma_wait3A_47] : memref<10240x128xf32, #tpu.memory_space<hbm>> -> memref<10240x128xf32, #tpu.memory_space<hbm>>
        tpu.wait_indirect_dma semaphore(%arg16 : memref<!tpu.dma_semaphore, #tpu.memory_space<semaphore_mem>>) src(%dma_wait3A_48 : memref<10240x128xf32, #tpu.memory_space<hbm>>) dst(%arg13 : memref<80x128xf32, #tpu.memory_space<vmem>>)
        "tpu.region"() ({
          %run_scoped3A = tpu.sem_alloc : memref<!tpu.dma_semaphore, #tpu.memory_space<semaphore_mem>>
          %dma_start3A_79 = arith.constant 0 : i32
          %dma_start3A_80 = arith.constant 0 : i32
          %dma_start3A_81 = tpu.memref_slice %arg15[%dma_start3A_79, %dma_start3A_80] : memref<10240x128xf32, #tpu.memory_space<vmem_shared>> -> memref<10240x128xf32, #tpu.memory_space<vmem_shared>>
          tpu.enqueue_indirect_dma source(%arg13 : memref<80x128xf32, #tpu.memory_space<vmem>>) target(%dma_start3A_81 : memref<10240x128xf32, #tpu.memory_space<vmem_shared>>) offsets(%arg11 : memref<80xi32, #tpu.memory_space<vmem>>) semaphore(%run_scoped3A : memref<!tpu.dma_semaphore, #tpu.memory_space<semaphore_mem>>) {add = true}
          %dma_wait3A_82 = arith.constant 0 : i32
          %dma_wait3A_83 = arith.constant 0 : i32
          %dma_wait3A_84 = tpu.memref_slice %arg15[%dma_wait3A_82, %dma_wait3A_83] : memref<10240x128xf32, #tpu.memory_space<vmem_shared>> -> memref<10240x128xf32, #tpu.memory_space<vmem_shared>>
          tpu.wait_indirect_dma semaphore(%run_scoped3A : memref<!tpu.dma_semaphore, #tpu.memory_space<semaphore_mem>>) src(%arg13 : memref<80x128xf32, #tpu.memory_space<vmem>>) dst(%dma_wait3A_84 : memref<10240x128xf32, #tpu.memory_space<vmem_shared>>)
          tpu.yield
        }) : () -> ()
        %add3A_49 = arith.constant 2 : i32
        %add3A_50 = arith.addi %add3A_45, %add3A_49 : i32
        %rem3A = arith.constant 250 : i32
        %rem3A_51 = arith.remsi %add3A_50, %rem3A : i32
        %mul3A_52 = arith.constant 20000 : i32
        %mul3A_53 = arith.muli %arg1, %mul3A_52 : i32
        %mul3A_54 = arith.constant 80 : i32
        %mul3A_55 = arith.muli %rem3A_51, %mul3A_54 : i32
        %add3A_56 = arith.addi %mul3A_53, %mul3A_55 : i32
        "tpu.region"() ({
          %run_scoped3A = tpu.sem_alloc : memref<!tpu.dma_semaphore, #tpu.memory_space<semaphore_mem>>
          %dma_start3A_79 = tpu.memref_slice %arg4[%add3A_56] : memref<320000xi32, #tpu.memory_space<hbm>> -> memref<80xi32, #tpu.memory_space<hbm>>
          %dma_start3A_80 = tpu.memref_slice %arg4[%add3A_56] : memref<320000xi32, #tpu.memory_space<hbm>> -> memref<80xi32, #tpu.memory_space<hbm>>
          tpu.enqueue_dma source(%dma_start3A_80 : memref<80xi32, #tpu.memory_space<hbm>>) target(%arg9 : memref<80xi32, #tpu.memory_space<vmem>>) target_semaphore(%run_scoped3A : memref<!tpu.dma_semaphore, #tpu.memory_space<semaphore_mem>>)
          %dma_wait3A_81 = tpu.memref_slice %arg4[%add3A_56] : memref<320000xi32, #tpu.memory_space<hbm>> -> memref<80xi32, #tpu.memory_space<hbm>>
          %dma_wait3A_82 = tpu.memref_slice %arg4[%add3A_56] : memref<320000xi32, #tpu.memory_space<hbm>> -> memref<80xi32, #tpu.memory_space<hbm>>
          tpu.wait_dma2 semaphore(%run_scoped3A : memref<!tpu.dma_semaphore, #tpu.memory_space<semaphore_mem>>) src(%dma_wait3A_82 : memref<80xi32, #tpu.memory_space<hbm>>) dst(%arg9 : memref<80xi32, #tpu.memory_space<vmem>>)
          tpu.yield
        }) : () -> ()
        "tpu.region"() ({
          %run_scoped3A = tpu.sem_alloc : memref<!tpu.dma_semaphore, #tpu.memory_space<semaphore_mem>>
          %dma_start3A_79 = tpu.memref_slice %arg5[%add3A_56] : memref<320000xi32, #tpu.memory_space<hbm>> -> memref<80xi32, #tpu.memory_space<hbm>>
          %dma_start3A_80 = tpu.memref_slice %arg5[%add3A_56] : memref<320000xi32, #tpu.memory_space<hbm>> -> memref<80xi32, #tpu.memory_space<hbm>>
          tpu.enqueue_dma source(%dma_start3A_80 : memref<80xi32, #tpu.memory_space<hbm>>) target(%arg11 : memref<80xi32, #tpu.memory_space<vmem>>) target_semaphore(%run_scoped3A : memref<!tpu.dma_semaphore, #tpu.memory_space<semaphore_mem>>)
          %dma_wait3A_81 = tpu.memref_slice %arg5[%add3A_56] : memref<320000xi32, #tpu.memory_space<hbm>> -> memref<80xi32, #tpu.memory_space<hbm>>
          %dma_wait3A_82 = tpu.memref_slice %arg5[%add3A_56] : memref<320000xi32, #tpu.memory_space<hbm>> -> memref<80xi32, #tpu.memory_space<hbm>>
          tpu.wait_dma2 semaphore(%run_scoped3A : memref<!tpu.dma_semaphore, #tpu.memory_space<semaphore_mem>>) src(%dma_wait3A_82 : memref<80xi32, #tpu.memory_space<hbm>>) dst(%arg11 : memref<80xi32, #tpu.memory_space<vmem>>)
          tpu.yield
        }) : () -> ()
        %dma_start3A_57 = arith.constant 0 : i32
        %dma_start3A_58 = arith.constant 0 : i32
        %dma_start3A_59 = tpu.memref_slice %arg3[%dma_start3A_57, %dma_start3A_58] : memref<10240x128xf32, #tpu.memory_space<hbm>> -> memref<10240x128xf32, #tpu.memory_space<hbm>>
        tpu.enqueue_indirect_dma source(%dma_start3A_59 : memref<10240x128xf32, #tpu.memory_space<hbm>>) target(%arg13 : memref<80x128xf32, #tpu.memory_space<vmem>>) offsets(%arg9 : memref<80xi32, #tpu.memory_space<vmem>>) semaphore(%arg16 : memref<!tpu.dma_semaphore, #tpu.memory_space<semaphore_mem>>)
        %mul3A_60 = arith.constant 2 : i32
        %mul3A_61 = arith.muli %mul3A_60, %scan3A_41 : i32
        %add3A_62 = arith.constant 1 : i32
        %add3A_63 = arith.addi %mul3A_61, %add3A_62 : i32
        %dma_wait3A_64 = arith.constant 0 : i32
        %dma_wait3A_65 = arith.constant 0 : i32
        %dma_wait3A_66 = tpu.memref_slice %arg3[%dma_wait3A_64, %dma_wait3A_65] : memref<10240x128xf32, #tpu.memory_space<hbm>> -> memref<10240x128xf32, #tpu.memory_space<hbm>>
        tpu.wait_indirect_dma semaphore(%arg17 : memref<!tpu.dma_semaphore, #tpu.memory_space<semaphore_mem>>) src(%dma_wait3A_66 : memref<10240x128xf32, #tpu.memory_space<hbm>>) dst(%arg14 : memref<80x128xf32, #tpu.memory_space<vmem>>)
        "tpu.region"() ({
          %run_scoped3A = tpu.sem_alloc : memref<!tpu.dma_semaphore, #tpu.memory_space<semaphore_mem>>
          %dma_start3A_79 = arith.constant 0 : i32
          %dma_start3A_80 = arith.constant 0 : i32
          %dma_start3A_81 = tpu.memref_slice %arg15[%dma_start3A_79, %dma_start3A_80] : memref<10240x128xf32, #tpu.memory_space<vmem_shared>> -> memref<10240x128xf32, #tpu.memory_space<vmem_shared>>
          tpu.enqueue_indirect_dma source(%arg14 : memref<80x128xf32, #tpu.memory_space<vmem>>) target(%dma_start3A_81 : memref<10240x128xf32, #tpu.memory_space<vmem_shared>>) offsets(%arg12 : memref<80xi32, #tpu.memory_space<vmem>>) semaphore(%run_scoped3A : memref<!tpu.dma_semaphore, #tpu.memory_space<semaphore_mem>>) {add = true}
          %dma_wait3A_82 = arith.constant 0 : i32
          %dma_wait3A_83 = arith.constant 0 : i32
          %dma_wait3A_84 = tpu.memref_slice %arg15[%dma_wait3A_82, %dma_wait3A_83] : memref<10240x128xf32, #tpu.memory_space<vmem_shared>> -> memref<10240x128xf32, #tpu.memory_space<vmem_shared>>
          tpu.wait_indirect_dma semaphore(%run_scoped3A : memref<!tpu.dma_semaphore, #tpu.memory_space<semaphore_mem>>) src(%arg14 : memref<80x128xf32, #tpu.memory_space<vmem>>) dst(%dma_wait3A_84 : memref<10240x128xf32, #tpu.memory_space<vmem_shared>>)
          tpu.yield
        }) : () -> ()
        %add3A_67 = arith.constant 2 : i32
        %add3A_68 = arith.addi %add3A_63, %add3A_67 : i32
        %rem3A_69 = arith.constant 250 : i32
        %rem3A_70 = arith.remsi %add3A_68, %rem3A_69 : i32
        %mul3A_71 = arith.constant 20000 : i32
        %mul3A_72 = arith.muli %arg1, %mul3A_71 : i32
        %mul3A_73 = arith.constant 80 : i32
        %mul3A_74 = arith.muli %rem3A_70, %mul3A_73 : i32
        %add3A_75 = arith.addi %mul3A_72, %mul3A_74 : i32
        "tpu.region"() ({
          %run_scoped3A = tpu.sem_alloc : memref<!tpu.dma_semaphore, #tpu.memory_space<semaphore_mem>>
          %dma_start3A_79 = tpu.memref_slice %arg4[%add3A_75] : memref<320000xi32, #tpu.memory_space<hbm>> -> memref<80xi32, #tpu.memory_space<hbm>>
          %dma_start3A_80 = tpu.memref_slice %arg4[%add3A_75] : memref<320000xi32, #tpu.memory_space<hbm>> -> memref<80xi32, #tpu.memory_space<hbm>>
          tpu.enqueue_dma source(%dma_start3A_80 : memref<80xi32, #tpu.memory_space<hbm>>) target(%arg10 : memref<80xi32, #tpu.memory_space<vmem>>) target_semaphore(%run_scoped3A : memref<!tpu.dma_semaphore, #tpu.memory_space<semaphore_mem>>)
          %dma_wait3A_81 = tpu.memref_slice %arg4[%add3A_75] : memref<320000xi32, #tpu.memory_space<hbm>> -> memref<80xi32, #tpu.memory_space<hbm>>
          %dma_wait3A_82 = tpu.memref_slice %arg4[%add3A_75] : memref<320000xi32, #tpu.memory_space<hbm>> -> memref<80xi32, #tpu.memory_space<hbm>>
          tpu.wait_dma2 semaphore(%run_scoped3A : memref<!tpu.dma_semaphore, #tpu.memory_space<semaphore_mem>>) src(%dma_wait3A_82 : memref<80xi32, #tpu.memory_space<hbm>>) dst(%arg10 : memref<80xi32, #tpu.memory_space<vmem>>)
          tpu.yield
        }) : () -> ()
        "tpu.region"() ({
          %run_scoped3A = tpu.sem_alloc : memref<!tpu.dma_semaphore, #tpu.memory_space<semaphore_mem>>
          %dma_start3A_79 = tpu.memref_slice %arg5[%add3A_75] : memref<320000xi32, #tpu.memory_space<hbm>> -> memref<80xi32, #tpu.memory_space<hbm>>
          %dma_start3A_80 = tpu.memref_slice %arg5[%add3A_75] : memref<320000xi32, #tpu.memory_space<hbm>> -> memref<80xi32, #tpu.memory_space<hbm>>
          tpu.enqueue_dma source(%dma_start3A_80 : memref<80xi32, #tpu.memory_space<hbm>>) target(%arg12 : memref<80xi32, #tpu.memory_space<vmem>>) target_semaphore(%run_scoped3A : memref<!tpu.dma_semaphore, #tpu.memory_space<semaphore_mem>>)
          %dma_wait3A_81 = tpu.memref_slice %arg5[%add3A_75] : memref<320000xi32, #tpu.memory_space<hbm>> -> memref<80xi32, #tpu.memory_space<hbm>>
          %dma_wait3A_82 = tpu.memref_slice %arg5[%add3A_75] : memref<320000xi32, #tpu.memory_space<hbm>> -> memref<80xi32, #tpu.memory_space<hbm>>
          tpu.wait_dma2 semaphore(%run_scoped3A : memref<!tpu.dma_semaphore, #tpu.memory_space<semaphore_mem>>) src(%dma_wait3A_82 : memref<80xi32, #tpu.memory_space<hbm>>) dst(%arg12 : memref<80xi32, #tpu.memory_space<vmem>>)
          tpu.yield
        }) : () -> ()
        %dma_start3A_76 = arith.constant 0 : i32
        %dma_start3A_77 = arith.constant 0 : i32
        %dma_start3A_78 = tpu.memref_slice %arg3[%dma_start3A_76, %dma_start3A_77] : memref<10240x128xf32, #tpu.memory_space<hbm>> -> memref<10240x128xf32, #tpu.memory_space<hbm>>
        tpu.enqueue_indirect_dma source(%dma_start3A_78 : memref<10240x128xf32, #tpu.memory_space<hbm>>) target(%arg14 : memref<80x128xf32, #tpu.memory_space<vmem>>) offsets(%arg10 : memref<80xi32, #tpu.memory_space<vmem>>) semaphore(%arg17 : memref<!tpu.dma_semaphore, #tpu.memory_space<semaphore_mem>>)
      }
      %scan3A_35 = arith.constant 125 : i32
      %dma_wait3A = arith.constant 0 : i32
      %dma_wait3A_36 = arith.constant 0 : i32
      %dma_wait3A_37 = tpu.memref_slice %arg3[%dma_wait3A, %dma_wait3A_36] : memref<10240x128xf32, #tpu.memory_space<hbm>> -> memref<10240x128xf32, #tpu.memory_space<hbm>>
      tpu.wait_indirect_dma semaphore(%arg16 : memref<!tpu.dma_semaphore, #tpu.memory_space<semaphore_mem>>) src(%dma_wait3A_37 : memref<10240x128xf32, #tpu.memory_space<hbm>>) dst(%arg13 : memref<80x128xf32, #tpu.memory_space<vmem>>)
      %dma_wait3A_38 = arith.constant 0 : i32
      %dma_wait3A_39 = arith.constant 0 : i32
      %dma_wait3A_40 = tpu.memref_slice %arg3[%dma_wait3A_38, %dma_wait3A_39] : memref<10240x128xf32, #tpu.memory_space<hbm>> -> memref<10240x128xf32, #tpu.memory_space<hbm>>
      tpu.wait_indirect_dma semaphore(%arg17 : memref<!tpu.dma_semaphore, #tpu.memory_space<semaphore_mem>>) src(%dma_wait3A_40 : memref<10240x128xf32, #tpu.memory_space<hbm>>) dst(%arg14 : memref<80x128xf32, #tpu.memory_space<vmem>>)
    } else {
    }
    %barrier3A_8 = arith.constant 0 : index
    tpu.barrier barrier_id(%barrier3A_8)
    %eq3A_9 = arith.constant 0 : i32
    %eq3A_10 = arith.cmpi eq, %arg0, %eq3A_9 : i32
    %convert_element_type3A_11 = arith.extui %eq3A_10 : i1 to i32
    %cond3A_12 = arith.constant 0 : i32
    %cond3A_13 = arith.cmpi ne, %convert_element_type3A_11, %cond3A_12 : i32
    scf.if %cond3A_13 {
      "tpu.region"() ({
        %run_scoped3A = tpu.sem_alloc : memref<!tpu.dma_semaphore, #tpu.memory_space<semaphore_mem>>
        %dma_start3A = arith.constant 0 : i32
        %dma_start3A_19 = tpu.memref_slice %arg7[%mul3A_0, %dma_start3A] : memref<10240x128xf32, #tpu.memory_space<hbm>> -> memref<640x128xf32, #tpu.memory_space<hbm>>
        %dma_start3A_20 = arith.constant 0 : i32
        %dma_start3A_21 = tpu.memref_slice %arg15[%mul3A_0, %dma_start3A_20] : memref<10240x128xf32, #tpu.memory_space<vmem_shared>> -> memref<640x128xf32, #tpu.memory_space<vmem_shared>>
        tpu.enqueue_dma source(%dma_start3A_21 : memref<640x128xf32, #tpu.memory_space<vmem_shared>>) target(%dma_start3A_19 : memref<640x128xf32, #tpu.memory_space<hbm>>) target_semaphore(%run_scoped3A : memref<!tpu.dma_semaphore, #tpu.memory_space<semaphore_mem>>)
        %dma_wait3A = arith.constant 0 : i32
        %dma_wait3A_22 = tpu.memref_slice %arg7[%mul3A_0, %dma_wait3A] : memref<10240x128xf32, #tpu.memory_space<hbm>> -> memref<640x128xf32, #tpu.memory_space<hbm>>
        %dma_wait3A_23 = arith.constant 0 : i32
        %dma_wait3A_24 = tpu.memref_slice %arg15[%mul3A_0, %dma_wait3A_23] : memref<10240x128xf32, #tpu.memory_space<vmem_shared>> -> memref<640x128xf32, #tpu.memory_space<vmem_shared>>
        tpu.wait_dma2 semaphore(%run_scoped3A : memref<!tpu.dma_semaphore, #tpu.memory_space<semaphore_mem>>) src(%dma_wait3A_24 : memref<640x128xf32, #tpu.memory_space<vmem_shared>>) dst(%dma_wait3A_22 : memref<640x128xf32, #tpu.memory_space<hbm>>)
        tpu.yield
      }) : () -> ()
    } else {
    }
    %eq3A_14 = arith.constant 1 : i32
    %eq3A_15 = arith.cmpi eq, %arg0, %eq3A_14 : i32
    %convert_element_type3A_16 = arith.extui %eq3A_15 : i1 to i32
    %cond3A_17 = arith.constant 0 : i32
    %cond3A_18 = arith.cmpi ne, %convert_element_type3A_16, %cond3A_17 : i32
    scf.if %cond3A_18 {
      "tpu.region"() ({
        %run_scoped3A = tpu.sem_alloc : memref<!tpu.dma_semaphore, #tpu.memory_space<semaphore_mem>>
        %dma_start3A = arith.constant 0 : i32
        %dma_start3A_19 = tpu.memref_slice %arg8[%mul3A_0, %dma_start3A] : memref<10240x128xf32, #tpu.memory_space<hbm>> -> memref<640x128xf32, #tpu.memory_space<hbm>>
        %dma_start3A_20 = arith.constant 0 : i32
        %dma_start3A_21 = tpu.memref_slice %arg15[%mul3A_0, %dma_start3A_20] : memref<10240x128xf32, #tpu.memory_space<vmem_shared>> -> memref<640x128xf32, #tpu.memory_space<vmem_shared>>
        tpu.enqueue_dma source(%dma_start3A_21 : memref<640x128xf32, #tpu.memory_space<vmem_shared>>) target(%dma_start3A_19 : memref<640x128xf32, #tpu.memory_space<hbm>>) target_semaphore(%run_scoped3A : memref<!tpu.dma_semaphore, #tpu.memory_space<semaphore_mem>>)
        %dma_wait3A = arith.constant 0 : i32
        %dma_wait3A_22 = tpu.memref_slice %arg8[%mul3A_0, %dma_wait3A] : memref<10240x128xf32, #tpu.memory_space<hbm>> -> memref<640x128xf32, #tpu.memory_space<hbm>>
        %dma_wait3A_23 = arith.constant 0 : i32
        %dma_wait3A_24 = tpu.memref_slice %arg15[%mul3A_0, %dma_wait3A_23] : memref<10240x128xf32, #tpu.memory_space<vmem_shared>> -> memref<640x128xf32, #tpu.memory_space<vmem_shared>>
        tpu.wait_dma2 semaphore(%run_scoped3A : memref<!tpu.dma_semaphore, #tpu.memory_space<semaphore_mem>>) src(%dma_wait3A_24 : memref<640x128xf32, #tpu.memory_space<vmem_shared>>) dst(%dma_wait3A_22 : memref<640x128xf32, #tpu.memory_space<hbm>>)
        tpu.yield
      }) : () -> ()
    } else {
    }
    return
  }
}

#map = affine_map<(d0, d1) -> (0, 0)>
#map1 = affine_map<(d0, d1) -> (0)>
module attributes {stable_mosaic.version = 14 : i64} {
  func.func @k(%arg0: i32, %arg1: i32, %arg2: memref<10240x128xf32, #tpu.memory_space<hbm>>, %arg3: memref<10240x128xf32, #tpu.memory_space<hbm>>, %arg4: memref<320000xi32, #tpu.memory_space<hbm>>, %arg5: memref<320000xi32, #tpu.memory_space<hbm>>, %arg6: memref<640x128xf32, #tpu.memory_space<hbm>>, %arg7: memref<10240x128xf32, #tpu.memory_space<hbm>>, %arg8: memref<10240x128xf32, #tpu.memory_space<hbm>>, %arg9: memref<80xi32, #tpu.memory_space<vmem>>, %arg10: memref<80xi32, #tpu.memory_space<vmem>>, %arg11: memref<80xi32, #tpu.memory_space<vmem>>, %arg12: memref<80xi32, #tpu.memory_space<vmem>>, %arg13: memref<80x128xf32, #tpu.memory_space<vmem>>, %arg14: memref<80x128xf32, #tpu.memory_space<vmem>>, %arg15: memref<10240x128xf32, #tpu.memory_space<vmem_shared>>, %arg16: memref<!tpu.dma_semaphore, #tpu.memory_space<semaphore_mem>>, %arg17: memref<!tpu.dma_semaphore, #tpu.memory_space<semaphore_mem>>) attributes {dimension_semantics = [#tpu.dimension_semantics<core_parallel>, #tpu.dimension_semantics<subcore_parallel>], iteration_bounds = array<i64: 2, 16>, scalar_prefetch = 0 : i64, scratch_operands = 9 : i64, tpu.core_type = #tpu.core_type<sc_vector_subcore>, window_params = [{transform_indices = #map}, {transform_indices = #map}, {transform_indices = #map1}, {transform_indices = #map1}, {transform_indices = #map}, {transform_indices = #map}, {transform_indices = #map}]} {
    %mul3A = arith.constant 640 : i32
    %mul3A_0 = arith.muli %arg1, %mul3A : i32
    "tpu.region"() ({
      %run_scoped3A = tpu.sem_alloc : memref<!tpu.dma_semaphore, #tpu.memory_space<semaphore_mem>>
      %dma_start3A = arith.constant 0 : i32
      %dma_start3A_19 = tpu.memref_slice %arg15[%mul3A_0, %dma_start3A] : memref<10240x128xf32, #tpu.memory_space<vmem_shared>> -> memref<640x128xf32, #tpu.memory_space<vmem_shared>>
      tpu.enqueue_dma source(%arg6 : memref<640x128xf32, #tpu.memory_space<hbm>>) target(%dma_start3A_19 : memref<640x128xf32, #tpu.memory_space<vmem_shared>>) target_semaphore(%run_scoped3A : memref<!tpu.dma_semaphore, #tpu.memory_space<semaphore_mem>>)
      %dma_wait3A = arith.constant 0 : i32
      %dma_wait3A_20 = tpu.memref_slice %arg15[%mul3A_0, %dma_wait3A] : memref<10240x128xf32, #tpu.memory_space<vmem_shared>> -> memref<640x128xf32, #tpu.memory_space<vmem_shared>>
      tpu.wait_dma2 semaphore(%run_scoped3A : memref<!tpu.dma_semaphore, #tpu.memory_space<semaphore_mem>>) src(%arg6 : memref<640x128xf32, #tpu.memory_space<hbm>>) dst(%dma_wait3A_20 : memref<640x128xf32, #tpu.memory_space<vmem_shared>>)
      tpu.yield
    }) : () -> ()
    %barrier3A = arith.constant 0 : index
    tpu.barrier barrier_id(%barrier3A)
    %eq3A = arith.constant 0 : i32
    %eq3A_1 = arith.cmpi eq, %arg0, %eq3A : i32
    %convert_element_type3A = arith.extui %eq3A_1 : i1 to i32
    %cond3A = arith.constant 0 : i32
    %cond3A_2 = arith.cmpi ne, %convert_element_type3A, %cond3A : i32
    scf.if %cond3A_2 {
      %mul3A_19 = arith.constant 20000 : i32
      %mul3A_20 = arith.muli %arg1, %mul3A_19 : i32
      %add3A = arith.constant 0 : i32
      %add3A_21 = arith.addi %mul3A_20, %add3A : i32
      "tpu.region"() ({
        %run_scoped3A = tpu.sem_alloc : memref<!tpu.dma_semaphore, #tpu.memory_space<semaphore_mem>>
        %dma_start3A_41 = tpu.memref_slice %arg4[%add3A_21] : memref<320000xi32, #tpu.memory_space<hbm>> -> memref<80xi32, #tpu.memory_space<hbm>>
        %dma_start3A_42 = tpu.memref_slice %arg4[%add3A_21] : memref<320000xi32, #tpu.memory_space<hbm>> -> memref<80xi32, #tpu.memory_space<hbm>>
        tpu.enqueue_dma source(%dma_start3A_42 : memref<80xi32, #tpu.memory_space<hbm>>) target(%arg9 : memref<80xi32, #tpu.memory_space<vmem>>) target_semaphore(%run_scoped3A : memref<!tpu.dma_semaphore, #tpu.memory_space<semaphore_mem>>)
        %dma_wait3A_43 = tpu.memref_slice %arg4[%add3A_21] : memref<320000xi32, #tpu.memory_space<hbm>> -> memref<80xi32, #tpu.memory_space<hbm>>
        %dma_wait3A_44 = tpu.memref_slice %arg4[%add3A_21] : memref<320000xi32, #tpu.memory_space<hbm>> -> memref<80xi32, #tpu.memory_space<hbm>>
        tpu.wait_dma2 semaphore(%run_scoped3A : memref<!tpu.dma_semaphore, #tpu.memory_space<semaphore_mem>>) src(%dma_wait3A_44 : memref<80xi32, #tpu.memory_space<hbm>>) dst(%arg9 : memref<80xi32, #tpu.memory_space<vmem>>)
        tpu.yield
      }) : () -> ()
      "tpu.region"() ({
        %run_scoped3A = tpu.sem_alloc : memref<!tpu.dma_semaphore, #tpu.memory_space<semaphore_mem>>
        %dma_start3A_41 = tpu.memref_slice %arg5[%add3A_21] : memref<320000xi32, #tpu.memory_space<hbm>> -> memref<80xi32, #tpu.memory_space<hbm>>
        %dma_start3A_42 = tpu.memref_slice %arg5[%add3A_21] : memref<320000xi32, #tpu.memory_space<hbm>> -> memref<80xi32, #tpu.memory_space<hbm>>
        tpu.enqueue_dma source(%dma_start3A_42 : memref<80xi32, #tpu.memory_space<hbm>>) target(%arg11 : memref<80xi32, #tpu.memory_space<vmem>>) target_semaphore(%run_scoped3A : memref<!tpu.dma_semaphore, #tpu.memory_space<semaphore_mem>>)
        %dma_wait3A_43 = tpu.memref_slice %arg5[%add3A_21] : memref<320000xi32, #tpu.memory_space<hbm>> -> memref<80xi32, #tpu.memory_space<hbm>>
        %dma_wait3A_44 = tpu.memref_slice %arg5[%add3A_21] : memref<320000xi32, #tpu.memory_space<hbm>> -> memref<80xi32, #tpu.memory_space<hbm>>
        tpu.wait_dma2 semaphore(%run_scoped3A : memref<!tpu.dma_semaphore, #tpu.memory_space<semaphore_mem>>) src(%dma_wait3A_44 : memref<80xi32, #tpu.memory_space<hbm>>) dst(%arg11 : memref<80xi32, #tpu.memory_space<vmem>>)
        tpu.yield
      }) : () -> ()
      %dma_start3A = arith.constant 0 : i32
      %dma_start3A_22 = arith.constant 0 : i32
      %dma_start3A_23 = tpu.memref_slice %arg2[%dma_start3A, %dma_start3A_22] : memref<10240x128xf32, #tpu.memory_space<hbm>> -> memref<10240x128xf32, #tpu.memory_space<hbm>>
      tpu.enqueue_indirect_dma source(%dma_start3A_23 : memref<10240x128xf32, #tpu.memory_space<hbm>>) target(%arg13 : memref<80x128xf32, #tpu.memory_space<vmem>>) offsets(%arg9 : memref<80xi32, #tpu.memory_space<vmem>>) semaphore(%arg16 : memref<!tpu.dma_semaphore, #tpu.memory_space<semaphore_mem>>)
      %mul3A_24 = arith.constant 20000 : i32
      %mul3A_25 = arith.muli %arg1, %mul3A_24 : i32
      %add3A_26 = arith.constant 80 : i32
      %add3A_27 = arith.addi %mul3A_25, %add3A_26 : i32
      "tpu.region"() ({
        %run_scoped3A = tpu.sem_alloc : memref<!tpu.dma_semaphore, #tpu.memory_space<semaphore_mem>>
        %dma_start3A_41 = tpu.memref_slice %arg4[%add3A_27] : memref<320000xi32, #tpu.memory_space<hbm>> -> memref<80xi32, #tpu.memory_space<hbm>>
        %dma_start3A_42 = tpu.memref_slice %arg4[%add3A_27] : memref<320000xi32, #tpu.memory_space<hbm>> -> memref<80xi32, #tpu.memory_space<hbm>>
        tpu.enqueue_dma source(%dma_start3A_42 : memref<80xi32, #tpu.memory_space<hbm>>) target(%arg10 : memref<80xi32, #tpu.memory_space<vmem>>) target_semaphore(%run_scoped3A : memref<!tpu.dma_semaphore, #tpu.memory_space<semaphore_mem>>)
        %dma_wait3A_43 = tpu.memref_slice %arg4[%add3A_27] : memref<320000xi32, #tpu.memory_space<hbm>> -> memref<80xi32, #tpu.memory_space<hbm>>
        %dma_wait3A_44 = tpu.memref_slice %arg4[%add3A_27] : memref<320000xi32, #tpu.memory_space<hbm>> -> memref<80xi32, #tpu.memory_space<hbm>>
        tpu.wait_dma2 semaphore(%run_scoped3A : memref<!tpu.dma_semaphore, #tpu.memory_space<semaphore_mem>>) src(%dma_wait3A_44 : memref<80xi32, #tpu.memory_space<hbm>>) dst(%arg10 : memref<80xi32, #tpu.memory_space<vmem>>)
        tpu.yield
      }) : () -> ()
      "tpu.region"() ({
        %run_scoped3A = tpu.sem_alloc : memref<!tpu.dma_semaphore, #tpu.memory_space<semaphore_mem>>
        %dma_start3A_41 = tpu.memref_slice %arg5[%add3A_27] : memref<320000xi32, #tpu.memory_space<hbm>> -> memref<80xi32, #tpu.memory_space<hbm>>
        %dma_start3A_42 = tpu.memref_slice %arg5[%add3A_27] : memref<320000xi32, #tpu.memory_space<hbm>> -> memref<80xi32, #tpu.memory_space<hbm>>
        tpu.enqueue_dma source(%dma_start3A_42 : memref<80xi32, #tpu.memory_space<hbm>>) target(%arg12 : memref<80xi32, #tpu.memory_space<vmem>>) target_semaphore(%run_scoped3A : memref<!tpu.dma_semaphore, #tpu.memory_space<semaphore_mem>>)
        %dma_wait3A_43 = tpu.memref_slice %arg5[%add3A_27] : memref<320000xi32, #tpu.memory_space<hbm>> -> memref<80xi32, #tpu.memory_space<hbm>>
        %dma_wait3A_44 = tpu.memref_slice %arg5[%add3A_27] : memref<320000xi32, #tpu.memory_space<hbm>> -> memref<80xi32, #tpu.memory_space<hbm>>
        tpu.wait_dma2 semaphore(%run_scoped3A : memref<!tpu.dma_semaphore, #tpu.memory_space<semaphore_mem>>) src(%dma_wait3A_44 : memref<80xi32, #tpu.memory_space<hbm>>) dst(%arg12 : memref<80xi32, #tpu.memory_space<vmem>>)
        tpu.yield
      }) : () -> ()
      %dma_start3A_28 = arith.constant 0 : i32
      %dma_start3A_29 = arith.constant 0 : i32
      %dma_start3A_30 = tpu.memref_slice %arg2[%dma_start3A_28, %dma_start3A_29] : memref<10240x128xf32, #tpu.memory_space<hbm>> -> memref<10240x128xf32, #tpu.memory_space<hbm>>
      tpu.enqueue_indirect_dma source(%dma_start3A_30 : memref<10240x128xf32, #tpu.memory_space<hbm>>) target(%arg14 : memref<80x128xf32, #tpu.memory_space<vmem>>) offsets(%arg10 : memref<80xi32, #tpu.memory_space<vmem>>) semaphore(%arg17 : memref<!tpu.dma_semaphore, #tpu.memory_space<semaphore_mem>>)
      %scan3A = arith.constant 0 : i32
      %scan3A_31 = arith.constant 0 : i32
      %scan3A_32 = arith.constant 125 : i32
      %scan3A_33 = arith.addi %scan3A_31, %scan3A_32 : i32
      %scan3A_34 = arith.constant 1 : i32
      scf.for %scan3A_41 = %scan3A_31 to %scan3A_33 step %scan3A_34  : i32 {
        %mul3A_42 = arith.constant 2 : i32
        %mul3A_43 = arith.muli %mul3A_42, %scan3A_41 : i32
        %add3A_44 = arith.constant 0 : i32
        %add3A_45 = arith.addi %mul3A_43, %add3A_44 : i32
        %dma_wait3A_46 = arith.constant 0 : i32
        %dma_wait3A_47 = arith.constant 0 : i32
        %dma_wait3A_48 = tpu.memref_slice %arg2[%dma_wait3A_46, %dma_wait3A_47] : memref<10240x128xf32, #tpu.memory_space<hbm>> -> memref<10240x128xf32, #tpu.memory_space<hbm>>
        tpu.wait_indirect_dma semaphore(%arg16 : memref<!tpu.dma_semaphore, #tpu.memory_space<semaphore_mem>>) src(%dma_wait3A_48 : memref<10240x128xf32, #tpu.memory_space<hbm>>) dst(%arg13 : memref<80x128xf32, #tpu.memory_space<vmem>>)
        "tpu.region"() ({
          %run_scoped3A = tpu.sem_alloc : memref<!tpu.dma_semaphore, #tpu.memory_space<semaphore_mem>>
          %dma_start3A_79 = arith.constant 0 : i32
          %dma_start3A_80 = arith.constant 0 : i32
          %dma_start3A_81 = tpu.memref_slice %arg15[%dma_start3A_79, %dma_start3A_80] : memref<10240x128xf32, #tpu.memory_space<vmem_shared>> -> memref<10240x128xf32, #tpu.memory_space<vmem_shared>>
          tpu.enqueue_indirect_dma source(%arg13 : memref<80x128xf32, #tpu.memory_space<vmem>>) target(%dma_start3A_81 : memref<10240x128xf32, #tpu.memory_space<vmem_shared>>) offsets(%arg11 : memref<80xi32, #tpu.memory_space<vmem>>) semaphore(%run_scoped3A : memref<!tpu.dma_semaphore, #tpu.memory_space<semaphore_mem>>) {add = true}
          %dma_wait3A_82 = arith.constant 0 : i32
          %dma_wait3A_83 = arith.constant 0 : i32
          %dma_wait3A_84 = tpu.memref_slice %arg15[%dma_wait3A_82, %dma_wait3A_83] : memref<10240x128xf32, #tpu.memory_space<vmem_shared>> -> memref<10240x128xf32, #tpu.memory_space<vmem_shared>>
          tpu.wait_indirect_dma semaphore(%run_scoped3A : memref<!tpu.dma_semaphore, #tpu.memory_space<semaphore_mem>>) src(%arg13 : memref<80x128xf32, #tpu.memory_space<vmem>>) dst(%dma_wait3A_84 : memref<10240x128xf32, #tpu.memory_space<vmem_shared>>)
          tpu.yield
        }) : () -> ()
        %add3A_49 = arith.constant 2 : i32
        %add3A_50 = arith.addi %add3A_45, %add3A_49 : i32
        %rem3A = arith.constant 250 : i32
        %rem3A_51 = arith.remsi %add3A_50, %rem3A : i32
        %mul3A_52 = arith.constant 20000 : i32
        %mul3A_53 = arith.muli %arg1, %mul3A_52 : i32
        %mul3A_54 = arith.constant 80 : i32
        %mul3A_55 = arith.muli %rem3A_51, %mul3A_54 : i32
        %add3A_56 = arith.addi %mul3A_53, %mul3A_55 : i32
        "tpu.region"() ({
          %run_scoped3A = tpu.sem_alloc : memref<!tpu.dma_semaphore, #tpu.memory_space<semaphore_mem>>
          %dma_start3A_79 = tpu.memref_slice %arg4[%add3A_56] : memref<320000xi32, #tpu.memory_space<hbm>> -> memref<80xi32, #tpu.memory_space<hbm>>
          %dma_start3A_80 = tpu.memref_slice %arg4[%add3A_56] : memref<320000xi32, #tpu.memory_space<hbm>> -> memref<80xi32, #tpu.memory_space<hbm>>
          tpu.enqueue_dma source(%dma_start3A_80 : memref<80xi32, #tpu.memory_space<hbm>>) target(%arg9 : memref<80xi32, #tpu.memory_space<vmem>>) target_semaphore(%run_scoped3A : memref<!tpu.dma_semaphore, #tpu.memory_space<semaphore_mem>>)
          %dma_wait3A_81 = tpu.memref_slice %arg4[%add3A_56] : memref<320000xi32, #tpu.memory_space<hbm>> -> memref<80xi32, #tpu.memory_space<hbm>>
          %dma_wait3A_82 = tpu.memref_slice %arg4[%add3A_56] : memref<320000xi32, #tpu.memory_space<hbm>> -> memref<80xi32, #tpu.memory_space<hbm>>
          tpu.wait_dma2 semaphore(%run_scoped3A : memref<!tpu.dma_semaphore, #tpu.memory_space<semaphore_mem>>) src(%dma_wait3A_82 : memref<80xi32, #tpu.memory_space<hbm>>) dst(%arg9 : memref<80xi32, #tpu.memory_space<vmem>>)
          tpu.yield
        }) : () -> ()
        "tpu.region"() ({
          %run_scoped3A = tpu.sem_alloc : memref<!tpu.dma_semaphore, #tpu.memory_space<semaphore_mem>>
          %dma_start3A_79 = tpu.memref_slice %arg5[%add3A_56] : memref<320000xi32, #tpu.memory_space<hbm>> -> memref<80xi32, #tpu.memory_space<hbm>>
          %dma_start3A_80 = tpu.memref_slice %arg5[%add3A_56] : memref<320000xi32, #tpu.memory_space<hbm>> -> memref<80xi32, #tpu.memory_space<hbm>>
          tpu.enqueue_dma source(%dma_start3A_80 : memref<80xi32, #tpu.memory_space<hbm>>) target(%arg11 : memref<80xi32, #tpu.memory_space<vmem>>) target_semaphore(%run_scoped3A : memref<!tpu.dma_semaphore, #tpu.memory_space<semaphore_mem>>)
          %dma_wait3A_81 = tpu.memref_slice %arg5[%add3A_56] : memref<320000xi32, #tpu.memory_space<hbm>> -> memref<80xi32, #tpu.memory_space<hbm>>
          %dma_wait3A_82 = tpu.memref_slice %arg5[%add3A_56] : memref<320000xi32, #tpu.memory_space<hbm>> -> memref<80xi32, #tpu.memory_space<hbm>>
          tpu.wait_dma2 semaphore(%run_scoped3A : memref<!tpu.dma_semaphore, #tpu.memory_space<semaphore_mem>>) src(%dma_wait3A_82 : memref<80xi32, #tpu.memory_space<hbm>>) dst(%arg11 : memref<80xi32, #tpu.memory_space<vmem>>)
          tpu.yield
        }) : () -> ()
        %dma_start3A_57 = arith.constant 0 : i32
        %dma_start3A_58 = arith.constant 0 : i32
        %dma_start3A_59 = tpu.memref_slice %arg2[%dma_start3A_57, %dma_start3A_58] : memref<10240x128xf32, #tpu.memory_space<hbm>> -> memref<10240x128xf32, #tpu.memory_space<hbm>>
        tpu.enqueue_indirect_dma source(%dma_start3A_59 : memref<10240x128xf32, #tpu.memory_space<hbm>>) target(%arg13 : memref<80x128xf32, #tpu.memory_space<vmem>>) offsets(%arg9 : memref<80xi32, #tpu.memory_space<vmem>>) semaphore(%arg16 : memref<!tpu.dma_semaphore, #tpu.memory_space<semaphore_mem>>)
        %mul3A_60 = arith.constant 2 : i32
        %mul3A_61 = arith.muli %mul3A_60, %scan3A_41 : i32
        %add3A_62 = arith.constant 1 : i32
        %add3A_63 = arith.addi %mul3A_61, %add3A_62 : i32
        %dma_wait3A_64 = arith.constant 0 : i32
        %dma_wait3A_65 = arith.constant 0 : i32
        %dma_wait3A_66 = tpu.memref_slice %arg2[%dma_wait3A_64, %dma_wait3A_65] : memref<10240x128xf32, #tpu.memory_space<hbm>> -> memref<10240x128xf32, #tpu.memory_space<hbm>>
        tpu.wait_indirect_dma semaphore(%arg17 : memref<!tpu.dma_semaphore, #tpu.memory_space<semaphore_mem>>) src(%dma_wait3A_66 : memref<10240x128xf32, #tpu.memory_space<hbm>>) dst(%arg14 : memref<80x128xf32, #tpu.memory_space<vmem>>)
        "tpu.region"() ({
          %run_scoped3A = tpu.sem_alloc : memref<!tpu.dma_semaphore, #tpu.memory_space<semaphore_mem>>
          %dma_start3A_79 = arith.constant 0 : i32
          %dma_start3A_80 = arith.constant 0 : i32
          %dma_start3A_81 = tpu.memref_slice %arg15[%dma_start3A_79, %dma_start3A_80] : memref<10240x128xf32, #tpu.memory_space<vmem_shared>> -> memref<10240x128xf32, #tpu.memory_space<vmem_shared>>
          tpu.enqueue_indirect_dma source(%arg14 : memref<80x128xf32, #tpu.memory_space<vmem>>) target(%dma_start3A_81 : memref<10240x128xf32, #tpu.memory_space<vmem_shared>>) offsets(%arg12 : memref<80xi32, #tpu.memory_space<vmem>>) semaphore(%run_scoped3A : memref<!tpu.dma_semaphore, #tpu.memory_space<semaphore_mem>>) {add = true}
          %dma_wait3A_82 = arith.constant 0 : i32
          %dma_wait3A_83 = arith.constant 0 : i32
          %dma_wait3A_84 = tpu.memref_slice %arg15[%dma_wait3A_82, %dma_wait3A_83] : memref<10240x128xf32, #tpu.memory_space<vmem_shared>> -> memref<10240x128xf32, #tpu.memory_space<vmem_shared>>
          tpu.wait_indirect_dma semaphore(%run_scoped3A : memref<!tpu.dma_semaphore, #tpu.memory_space<semaphore_mem>>) src(%arg14 : memref<80x128xf32, #tpu.memory_space<vmem>>) dst(%dma_wait3A_84 : memref<10240x128xf32, #tpu.memory_space<vmem_shared>>)
          tpu.yield
        }) : () -> ()
        %add3A_67 = arith.constant 2 : i32
        %add3A_68 = arith.addi %add3A_63, %add3A_67 : i32
        %rem3A_69 = arith.constant 250 : i32
        %rem3A_70 = arith.remsi %add3A_68, %rem3A_69 : i32
        %mul3A_71 = arith.constant 20000 : i32
        %mul3A_72 = arith.muli %arg1, %mul3A_71 : i32
        %mul3A_73 = arith.constant 80 : i32
        %mul3A_74 = arith.muli %rem3A_70, %mul3A_73 : i32
        %add3A_75 = arith.addi %mul3A_72, %mul3A_74 : i32
        "tpu.region"() ({
          %run_scoped3A = tpu.sem_alloc : memref<!tpu.dma_semaphore, #tpu.memory_space<semaphore_mem>>
          %dma_start3A_79 = tpu.memref_slice %arg4[%add3A_75] : memref<320000xi32, #tpu.memory_space<hbm>> -> memref<80xi32, #tpu.memory_space<hbm>>
          %dma_start3A_80 = tpu.memref_slice %arg4[%add3A_75] : memref<320000xi32, #tpu.memory_space<hbm>> -> memref<80xi32, #tpu.memory_space<hbm>>
          tpu.enqueue_dma source(%dma_start3A_80 : memref<80xi32, #tpu.memory_space<hbm>>) target(%arg10 : memref<80xi32, #tpu.memory_space<vmem>>) target_semaphore(%run_scoped3A : memref<!tpu.dma_semaphore, #tpu.memory_space<semaphore_mem>>)
          %dma_wait3A_81 = tpu.memref_slice %arg4[%add3A_75] : memref<320000xi32, #tpu.memory_space<hbm>> -> memref<80xi32, #tpu.memory_space<hbm>>
          %dma_wait3A_82 = tpu.memref_slice %arg4[%add3A_75] : memref<320000xi32, #tpu.memory_space<hbm>> -> memref<80xi32, #tpu.memory_space<hbm>>
          tpu.wait_dma2 semaphore(%run_scoped3A : memref<!tpu.dma_semaphore, #tpu.memory_space<semaphore_mem>>) src(%dma_wait3A_82 : memref<80xi32, #tpu.memory_space<hbm>>) dst(%arg10 : memref<80xi32, #tpu.memory_space<vmem>>)
          tpu.yield
        }) : () -> ()
        "tpu.region"() ({
          %run_scoped3A = tpu.sem_alloc : memref<!tpu.dma_semaphore, #tpu.memory_space<semaphore_mem>>
          %dma_start3A_79 = tpu.memref_slice %arg5[%add3A_75] : memref<320000xi32, #tpu.memory_space<hbm>> -> memref<80xi32, #tpu.memory_space<hbm>>
          %dma_start3A_80 = tpu.memref_slice %arg5[%add3A_75] : memref<320000xi32, #tpu.memory_space<hbm>> -> memref<80xi32, #tpu.memory_space<hbm>>
          tpu.enqueue_dma source(%dma_start3A_80 : memref<80xi32, #tpu.memory_space<hbm>>) target(%arg12 : memref<80xi32, #tpu.memory_space<vmem>>) target_semaphore(%run_scoped3A : memref<!tpu.dma_semaphore, #tpu.memory_space<semaphore_mem>>)
          %dma_wait3A_81 = tpu.memref_slice %arg5[%add3A_75] : memref<320000xi32, #tpu.memory_space<hbm>> -> memref<80xi32, #tpu.memory_space<hbm>>
          %dma_wait3A_82 = tpu.memref_slice %arg5[%add3A_75] : memref<320000xi32, #tpu.memory_space<hbm>> -> memref<80xi32, #tpu.memory_space<hbm>>
          tpu.wait_dma2 semaphore(%run_scoped3A : memref<!tpu.dma_semaphore, #tpu.memory_space<semaphore_mem>>) src(%dma_wait3A_82 : memref<80xi32, #tpu.memory_space<hbm>>) dst(%arg12 : memref<80xi32, #tpu.memory_space<vmem>>)
          tpu.yield
        }) : () -> ()
        %dma_start3A_76 = arith.constant 0 : i32
        %dma_start3A_77 = arith.constant 0 : i32
        %dma_start3A_78 = tpu.memref_slice %arg2[%dma_start3A_76, %dma_start3A_77] : memref<10240x128xf32, #tpu.memory_space<hbm>> -> memref<10240x128xf32, #tpu.memory_space<hbm>>
        tpu.enqueue_indirect_dma source(%dma_start3A_78 : memref<10240x128xf32, #tpu.memory_space<hbm>>) target(%arg14 : memref<80x128xf32, #tpu.memory_space<vmem>>) offsets(%arg10 : memref<80xi32, #tpu.memory_space<vmem>>) semaphore(%arg17 : memref<!tpu.dma_semaphore, #tpu.memory_space<semaphore_mem>>)
      }
      %scan3A_35 = arith.constant 125 : i32
      %dma_wait3A = arith.constant 0 : i32
      %dma_wait3A_36 = arith.constant 0 : i32
      %dma_wait3A_37 = tpu.memref_slice %arg2[%dma_wait3A, %dma_wait3A_36] : memref<10240x128xf32, #tpu.memory_space<hbm>> -> memref<10240x128xf32, #tpu.memory_space<hbm>>
      tpu.wait_indirect_dma semaphore(%arg16 : memref<!tpu.dma_semaphore, #tpu.memory_space<semaphore_mem>>) src(%dma_wait3A_37 : memref<10240x128xf32, #tpu.memory_space<hbm>>) dst(%arg13 : memref<80x128xf32, #tpu.memory_space<vmem>>)
      %dma_wait3A_38 = arith.constant 0 : i32
      %dma_wait3A_39 = arith.constant 0 : i32
      %dma_wait3A_40 = tpu.memref_slice %arg2[%dma_wait3A_38, %dma_wait3A_39] : memref<10240x128xf32, #tpu.memory_space<hbm>> -> memref<10240x128xf32, #tpu.memory_space<hbm>>
      tpu.wait_indirect_dma semaphore(%arg17 : memref<!tpu.dma_semaphore, #tpu.memory_space<semaphore_mem>>) src(%dma_wait3A_40 : memref<10240x128xf32, #tpu.memory_space<hbm>>) dst(%arg14 : memref<80x128xf32, #tpu.memory_space<vmem>>)
    } else {
    }
    %eq3A_3 = arith.constant 1 : i32
    %eq3A_4 = arith.cmpi eq, %arg0, %eq3A_3 : i32
    %convert_element_type3A_5 = arith.extui %eq3A_4 : i1 to i32
    %cond3A_6 = arith.constant 0 : i32
    %cond3A_7 = arith.cmpi ne, %convert_element_type3A_5, %cond3A_6 : i32
    scf.if %cond3A_7 {
      %mul3A_19 = arith.constant 20000 : i32
      %mul3A_20 = arith.muli %arg1, %mul3A_19 : i32
      %add3A = arith.constant 0 : i32
      %add3A_21 = arith.addi %mul3A_20, %add3A : i32
      "tpu.region"() ({
        %run_scoped3A = tpu.sem_alloc : memref<!tpu.dma_semaphore, #tpu.memory_space<semaphore_mem>>
        %dma_start3A_41 = tpu.memref_slice %arg4[%add3A_21] : memref<320000xi32, #tpu.memory_space<hbm>> -> memref<80xi32, #tpu.memory_space<hbm>>
        %dma_start3A_42 = tpu.memref_slice %arg4[%add3A_21] : memref<320000xi32, #tpu.memory_space<hbm>> -> memref<80xi32, #tpu.memory_space<hbm>>
        tpu.enqueue_dma source(%dma_start3A_42 : memref<80xi32, #tpu.memory_space<hbm>>) target(%arg9 : memref<80xi32, #tpu.memory_space<vmem>>) target_semaphore(%run_scoped3A : memref<!tpu.dma_semaphore, #tpu.memory_space<semaphore_mem>>)
        %dma_wait3A_43 = tpu.memref_slice %arg4[%add3A_21] : memref<320000xi32, #tpu.memory_space<hbm>> -> memref<80xi32, #tpu.memory_space<hbm>>
        %dma_wait3A_44 = tpu.memref_slice %arg4[%add3A_21] : memref<320000xi32, #tpu.memory_space<hbm>> -> memref<80xi32, #tpu.memory_space<hbm>>
        tpu.wait_dma2 semaphore(%run_scoped3A : memref<!tpu.dma_semaphore, #tpu.memory_space<semaphore_mem>>) src(%dma_wait3A_44 : memref<80xi32, #tpu.memory_space<hbm>>) dst(%arg9 : memref<80xi32, #tpu.memory_space<vmem>>)
        tpu.yield
      }) : () -> ()
      "tpu.region"() ({
        %run_scoped3A = tpu.sem_alloc : memref<!tpu.dma_semaphore, #tpu.memory_space<semaphore_mem>>
        %dma_start3A_41 = tpu.memref_slice %arg5[%add3A_21] : memref<320000xi32, #tpu.memory_space<hbm>> -> memref<80xi32, #tpu.memory_space<hbm>>
        %dma_start3A_42 = tpu.memref_slice %arg5[%add3A_21] : memref<320000xi32, #tpu.memory_space<hbm>> -> memref<80xi32, #tpu.memory_space<hbm>>
        tpu.enqueue_dma source(%dma_start3A_42 : memref<80xi32, #tpu.memory_space<hbm>>) target(%arg11 : memref<80xi32, #tpu.memory_space<vmem>>) target_semaphore(%run_scoped3A : memref<!tpu.dma_semaphore, #tpu.memory_space<semaphore_mem>>)
        %dma_wait3A_43 = tpu.memref_slice %arg5[%add3A_21] : memref<320000xi32, #tpu.memory_space<hbm>> -> memref<80xi32, #tpu.memory_space<hbm>>
        %dma_wait3A_44 = tpu.memref_slice %arg5[%add3A_21] : memref<320000xi32, #tpu.memory_space<hbm>> -> memref<80xi32, #tpu.memory_space<hbm>>
        tpu.wait_dma2 semaphore(%run_scoped3A : memref<!tpu.dma_semaphore, #tpu.memory_space<semaphore_mem>>) src(%dma_wait3A_44 : memref<80xi32, #tpu.memory_space<hbm>>) dst(%arg11 : memref<80xi32, #tpu.memory_space<vmem>>)
        tpu.yield
      }) : () -> ()
      %dma_start3A = arith.constant 0 : i32
      %dma_start3A_22 = arith.constant 0 : i32
      %dma_start3A_23 = tpu.memref_slice %arg3[%dma_start3A, %dma_start3A_22] : memref<10240x128xf32, #tpu.memory_space<hbm>> -> memref<10240x128xf32, #tpu.memory_space<hbm>>
      tpu.enqueue_indirect_dma source(%dma_start3A_23 : memref<10240x128xf32, #tpu.memory_space<hbm>>) target(%arg13 : memref<80x128xf32, #tpu.memory_space<vmem>>) offsets(%arg9 : memref<80xi32, #tpu.memory_space<vmem>>) semaphore(%arg16 : memref<!tpu.dma_semaphore, #tpu.memory_space<semaphore_mem>>)
      %mul3A_24 = arith.constant 20000 : i32
      %mul3A_25 = arith.muli %arg1, %mul3A_24 : i32
      %add3A_26 = arith.constant 80 : i32
      %add3A_27 = arith.addi %mul3A_25, %add3A_26 : i32
      "tpu.region"() ({
        %run_scoped3A = tpu.sem_alloc : memref<!tpu.dma_semaphore, #tpu.memory_space<semaphore_mem>>
        %dma_start3A_41 = tpu.memref_slice %arg4[%add3A_27] : memref<320000xi32, #tpu.memory_space<hbm>> -> memref<80xi32, #tpu.memory_space<hbm>>
        %dma_start3A_42 = tpu.memref_slice %arg4[%add3A_27] : memref<320000xi32, #tpu.memory_space<hbm>> -> memref<80xi32, #tpu.memory_space<hbm>>
        tpu.enqueue_dma source(%dma_start3A_42 : memref<80xi32, #tpu.memory_space<hbm>>) target(%arg10 : memref<80xi32, #tpu.memory_space<vmem>>) target_semaphore(%run_scoped3A : memref<!tpu.dma_semaphore, #tpu.memory_space<semaphore_mem>>)
        %dma_wait3A_43 = tpu.memref_slice %arg4[%add3A_27] : memref<320000xi32, #tpu.memory_space<hbm>> -> memref<80xi32, #tpu.memory_space<hbm>>
        %dma_wait3A_44 = tpu.memref_slice %arg4[%add3A_27] : memref<320000xi32, #tpu.memory_space<hbm>> -> memref<80xi32, #tpu.memory_space<hbm>>
        tpu.wait_dma2 semaphore(%run_scoped3A : memref<!tpu.dma_semaphore, #tpu.memory_space<semaphore_mem>>) src(%dma_wait3A_44 : memref<80xi32, #tpu.memory_space<hbm>>) dst(%arg10 : memref<80xi32, #tpu.memory_space<vmem>>)
        tpu.yield
      }) : () -> ()
      "tpu.region"() ({
        %run_scoped3A = tpu.sem_alloc : memref<!tpu.dma_semaphore, #tpu.memory_space<semaphore_mem>>
        %dma_start3A_41 = tpu.memref_slice %arg5[%add3A_27] : memref<320000xi32, #tpu.memory_space<hbm>> -> memref<80xi32, #tpu.memory_space<hbm>>
        %dma_start3A_42 = tpu.memref_slice %arg5[%add3A_27] : memref<320000xi32, #tpu.memory_space<hbm>> -> memref<80xi32, #tpu.memory_space<hbm>>
        tpu.enqueue_dma source(%dma_start3A_42 : memref<80xi32, #tpu.memory_space<hbm>>) target(%arg12 : memref<80xi32, #tpu.memory_space<vmem>>) target_semaphore(%run_scoped3A : memref<!tpu.dma_semaphore, #tpu.memory_space<semaphore_mem>>)
        %dma_wait3A_43 = tpu.memref_slice %arg5[%add3A_27] : memref<320000xi32, #tpu.memory_space<hbm>> -> memref<80xi32, #tpu.memory_space<hbm>>
        %dma_wait3A_44 = tpu.memref_slice %arg5[%add3A_27] : memref<320000xi32, #tpu.memory_space<hbm>> -> memref<80xi32, #tpu.memory_space<hbm>>
        tpu.wait_dma2 semaphore(%run_scoped3A : memref<!tpu.dma_semaphore, #tpu.memory_space<semaphore_mem>>) src(%dma_wait3A_44 : memref<80xi32, #tpu.memory_space<hbm>>) dst(%arg12 : memref<80xi32, #tpu.memory_space<vmem>>)
        tpu.yield
      }) : () -> ()
      %dma_start3A_28 = arith.constant 0 : i32
      %dma_start3A_29 = arith.constant 0 : i32
      %dma_start3A_30 = tpu.memref_slice %arg3[%dma_start3A_28, %dma_start3A_29] : memref<10240x128xf32, #tpu.memory_space<hbm>> -> memref<10240x128xf32, #tpu.memory_space<hbm>>
      tpu.enqueue_indirect_dma source(%dma_start3A_30 : memref<10240x128xf32, #tpu.memory_space<hbm>>) target(%arg14 : memref<80x128xf32, #tpu.memory_space<vmem>>) offsets(%arg10 : memref<80xi32, #tpu.memory_space<vmem>>) semaphore(%arg17 : memref<!tpu.dma_semaphore, #tpu.memory_space<semaphore_mem>>)
      %scan3A = arith.constant 0 : i32
      %scan3A_31 = arith.constant 0 : i32
      %scan3A_32 = arith.constant 125 : i32
      %scan3A_33 = arith.addi %scan3A_31, %scan3A_32 : i32
      %scan3A_34 = arith.constant 1 : i32
      scf.for %scan3A_41 = %scan3A_31 to %scan3A_33 step %scan3A_34  : i32 {
        %mul3A_42 = arith.constant 2 : i32
        %mul3A_43 = arith.muli %mul3A_42, %scan3A_41 : i32
        %add3A_44 = arith.constant 0 : i32
        %add3A_45 = arith.addi %mul3A_43, %add3A_44 : i32
        %dma_wait3A_46 = arith.constant 0 : i32
        %dma_wait3A_47 = arith.constant 0 : i32
        %dma_wait3A_48 = tpu.memref_slice %arg3[%dma_wait3A_46, %dma_wait3A_47] : memref<10240x128xf32, #tpu.memory_space<hbm>> -> memref<10240x128xf32, #tpu.memory_space<hbm>>
        tpu.wait_indirect_dma semaphore(%arg16 : memref<!tpu.dma_semaphore, #tpu.memory_space<semaphore_mem>>) src(%dma_wait3A_48 : memref<10240x128xf32, #tpu.memory_space<hbm>>) dst(%arg13 : memref<80x128xf32, #tpu.memory_space<vmem>>)
        "tpu.region"() ({
          %run_scoped3A = tpu.sem_alloc : memref<!tpu.dma_semaphore, #tpu.memory_space<semaphore_mem>>
          %dma_start3A_79 = arith.constant 0 : i32
          %dma_start3A_80 = arith.constant 0 : i32
          %dma_start3A_81 = tpu.memref_slice %arg15[%dma_start3A_79, %dma_start3A_80] : memref<10240x128xf32, #tpu.memory_space<vmem_shared>> -> memref<10240x128xf32, #tpu.memory_space<vmem_shared>>
          tpu.enqueue_indirect_dma source(%arg13 : memref<80x128xf32, #tpu.memory_space<vmem>>) target(%dma_start3A_81 : memref<10240x128xf32, #tpu.memory_space<vmem_shared>>) offsets(%arg11 : memref<80xi32, #tpu.memory_space<vmem>>) semaphore(%run_scoped3A : memref<!tpu.dma_semaphore, #tpu.memory_space<semaphore_mem>>) {add = true}
          %dma_wait3A_82 = arith.constant 0 : i32
          %dma_wait3A_83 = arith.constant 0 : i32
          %dma_wait3A_84 = tpu.memref_slice %arg15[%dma_wait3A_82, %dma_wait3A_83] : memref<10240x128xf32, #tpu.memory_space<vmem_shared>> -> memref<10240x128xf32, #tpu.memory_space<vmem_shared>>
          tpu.wait_indirect_dma semaphore(%run_scoped3A : memref<!tpu.dma_semaphore, #tpu.memory_space<semaphore_mem>>) src(%arg13 : memref<80x128xf32, #tpu.memory_space<vmem>>) dst(%dma_wait3A_84 : memref<10240x128xf32, #tpu.memory_space<vmem_shared>>)
          tpu.yield
        }) : () -> ()
        %add3A_49 = arith.constant 2 : i32
        %add3A_50 = arith.addi %add3A_45, %add3A_49 : i32
        %rem3A = arith.constant 250 : i32
        %rem3A_51 = arith.remsi %add3A_50, %rem3A : i32
        %mul3A_52 = arith.constant 20000 : i32
        %mul3A_53 = arith.muli %arg1, %mul3A_52 : i32
        %mul3A_54 = arith.constant 80 : i32
        %mul3A_55 = arith.muli %rem3A_51, %mul3A_54 : i32
        %add3A_56 = arith.addi %mul3A_53, %mul3A_55 : i32
        "tpu.region"() ({
          %run_scoped3A = tpu.sem_alloc : memref<!tpu.dma_semaphore, #tpu.memory_space<semaphore_mem>>
          %dma_start3A_79 = tpu.memref_slice %arg4[%add3A_56] : memref<320000xi32, #tpu.memory_space<hbm>> -> memref<80xi32, #tpu.memory_space<hbm>>
          %dma_start3A_80 = tpu.memref_slice %arg4[%add3A_56] : memref<320000xi32, #tpu.memory_space<hbm>> -> memref<80xi32, #tpu.memory_space<hbm>>
          tpu.enqueue_dma source(%dma_start3A_80 : memref<80xi32, #tpu.memory_space<hbm>>) target(%arg9 : memref<80xi32, #tpu.memory_space<vmem>>) target_semaphore(%run_scoped3A : memref<!tpu.dma_semaphore, #tpu.memory_space<semaphore_mem>>)
          %dma_wait3A_81 = tpu.memref_slice %arg4[%add3A_56] : memref<320000xi32, #tpu.memory_space<hbm>> -> memref<80xi32, #tpu.memory_space<hbm>>
          %dma_wait3A_82 = tpu.memref_slice %arg4[%add3A_56] : memref<320000xi32, #tpu.memory_space<hbm>> -> memref<80xi32, #tpu.memory_space<hbm>>
          tpu.wait_dma2 semaphore(%run_scoped3A : memref<!tpu.dma_semaphore, #tpu.memory_space<semaphore_mem>>) src(%dma_wait3A_82 : memref<80xi32, #tpu.memory_space<hbm>>) dst(%arg9 : memref<80xi32, #tpu.memory_space<vmem>>)
          tpu.yield
        }) : () -> ()
        "tpu.region"() ({
          %run_scoped3A = tpu.sem_alloc : memref<!tpu.dma_semaphore, #tpu.memory_space<semaphore_mem>>
          %dma_start3A_79 = tpu.memref_slice %arg5[%add3A_56] : memref<320000xi32, #tpu.memory_space<hbm>> -> memref<80xi32, #tpu.memory_space<hbm>>
          %dma_start3A_80 = tpu.memref_slice %arg5[%add3A_56] : memref<320000xi32, #tpu.memory_space<hbm>> -> memref<80xi32, #tpu.memory_space<hbm>>
          tpu.enqueue_dma source(%dma_start3A_80 : memref<80xi32, #tpu.memory_space<hbm>>) target(%arg11 : memref<80xi32, #tpu.memory_space<vmem>>) target_semaphore(%run_scoped3A : memref<!tpu.dma_semaphore, #tpu.memory_space<semaphore_mem>>)
          %dma_wait3A_81 = tpu.memref_slice %arg5[%add3A_56] : memref<320000xi32, #tpu.memory_space<hbm>> -> memref<80xi32, #tpu.memory_space<hbm>>
          %dma_wait3A_82 = tpu.memref_slice %arg5[%add3A_56] : memref<320000xi32, #tpu.memory_space<hbm>> -> memref<80xi32, #tpu.memory_space<hbm>>
          tpu.wait_dma2 semaphore(%run_scoped3A : memref<!tpu.dma_semaphore, #tpu.memory_space<semaphore_mem>>) src(%dma_wait3A_82 : memref<80xi32, #tpu.memory_space<hbm>>) dst(%arg11 : memref<80xi32, #tpu.memory_space<vmem>>)
          tpu.yield
        }) : () -> ()
        %dma_start3A_57 = arith.constant 0 : i32
        %dma_start3A_58 = arith.constant 0 : i32
        %dma_start3A_59 = tpu.memref_slice %arg3[%dma_start3A_57, %dma_start3A_58] : memref<10240x128xf32, #tpu.memory_space<hbm>> -> memref<10240x128xf32, #tpu.memory_space<hbm>>
        tpu.enqueue_indirect_dma source(%dma_start3A_59 : memref<10240x128xf32, #tpu.memory_space<hbm>>) target(%arg13 : memref<80x128xf32, #tpu.memory_space<vmem>>) offsets(%arg9 : memref<80xi32, #tpu.memory_space<vmem>>) semaphore(%arg16 : memref<!tpu.dma_semaphore, #tpu.memory_space<semaphore_mem>>)
        %mul3A_60 = arith.constant 2 : i32
        %mul3A_61 = arith.muli %mul3A_60, %scan3A_41 : i32
        %add3A_62 = arith.constant 1 : i32
        %add3A_63 = arith.addi %mul3A_61, %add3A_62 : i32
        %dma_wait3A_64 = arith.constant 0 : i32
        %dma_wait3A_65 = arith.constant 0 : i32
        %dma_wait3A_66 = tpu.memref_slice %arg3[%dma_wait3A_64, %dma_wait3A_65] : memref<10240x128xf32, #tpu.memory_space<hbm>> -> memref<10240x128xf32, #tpu.memory_space<hbm>>
        tpu.wait_indirect_dma semaphore(%arg17 : memref<!tpu.dma_semaphore, #tpu.memory_space<semaphore_mem>>) src(%dma_wait3A_66 : memref<10240x128xf32, #tpu.memory_space<hbm>>) dst(%arg14 : memref<80x128xf32, #tpu.memory_space<vmem>>)
        "tpu.region"() ({
          %run_scoped3A = tpu.sem_alloc : memref<!tpu.dma_semaphore, #tpu.memory_space<semaphore_mem>>
          %dma_start3A_79 = arith.constant 0 : i32
          %dma_start3A_80 = arith.constant 0 : i32
          %dma_start3A_81 = tpu.memref_slice %arg15[%dma_start3A_79, %dma_start3A_80] : memref<10240x128xf32, #tpu.memory_space<vmem_shared>> -> memref<10240x128xf32, #tpu.memory_space<vmem_shared>>
          tpu.enqueue_indirect_dma source(%arg14 : memref<80x128xf32, #tpu.memory_space<vmem>>) target(%dma_start3A_81 : memref<10240x128xf32, #tpu.memory_space<vmem_shared>>) offsets(%arg12 : memref<80xi32, #tpu.memory_space<vmem>>) semaphore(%run_scoped3A : memref<!tpu.dma_semaphore, #tpu.memory_space<semaphore_mem>>) {add = true}
          %dma_wait3A_82 = arith.constant 0 : i32
          %dma_wait3A_83 = arith.constant 0 : i32
          %dma_wait3A_84 = tpu.memref_slice %arg15[%dma_wait3A_82, %dma_wait3A_83] : memref<10240x128xf32, #tpu.memory_space<vmem_shared>> -> memref<10240x128xf32, #tpu.memory_space<vmem_shared>>
          tpu.wait_indirect_dma semaphore(%run_scoped3A : memref<!tpu.dma_semaphore, #tpu.memory_space<semaphore_mem>>) src(%arg14 : memref<80x128xf32, #tpu.memory_space<vmem>>) dst(%dma_wait3A_84 : memref<10240x128xf32, #tpu.memory_space<vmem_shared>>)
          tpu.yield
        }) : () -> ()
        %add3A_67 = arith.constant 2 : i32
        %add3A_68 = arith.addi %add3A_63, %add3A_67 : i32
        %rem3A_69 = arith.constant 250 : i32
        %rem3A_70 = arith.remsi %add3A_68, %rem3A_69 : i32
        %mul3A_71 = arith.constant 20000 : i32
        %mul3A_72 = arith.muli %arg1, %mul3A_71 : i32
        %mul3A_73 = arith.constant 80 : i32
        %mul3A_74 = arith.muli %rem3A_70, %mul3A_73 : i32
        %add3A_75 = arith.addi %mul3A_72, %mul3A_74 : i32
        "tpu.region"() ({
          %run_scoped3A = tpu.sem_alloc : memref<!tpu.dma_semaphore, #tpu.memory_space<semaphore_mem>>
          %dma_start3A_79 = tpu.memref_slice %arg4[%add3A_75] : memref<320000xi32, #tpu.memory_space<hbm>> -> memref<80xi32, #tpu.memory_space<hbm>>
          %dma_start3A_80 = tpu.memref_slice %arg4[%add3A_75] : memref<320000xi32, #tpu.memory_space<hbm>> -> memref<80xi32, #tpu.memory_space<hbm>>
          tpu.enqueue_dma source(%dma_start3A_80 : memref<80xi32, #tpu.memory_space<hbm>>) target(%arg10 : memref<80xi32, #tpu.memory_space<vmem>>) target_semaphore(%run_scoped3A : memref<!tpu.dma_semaphore, #tpu.memory_space<semaphore_mem>>)
          %dma_wait3A_81 = tpu.memref_slice %arg4[%add3A_75] : memref<320000xi32, #tpu.memory_space<hbm>> -> memref<80xi32, #tpu.memory_space<hbm>>
          %dma_wait3A_82 = tpu.memref_slice %arg4[%add3A_75] : memref<320000xi32, #tpu.memory_space<hbm>> -> memref<80xi32, #tpu.memory_space<hbm>>
          tpu.wait_dma2 semaphore(%run_scoped3A : memref<!tpu.dma_semaphore, #tpu.memory_space<semaphore_mem>>) src(%dma_wait3A_82 : memref<80xi32, #tpu.memory_space<hbm>>) dst(%arg10 : memref<80xi32, #tpu.memory_space<vmem>>)
          tpu.yield
        }) : () -> ()
        "tpu.region"() ({
          %run_scoped3A = tpu.sem_alloc : memref<!tpu.dma_semaphore, #tpu.memory_space<semaphore_mem>>
          %dma_start3A_79 = tpu.memref_slice %arg5[%add3A_75] : memref<320000xi32, #tpu.memory_space<hbm>> -> memref<80xi32, #tpu.memory_space<hbm>>
          %dma_start3A_80 = tpu.memref_slice %arg5[%add3A_75] : memref<320000xi32, #tpu.memory_space<hbm>> -> memref<80xi32, #tpu.memory_space<hbm>>
          tpu.enqueue_dma source(%dma_start3A_80 : memref<80xi32, #tpu.memory_space<hbm>>) target(%arg12 : memref<80xi32, #tpu.memory_space<vmem>>) target_semaphore(%run_scoped3A : memref<!tpu.dma_semaphore, #tpu.memory_space<semaphore_mem>>)
          %dma_wait3A_81 = tpu.memref_slice %arg5[%add3A_75] : memref<320000xi32, #tpu.memory_space<hbm>> -> memref<80xi32, #tpu.memory_space<hbm>>
          %dma_wait3A_82 = tpu.memref_slice %arg5[%add3A_75] : memref<320000xi32, #tpu.memory_space<hbm>> -> memref<80xi32, #tpu.memory_space<hbm>>
          tpu.wait_dma2 semaphore(%run_scoped3A : memref<!tpu.dma_semaphore, #tpu.memory_space<semaphore_mem>>) src(%dma_wait3A_82 : memref<80xi32, #tpu.memory_space<hbm>>) dst(%arg12 : memref<80xi32, #tpu.memory_space<vmem>>)
          tpu.yield
        }) : () -> ()
        %dma_start3A_76 = arith.constant 0 : i32
        %dma_start3A_77 = arith.constant 0 : i32
        %dma_start3A_78 = tpu.memref_slice %arg3[%dma_start3A_76, %dma_start3A_77] : memref<10240x128xf32, #tpu.memory_space<hbm>> -> memref<10240x128xf32, #tpu.memory_space<hbm>>
        tpu.enqueue_indirect_dma source(%dma_start3A_78 : memref<10240x128xf32, #tpu.memory_space<hbm>>) target(%arg14 : memref<80x128xf32, #tpu.memory_space<vmem>>) offsets(%arg10 : memref<80xi32, #tpu.memory_space<vmem>>) semaphore(%arg17 : memref<!tpu.dma_semaphore, #tpu.memory_space<semaphore_mem>>)
      }
      %scan3A_35 = arith.constant 125 : i32
      %dma_wait3A = arith.constant 0 : i32
      %dma_wait3A_36 = arith.constant 0 : i32
      %dma_wait3A_37 = tpu.memref_slice %arg3[%dma_wait3A, %dma_wait3A_36] : memref<10240x128xf32, #tpu.memory_space<hbm>> -> memref<10240x128xf32, #tpu.memory_space<hbm>>
      tpu.wait_indirect_dma semaphore(%arg16 : memref<!tpu.dma_semaphore, #tpu.memory_space<semaphore_mem>>) src(%dma_wait3A_37 : memref<10240x128xf32, #tpu.memory_space<hbm>>) dst(%arg13 : memref<80x128xf32, #tpu.memory_space<vmem>>)
      %dma_wait3A_38 = arith.constant 0 : i32
      %dma_wait3A_39 = arith.constant 0 : i32
      %dma_wait3A_40 = tpu.memref_slice %arg3[%dma_wait3A_38, %dma_wait3A_39] : memref<10240x128xf32, #tpu.memory_space<hbm>> -> memref<10240x128xf32, #tpu.memory_space<hbm>>
      tpu.wait_indirect_dma semaphore(%arg17 : memref<!tpu.dma_semaphore, #tpu.memory_space<semaphore_mem>>) src(%dma_wait3A_40 : memref<10240x128xf32, #tpu.memory_space<hbm>>) dst(%arg14 : memref<80x128xf32, #tpu.memory_space<vmem>>)
    } else {
    }
    %barrier3A_8 = arith.constant 0 : index
    tpu.barrier barrier_id(%barrier3A_8)
    %eq3A_9 = arith.constant 0 : i32
    %eq3A_10 = arith.cmpi eq, %arg0, %eq3A_9 : i32
    %convert_element_type3A_11 = arith.extui %eq3A_10 : i1 to i32
    %cond3A_12 = arith.constant 0 : i32
    %cond3A_13 = arith.cmpi ne, %convert_element_type3A_11, %cond3A_12 : i32
    scf.if %cond3A_13 {
      "tpu.region"() ({
        %run_scoped3A = tpu.sem_alloc : memref<!tpu.dma_semaphore, #tpu.memory_space<semaphore_mem>>
        %dma_start3A = arith.constant 0 : i32
        %dma_start3A_19 = tpu.memref_slice %arg7[%mul3A_0, %dma_start3A] : memref<10240x128xf32, #tpu.memory_space<hbm>> -> memref<640x128xf32, #tpu.memory_space<hbm>>
        %dma_start3A_20 = arith.constant 0 : i32
        %dma_start3A_21 = tpu.memref_slice %arg15[%mul3A_0, %dma_start3A_20] : memref<10240x128xf32, #tpu.memory_space<vmem_shared>> -> memref<640x128xf32, #tpu.memory_space<vmem_shared>>
        tpu.enqueue_dma source(%dma_start3A_21 : memref<640x128xf32, #tpu.memory_space<vmem_shared>>) target(%dma_start3A_19 : memref<640x128xf32, #tpu.memory_space<hbm>>) target_semaphore(%run_scoped3A : memref<!tpu.dma_semaphore, #tpu.memory_space<semaphore_mem>>)
        %dma_wait3A = arith.constant 0 : i32
        %dma_wait3A_22 = tpu.memref_slice %arg7[%mul3A_0, %dma_wait3A] : memref<10240x128xf32, #tpu.memory_space<hbm>> -> memref<640x128xf32, #tpu.memory_space<hbm>>
        %dma_wait3A_23 = arith.constant 0 : i32
        %dma_wait3A_24 = tpu.memref_slice %arg15[%mul3A_0, %dma_wait3A_23] : memref<10240x128xf32, #tpu.memory_space<vmem_shared>> -> memref<640x128xf32, #tpu.memory_space<vmem_shared>>
        tpu.wait_dma2 semaphore(%run_scoped3A : memref<!tpu.dma_semaphore, #tpu.memory_space<semaphore_mem>>) src(%dma_wait3A_24 : memref<640x128xf32, #tpu.memory_space<vmem_shared>>) dst(%dma_wait3A_22 : memref<640x128xf32, #tpu.memory_space<hbm>>)
        tpu.yield
      }) : () -> ()
    } else {
    }
    %eq3A_14 = arith.constant 1 : i32
    %eq3A_15 = arith.cmpi eq, %arg0, %eq3A_14 : i32
    %convert_element_type3A_16 = arith.extui %eq3A_15 : i1 to i32
    %cond3A_17 = arith.constant 0 : i32
    %cond3A_18 = arith.cmpi ne, %convert_element_type3A_16, %cond3A_17 : i32
    scf.if %cond3A_18 {
      "tpu.region"() ({
        %run_scoped3A = tpu.sem_alloc : memref<!tpu.dma_semaphore, #tpu.memory_space<semaphore_mem>>
        %dma_start3A = arith.constant 0 : i32
        %dma_start3A_19 = tpu.memref_slice %arg8[%mul3A_0, %dma_start3A] : memref<10240x128xf32, #tpu.memory_space<hbm>> -> memref<640x128xf32, #tpu.memory_space<hbm>>
        %dma_start3A_20 = arith.constant 0 : i32
        %dma_start3A_21 = tpu.memref_slice %arg15[%mul3A_0, %dma_start3A_20] : memref<10240x128xf32, #tpu.memory_space<vmem_shared>> -> memref<640x128xf32, #tpu.memory_space<vmem_shared>>
        tpu.enqueue_dma source(%dma_start3A_21 : memref<640x128xf32, #tpu.memory_space<vmem_shared>>) target(%dma_start3A_19 : memref<640x128xf32, #tpu.memory_space<hbm>>) target_semaphore(%run_scoped3A : memref<!tpu.dma_semaphore, #tpu.memory_space<semaphore_mem>>)
        %dma_wait3A = arith.constant 0 : i32
        %dma_wait3A_22 = tpu.memref_slice %arg8[%mul3A_0, %dma_wait3A] : memref<10240x128xf32, #tpu.memory_space<hbm>> -> memref<640x128xf32, #tpu.memory_space<hbm>>
        %dma_wait3A_23 = arith.constant 0 : i32
        %dma_wait3A_24 = tpu.memref_slice %arg15[%mul3A_0, %dma_wait3A_23] : memref<10240x128xf32, #tpu.memory_space<vmem_shared>> -> memref<640x128xf32, #tpu.memory_space<vmem_shared>>
        tpu.wait_dma2 semaphore(%run_scoped3A : memref<!tpu.dma_semaphore, #tpu.memory_space<semaphore_mem>>) src(%dma_wait3A_24 : memref<640x128xf32, #tpu.memory_space<vmem_shared>>) dst(%dma_wait3A_22 : memref<640x128xf32, #tpu.memory_space<hbm>>)
        tpu.yield
      }) : () -> ()
    } else {
    }
    return
  }
}

module attributes {stable_mosaic.version = 14 : i64} {
  func.func @_prep1_body(%arg0: i32, %arg1: memref<512x128xf32, #tpu.memory_space<vmem>>, %arg2: memref<128x256xf32, #tpu.memory_space<vmem>>, %arg3: memref<512x1xf32, #tpu.memory_space<vmem>>, %arg4: memref<512x1xf32, #tpu.memory_space<vmem>>, %arg5: memref<512x1xf32, #tpu.memory_space<vmem>>, %arg6: memref<512x128xf32, #tpu.memory_space<vmem>>, %arg7: memref<512x128xf32, #tpu.memory_space<vmem>>) attributes {dimension_semantics = [#tpu.dimension_semantics<arbitrary>], iteration_bounds = array<i64: 20>, scalar_prefetch = 0 : i64, scratch_operands = 0 : i64, tpu.core_type = #tpu.core_type<tc>, window_params = [{transform_indices = @transform_0, window_bounds = array<i64: 512, 128>}, {pipeline_mode = #tpu.pipeline_mode<synchronous>, transform_indices = @transform_1, window_bounds = array<i64: 128, 256>}, {transform_indices = @transform_2, window_bounds = array<i64: 512, 1>}, {transform_indices = @transform_3, window_bounds = array<i64: 512, 1>}, {transform_indices = @transform_4, window_bounds = array<i64: 512, 1>}, {transform_indices = @transform_5, window_bounds = array<i64: 512, 128>}, {transform_indices = @transform_6, window_bounds = array<i64: 512, 128>}]} {
    %get3A = arith.constant 0 : index
    %get3A_0 = arith.constant 0 : index
    %get3A_1 = vector.load %arg3[%get3A, %get3A_0] : memref<512x1xf32, #tpu.memory_space<vmem>>, vector<512x1xf32>
    %get3A_2 = arith.constant 0 : index
    %get3A_3 = arith.constant 0 : index
    %get3A_4 = vector.load %arg4[%get3A_2, %get3A_3] : memref<512x1xf32, #tpu.memory_space<vmem>>, vector<512x1xf32>
    %add3A = arith.addf %get3A_1, %get3A_4 : vector<512x1xf32>
    %add3A_5 = arith.constant 1.000000e+00 : f32
    %add3A_6 = vector.broadcast %add3A_5 : f32 to vector<512x1xf32>
    %add3A_7 = arith.addf %add3A, %add3A_6 : vector<512x1xf32>
    %mul3A = arith.constant 512 : i32
    %mul3A_8 = arith.muli %arg0, %mul3A : i32
    %iota3A = tpu.iota {dimensions = array<i32: 0>} : vector<512x1xi32>
    %add3A_9 = vector.broadcast %mul3A_8 : i32 to vector<512x1xi32>
    %add3A_10 = arith.addi %add3A_9, %iota3A : vector<512x1xi32>
    %lt3A = arith.constant 10000 : i32
    %lt3A_11 = vector.broadcast %lt3A : i32 to vector<512x1xi32>
    %lt3A_12 = arith.cmpi slt, %add3A_10, %lt3A_11 : vector<512x1xi32>
    %rsqrt3A = math.rsqrt %add3A_7 : vector<512x1xf32>
    %jit3A = arith.constant 0.000000e+00 : f32
    %broadcast_in_dim3A = vector.broadcast %jit3A : f32 to vector<512x1xf32>
    %select_n3A = arith.select %lt3A_12, %rsqrt3A, %broadcast_in_dim3A : vector<512x1xi1>, vector<512x1xf32>
    %swap3A = arith.constant 0 : index
    %swap3A_13 = arith.constant 0 : index
    %swap3A_14 = vector.load %arg5[%swap3A, %swap3A_13] : memref<512x1xf32, #tpu.memory_space<vmem>>, vector<512x1xf32>
    tpu.vector_store %arg5[%swap3A, %swap3A_13], %select_n3A {strides = array<i32>} : memref<512x1xf32, #tpu.memory_space<vmem>>, vector<512x1xf32>,
    %get3A_15 = arith.constant 0 : index
    %get3A_16 = arith.constant 0 : index
    %get3A_17 = vector.load %arg1[%get3A_15, %get3A_16] : memref<512x128xf32, #tpu.memory_space<vmem>>, vector<512x128xf32>
    %get3A_18 = arith.constant 0 : index
    %get3A_19 = arith.constant 0 : index
    %get3A_20 = vector.load %arg2[%get3A_18, %get3A_19] : memref<128x256xf32, #tpu.memory_space<vmem>>, vector<128x256xf32>
    %dot_general3A = arith.constant dense<0.000000e+00> : vector<512x256xf32>
    %dot_general3A_21 = tpu.matmul %get3A_17, %get3A_20, %dot_general3A {dimension_numbers = #tpu.dot_dimension_numbers<[1], [0], [0], [1], [0, 0, 1, 1], [], []>, precision = #tpu.contract_precision<fp32>, transpose_lhs_hint = false} : vector<512x128xf32>, vector<128x256xf32>, vector<512x256xf32> -> vector<512x256xf32>
    %mul3A_22 = vector.broadcast %select_n3A : vector<512x1xf32> to vector<512x256xf32>
    %mul3A_23 = arith.mulf %dot_general3A_21, %mul3A_22 : vector<512x256xf32>
    %slice3A = vector.extract_strided_slice %mul3A_23 {offsets = [0, 0], sizes = [512, 128], strides = [1, 1]} : vector<512x256xf32> to vector<512x128xf32>
    %swap3A_24 = arith.constant 0 : index
    %swap3A_25 = arith.constant 0 : index
    %swap3A_26 = vector.load %arg6[%swap3A_24, %swap3A_25] : memref<512x128xf32, #tpu.memory_space<vmem>>, vector<512x128xf32>
    tpu.vector_store %arg6[%swap3A_24, %swap3A_25], %slice3A {strides = array<i32>} : memref<512x128xf32, #tpu.memory_space<vmem>>, vector<512x128xf32>,
    %slice3A_27 = vector.extract_strided_slice %mul3A_23 {offsets = [0, 128], sizes = [512, 128], strides = [1, 1]} : vector<512x256xf32> to vector<512x128xf32>
    %swap3A_28 = arith.constant 0 : index
    %swap3A_29 = arith.constant 0 : index
    %swap3A_30 = vector.load %arg7[%swap3A_28, %swap3A_29] : memref<512x128xf32, #tpu.memory_space<vmem>>, vector<512x128xf32>
    tpu.vector_store %arg7[%swap3A_28, %swap3A_29], %slice3A_27 {strides = array<i32>} : memref<512x128xf32, #tpu.memory_space<vmem>>, vector<512x128xf32>,
    return
  }
  func.func @transform_0(%arg0: i32) -> (i32, i32) {
    %c0_i32 = arith.constant 0 : i32
    %c0_i32_0 = arith.constant 0 : i32
    return %arg0, %c0_i32 : i32, i32
  }
  func.func @transform_1(%arg0: i32) -> (i32, i32) {
    %c0_i32 = arith.constant 0 : i32
    %c0_i32_0 = arith.constant 0 : i32
    %c0_i32_1 = arith.constant 0 : i32
    return %c0_i32, %c0_i32_0 : i32, i32
  }
  func.func @transform_2(%arg0: i32) -> (i32, i32) {
    %c0_i32 = arith.constant 0 : i32
    %c0_i32_0 = arith.constant 0 : i32
    return %arg0, %c0_i32 : i32, i32
  }
  func.func @transform_3(%arg0: i32) -> (i32, i32) {
    %c0_i32 = arith.constant 0 : i32
    %c0_i32_0 = arith.constant 0 : i32
    return %arg0, %c0_i32 : i32, i32
  }
  func.func @transform_4(%arg0: i32) -> (i32, i32) {
    %c0_i32 = arith.constant 0 : i32
    %c0_i32_0 = arith.constant 0 : i32
    return %arg0, %c0_i32 : i32, i32
  }
  func.func @transform_5(%arg0: i32) -> (i32, i32) {
    %c0_i32 = arith.constant 0 : i32
    %c0_i32_0 = arith.constant 0 : i32
    return %arg0, %c0_i32 : i32, i32
  }
  func.func @transform_6(%arg0: i32) -> (i32, i32) {
    %c0_i32 = arith.constant 0 : i32
    %c0_i32_0 = arith.constant 0 : i32
    return %arg0, %c0_i32 : i32, i32
  }
}

module attributes {stable_mosaic.version = 14 : i64} {
  func.func @_fuse_body(%arg0: i32, %arg1: memref<512x128xf32, #tpu.memory_space<vmem>>, %arg2: memref<512x128xf32, #tpu.memory_space<vmem>>, %arg3: memref<512x128xf32, #tpu.memory_space<vmem>>, %arg4: memref<512x128xf32, #tpu.memory_space<vmem>>, %arg5: memref<512x1xf32, #tpu.memory_space<vmem>>, %arg6: memref<1x256xf32, #tpu.memory_space<vmem>>, %arg7: memref<256x256xf32, #tpu.memory_space<vmem>>, %arg8: memref<512x128xf32, #tpu.memory_space<vmem>>, %arg9: memref<512x128xf32, #tpu.memory_space<vmem>>) attributes {dimension_semantics = [#tpu.dimension_semantics<arbitrary>], iteration_bounds = array<i64: 20>, scalar_prefetch = 0 : i64, scratch_operands = 0 : i64, tpu.core_type = #tpu.core_type<tc>, window_params = [{transform_indices = @transform_0, window_bounds = array<i64: 512, 128>}, {transform_indices = @transform_1, window_bounds = array<i64: 512, 128>}, {transform_indices = @transform_2, window_bounds = array<i64: 512, 128>}, {transform_indices = @transform_3, window_bounds = array<i64: 512, 128>}, {transform_indices = @transform_4, window_bounds = array<i64: 512, 1>}, {pipeline_mode = #tpu.pipeline_mode<synchronous>, transform_indices = @transform_5, window_bounds = array<i64: 1, 256>}, {pipeline_mode = #tpu.pipeline_mode<synchronous>, transform_indices = @transform_6, window_bounds = array<i64: 256, 256>}, {transform_indices = @transform_7, window_bounds = array<i64: 512, 128>}, {transform_indices = @transform_8, window_bounds = array<i64: 512, 128>}]} {
    %get3A = arith.constant 0 : index
    %get3A_0 = arith.constant 0 : index
    %get3A_1 = vector.load %arg5[%get3A, %get3A_0] : memref<512x1xf32, #tpu.memory_space<vmem>>, vector<512x1xf32>
    %get3A_2 = arith.constant 0 : index
    %get3A_3 = arith.constant 0 : index
    %get3A_4 = vector.load %arg1[%get3A_2, %get3A_3] : memref<512x128xf32, #tpu.memory_space<vmem>>, vector<512x128xf32>
    %get3A_5 = arith.constant 0 : index
    %get3A_6 = arith.constant 0 : index
    %get3A_7 = vector.load %arg3[%get3A_5, %get3A_6] : memref<512x128xf32, #tpu.memory_space<vmem>>, vector<512x128xf32>
    %add3A = arith.addf %get3A_4, %get3A_7 : vector<512x128xf32>
    %get3A_8 = arith.constant 0 : index
    %get3A_9 = arith.constant 0 : index
    %get3A_10 = vector.load %arg2[%get3A_8, %get3A_9] : memref<512x128xf32, #tpu.memory_space<vmem>>, vector<512x128xf32>
    %get3A_11 = arith.constant 0 : index
    %get3A_12 = arith.constant 0 : index
    %get3A_13 = vector.load %arg4[%get3A_11, %get3A_12] : memref<512x128xf32, #tpu.memory_space<vmem>>, vector<512x128xf32>
    %add3A_14 = arith.addf %get3A_10, %get3A_13 : vector<512x128xf32>
    %concatenate3A = tpu.concatenate %add3A, %add3A_14 in 1 : vector<512x128xf32>, vector<512x128xf32> -> vector<512x256xf32>
    %mul3A = vector.broadcast %get3A_1 : vector<512x1xf32> to vector<512x256xf32>
    %mul3A_15 = arith.mulf %concatenate3A, %mul3A : vector<512x256xf32>
    %get3A_16 = arith.constant 0 : index
    %get3A_17 = arith.constant 0 : index
    %get3A_18 = vector.load %arg6[%get3A_16, %get3A_17] : memref<1x256xf32, #tpu.memory_space<vmem>>, vector<1x256xf32>
    %add3A_19 = vector.broadcast %get3A_18 : vector<1x256xf32> to vector<512x256xf32>
    %add3A_20 = arith.addf %mul3A_15, %add3A_19 : vector<512x256xf32>
    %max3A = arith.constant 0.000000e+00 : f32
    %max3A_21 = vector.broadcast %max3A : f32 to vector<512x256xf32>
    %max3A_22 = arith.maximumf %add3A_20, %max3A_21 : vector<512x256xf32>
    %get3A_23 = arith.constant 0 : index
    %get3A_24 = arith.constant 0 : index
    %get3A_25 = vector.load %arg7[%get3A_23, %get3A_24] : memref<256x256xf32, #tpu.memory_space<vmem>>, vector<256x256xf32>
    %dot_general3A = arith.constant dense<0.000000e+00> : vector<512x256xf32>
    %dot_general3A_26 = tpu.matmul %max3A_22, %get3A_25, %dot_general3A {dimension_numbers = #tpu.dot_dimension_numbers<[1], [0], [0], [1], [0, 0, 1, 1], [], []>, precision = #tpu.contract_precision<fp32>, transpose_lhs_hint = false} : vector<512x256xf32>, vector<256x256xf32>, vector<512x256xf32> -> vector<512x256xf32>
    %mul3A_27 = vector.broadcast %get3A_1 : vector<512x1xf32> to vector<512x256xf32>
    %mul3A_28 = arith.mulf %dot_general3A_26, %mul3A_27 : vector<512x256xf32>
    %slice3A = vector.extract_strided_slice %mul3A_28 {offsets = [0, 0], sizes = [512, 128], strides = [1, 1]} : vector<512x256xf32> to vector<512x128xf32>
    %swap3A = arith.constant 0 : index
    %swap3A_29 = arith.constant 0 : index
    %swap3A_30 = vector.load %arg8[%swap3A, %swap3A_29] : memref<512x128xf32, #tpu.memory_space<vmem>>, vector<512x128xf32>
    tpu.vector_store %arg8[%swap3A, %swap3A_29], %slice3A {strides = array<i32>} : memref<512x128xf32, #tpu.memory_space<vmem>>, vector<512x128xf32>,
    %slice3A_31 = vector.extract_strided_slice %mul3A_28 {offsets = [0, 128], sizes = [512, 128], strides = [1, 1]} : vector<512x256xf32> to vector<512x128xf32>
    %swap3A_32 = arith.constant 0 : index
    %swap3A_33 = arith.constant 0 : index
    %swap3A_34 = vector.load %arg9[%swap3A_32, %swap3A_33] : memref<512x128xf32, #tpu.memory_space<vmem>>, vector<512x128xf32>
    tpu.vector_store %arg9[%swap3A_32, %swap3A_33], %slice3A_31 {strides = array<i32>} : memref<512x128xf32, #tpu.memory_space<vmem>>, vector<512x128xf32>,
    return
  }
  func.func @transform_0(%arg0: i32) -> (i32, i32) {
    %c0_i32 = arith.constant 0 : i32
    %c0_i32_0 = arith.constant 0 : i32
    return %arg0, %c0_i32 : i32, i32
  }
  func.func @transform_1(%arg0: i32) -> (i32, i32) {
    %c0_i32 = arith.constant 0 : i32
    %c0_i32_0 = arith.constant 0 : i32
    return %arg0, %c0_i32 : i32, i32
  }
  func.func @transform_2(%arg0: i32) -> (i32, i32) {
    %c0_i32 = arith.constant 0 : i32
    %c0_i32_0 = arith.constant 0 : i32
    return %arg0, %c0_i32 : i32, i32
  }
  func.func @transform_3(%arg0: i32) -> (i32, i32) {
    %c0_i32 = arith.constant 0 : i32
    %c0_i32_0 = arith.constant 0 : i32
    return %arg0, %c0_i32 : i32, i32
  }
  func.func @transform_4(%arg0: i32) -> (i32, i32) {
    %c0_i32 = arith.constant 0 : i32
    %c0_i32_0 = arith.constant 0 : i32
    return %arg0, %c0_i32 : i32, i32
  }
  func.func @transform_5(%arg0: i32) -> (i32, i32) {
    %c0_i32 = arith.constant 0 : i32
    %c0_i32_0 = arith.constant 0 : i32
    %c0_i32_1 = arith.constant 0 : i32
    return %c0_i32, %c0_i32_0 : i32, i32
  }
  func.func @transform_6(%arg0: i32) -> (i32, i32) {
    %c0_i32 = arith.constant 0 : i32
    %c0_i32_0 = arith.constant 0 : i32
    %c0_i32_1 = arith.constant 0 : i32
    return %c0_i32, %c0_i32_0 : i32, i32
  }
  func.func @transform_7(%arg0: i32) -> (i32, i32) {
    %c0_i32 = arith.constant 0 : i32
    %c0_i32_0 = arith.constant 0 : i32
    return %arg0, %c0_i32 : i32, i32
  }
  func.func @transform_8(%arg0: i32) -> (i32, i32) {
    %c0_i32 = arith.constant 0 : i32
    %c0_i32_0 = arith.constant 0 : i32
    return %arg0, %c0_i32 : i32, i32
  }
}

module attributes {stable_mosaic.version = 14 : i64} {
  func.func @_pool_body(%arg0: i32, %arg1: memref<512x128xf32, #tpu.memory_space<vmem>>, %arg2: memref<512x128xf32, #tpu.memory_space<vmem>>, %arg3: memref<512x128xf32, #tpu.memory_space<vmem>>, %arg4: memref<512x128xf32, #tpu.memory_space<vmem>>, %arg5: memref<512x1xf32, #tpu.memory_space<vmem>>, %arg6: memref<1x256xf32, #tpu.memory_space<vmem>>, %arg7: memref<512x1xi32, #tpu.memory_space<vmem>>, %arg8: memref<256x1xf32, #tpu.memory_space<vmem>>, %arg9: memref<1x1xf32, #tpu.memory_space<vmem>>, %arg10: memref<64x1xf32, #tpu.memory_space<vmem>>, %arg11: memref<64x1xf32, #tpu.memory_space<vmem>>, %arg12: memref<64x1xf32, #tpu.memory_space<vmem>>) attributes {dimension_semantics = [#tpu.dimension_semantics<arbitrary>], iteration_bounds = array<i64: 20>, scalar_prefetch = 0 : i64, scratch_operands = 0 : i64, tpu.core_type = #tpu.core_type<tc>, window_params = [{transform_indices = @transform_0, window_bounds = array<i64: 512, 128>}, {transform_indices = @transform_1, window_bounds = array<i64: 512, 128>}, {transform_indices = @transform_2, window_bounds = array<i64: 512, 128>}, {transform_indices = @transform_3, window_bounds = array<i64: 512, 128>}, {transform_indices = @transform_4, window_bounds = array<i64: 512, 1>}, {pipeline_mode = #tpu.pipeline_mode<synchronous>, transform_indices = @transform_5, window_bounds = array<i64: 1, 256>}, {transform_indices = @transform_6, window_bounds = array<i64: 512, 1>}, {pipeline_mode = #tpu.pipeline_mode<synchronous>, transform_indices = @transform_7, window_bounds = array<i64: 256, 1>}, {pipeline_mode = #tpu.pipeline_mode<synchronous>, transform_indices = @transform_8, window_bounds = array<i64: 1, 1>}, {pipeline_mode = #tpu.pipeline_mode<synchronous>, transform_indices = @transform_9, window_bounds = array<i64: 64, 1>}, {pipeline_mode = #tpu.pipeline_mode<synchronous>, transform_indices = @transform_10, window_bounds = array<i64: 64, 1>}, {pipeline_mode = #tpu.pipeline_mode<synchronous>, transform_indices = @transform_11, window_bounds = array<i64: 64, 1>}]} {
    %eq3A = arith.constant 0 : i32
    %eq3A_0 = arith.cmpi eq, %arg0, %eq3A : i32
    %convert_element_type3A = arith.extui %eq3A_0 : i1 to i32
    %cond3A = arith.constant 0 : i32
    %cond3A_1 = arith.cmpi ne, %convert_element_type3A, %cond3A : i32
    scf.if %cond3A_1 {
      %broadcast_in_dim3A_56 = arith.constant 0.000000e+00 : f32
      %broadcast_in_dim3A_57 = vector.broadcast %broadcast_in_dim3A_56 : f32 to vector<64x1xf32>
      %swap3A_58 = arith.constant 0 : index
      %swap3A_59 = arith.constant 0 : index
      %swap3A_60 = vector.load %arg10[%swap3A_58, %swap3A_59] : memref<64x1xf32, #tpu.memory_space<vmem>>, vector<64x1xf32>
      tpu.vector_store %arg10[%swap3A_58, %swap3A_59], %broadcast_in_dim3A_57 {strides = array<i32>} : memref<64x1xf32, #tpu.memory_space<vmem>>, vector<64x1xf32>,
      %broadcast_in_dim3A_61 = arith.constant 0.000000e+00 : f32
      %broadcast_in_dim3A_62 = vector.broadcast %broadcast_in_dim3A_61 : f32 to vector<64x1xf32>
      %swap3A_63 = arith.constant 0 : index
      %swap3A_64 = arith.constant 0 : index
      %swap3A_65 = vector.load %arg11[%swap3A_63, %swap3A_64] : memref<64x1xf32, #tpu.memory_space<vmem>>, vector<64x1xf32>
      tpu.vector_store %arg11[%swap3A_63, %swap3A_64], %broadcast_in_dim3A_62 {strides = array<i32>} : memref<64x1xf32, #tpu.memory_space<vmem>>, vector<64x1xf32>,
    } else {
    }
    %get3A = arith.constant 0 : index
    %get3A_2 = arith.constant 0 : index
    %get3A_3 = vector.load %arg1[%get3A, %get3A_2] : memref<512x128xf32, #tpu.memory_space<vmem>>, vector<512x128xf32>
    %get3A_4 = arith.constant 0 : index
    %get3A_5 = arith.constant 0 : index
    %get3A_6 = vector.load %arg3[%get3A_4, %get3A_5] : memref<512x128xf32, #tpu.memory_space<vmem>>, vector<512x128xf32>
    %add3A = arith.addf %get3A_3, %get3A_6 : vector<512x128xf32>
    %get3A_7 = arith.constant 0 : index
    %get3A_8 = arith.constant 0 : index
    %get3A_9 = vector.load %arg2[%get3A_7, %get3A_8] : memref<512x128xf32, #tpu.memory_space<vmem>>, vector<512x128xf32>
    %get3A_10 = arith.constant 0 : index
    %get3A_11 = arith.constant 0 : index
    %get3A_12 = vector.load %arg4[%get3A_10, %get3A_11] : memref<512x128xf32, #tpu.memory_space<vmem>>, vector<512x128xf32>
    %add3A_13 = arith.addf %get3A_9, %get3A_12 : vector<512x128xf32>
    %concatenate3A = tpu.concatenate %add3A, %add3A_13 in 1 : vector<512x128xf32>, vector<512x128xf32> -> vector<512x256xf32>
    %get3A_14 = arith.constant 0 : index
    %get3A_15 = arith.constant 0 : index
    %get3A_16 = vector.load %arg5[%get3A_14, %get3A_15] : memref<512x1xf32, #tpu.memory_space<vmem>>, vector<512x1xf32>
    %mul3A = vector.broadcast %get3A_16 : vector<512x1xf32> to vector<512x256xf32>
    %mul3A_17 = arith.mulf %concatenate3A, %mul3A : vector<512x256xf32>
    %get3A_18 = arith.constant 0 : index
    %get3A_19 = arith.constant 0 : index
    %get3A_20 = vector.load %arg6[%get3A_18, %get3A_19] : memref<1x256xf32, #tpu.memory_space<vmem>>, vector<1x256xf32>
    %add3A_21 = vector.broadcast %get3A_20 : vector<1x256xf32> to vector<512x256xf32>
    %add3A_22 = arith.addf %mul3A_17, %add3A_21 : vector<512x256xf32>
    %get3A_23 = arith.constant 0 : index
    %get3A_24 = arith.constant 0 : index
    %get3A_25 = vector.load %arg8[%get3A_23, %get3A_24] : memref<256x1xf32, #tpu.memory_space<vmem>>, vector<256x1xf32>
    %dot_general3A = arith.constant dense<0.000000e+00> : vector<512x1xf32>
    %dot_general3A_26 = tpu.matmul %add3A_22, %get3A_25, %dot_general3A {dimension_numbers = #tpu.dot_dimension_numbers<[1], [0], [0], [1], [0, 0, 1, 1], [], []>, precision = #tpu.contract_precision<fp32>, transpose_lhs_hint = false} : vector<512x256xf32>, vector<256x1xf32>, vector<512x1xf32> -> vector<512x1xf32>
    %iota3A = tpu.iota {dimensions = array<i32: 1>} : vector<1x64xi32>
    %get3A_27 = arith.constant 0 : index
    %get3A_28 = arith.constant 0 : index
    %get3A_29 = vector.load %arg7[%get3A_27, %get3A_28] : memref<512x1xi32, #tpu.memory_space<vmem>>, vector<512x1xi32>
    %eq3A_30 = vector.broadcast %get3A_29 : vector<512x1xi32> to vector<512x64xi32>
    %eq3A_31 = vector.broadcast %iota3A : vector<1x64xi32> to vector<512x64xi32>
    %eq3A_32 = arith.cmpi eq, %eq3A_30, %eq3A_31 : vector<512x64xi32>
    %convert_element_type3A_33 = arith.extui %eq3A_32 : vector<512x64xi1> to vector<512x64xi32>
    %convert_element_type3A_34 = arith.sitofp %convert_element_type3A_33 : vector<512x64xi32> to vector<512x64xf32>
    %get3A_35 = arith.constant 0 : index
    %get3A_36 = arith.constant 0 : index
    %get3A_37 = vector.load %arg10[%get3A_35, %get3A_36] : memref<64x1xf32, #tpu.memory_space<vmem>>, vector<64x1xf32>
    %dot_general3A_38 = arith.constant dense<0.000000e+00> : vector<64x1xf32>
    %dot_general3A_39 = tpu.matmul %convert_element_type3A_34, %dot_general3A_26, %dot_general3A_38 {dimension_numbers = #tpu.dot_dimension_numbers<[0], [0], [1], [1], [0, 1, 1, 1], [], []>, precision = #tpu.contract_precision<fp32>, transpose_lhs_hint = false} : vector<512x64xf32>, vector<512x1xf32>, vector<64x1xf32> -> vector<64x1xf32>
    %add3A_40 = arith.addf %get3A_37, %dot_general3A_39 : vector<64x1xf32>
    %swap3A = arith.constant 0 : index
    %swap3A_41 = arith.constant 0 : index
    %swap3A_42 = vector.load %arg10[%swap3A, %swap3A_41] : memref<64x1xf32, #tpu.memory_space<vmem>>, vector<64x1xf32>
    tpu.vector_store %arg10[%swap3A, %swap3A_41], %add3A_40 {strides = array<i32>} : memref<64x1xf32, #tpu.memory_space<vmem>>, vector<64x1xf32>,
    %get3A_43 = arith.constant 0 : index
    %get3A_44 = arith.constant 0 : index
    %get3A_45 = vector.load %arg11[%get3A_43, %get3A_44] : memref<64x1xf32, #tpu.memory_space<vmem>>, vector<64x1xf32>
    %reduce_sum3A = arith.constant dense<0.000000e+00> : vector<64xf32>
    %reduce_sum3A_46 = vector.multi_reduction <add>, %convert_element_type3A_34, %reduce_sum3A [0] : vector<512x64xf32> to vector<64xf32>
    %broadcast_in_dim3A = vector.shape_cast %reduce_sum3A_46 : vector<64xf32> to vector<64x1xf32>
    %add3A_47 = arith.addf %get3A_45, %broadcast_in_dim3A : vector<64x1xf32>
    %swap3A_48 = arith.constant 0 : index
    %swap3A_49 = arith.constant 0 : index
    %swap3A_50 = vector.load %arg11[%swap3A_48, %swap3A_49] : memref<64x1xf32, #tpu.memory_space<vmem>>, vector<64x1xf32>
    tpu.vector_store %arg11[%swap3A_48, %swap3A_49], %add3A_47 {strides = array<i32>} : memref<64x1xf32, #tpu.memory_space<vmem>>, vector<64x1xf32>,
    %eq3A_51 = arith.constant 19 : i32
    %eq3A_52 = arith.cmpi eq, %arg0, %eq3A_51 : i32
    %convert_element_type3A_53 = arith.extui %eq3A_52 : i1 to i32
    %cond3A_54 = arith.constant 0 : i32
    %cond3A_55 = arith.cmpi ne, %convert_element_type3A_53, %cond3A_54 : i32
    scf.if %cond3A_55 {
      %get3A_56 = arith.constant 0 : index
      %get3A_57 = arith.constant 0 : index
      %get3A_58 = vector.load %arg10[%get3A_56, %get3A_57] : memref<64x1xf32, #tpu.memory_space<vmem>>, vector<64x1xf32>
      %get3A_59 = arith.constant 0 : index
      %get3A_60 = arith.constant 0 : index
      %get3A_61 = vector.load %arg11[%get3A_59, %get3A_60] : memref<64x1xf32, #tpu.memory_space<vmem>>, vector<64x1xf32>
      %max3A = arith.constant 1.000000e+00 : f32
      %max3A_62 = vector.broadcast %max3A : f32 to vector<64x1xf32>
      %max3A_63 = arith.maximumf %get3A_61, %max3A_62 : vector<64x1xf32>
      %div3A = arith.divf %get3A_58, %max3A_63 : vector<64x1xf32>
      %get3A_64 = arith.constant 0 : index
      %get3A_65 = arith.constant 0 : index
      %get3A_66 = vector.load %arg9[%get3A_64, %get3A_65] : memref<1x1xf32, #tpu.memory_space<vmem>>, vector<1x1xf32>
      %add3A_67 = vector.broadcast %get3A_66 : vector<1x1xf32> to vector<64x1xf32>
      %add3A_68 = arith.addf %div3A, %add3A_67 : vector<64x1xf32>
      %swap3A_69 = arith.constant 0 : index
      %swap3A_70 = arith.constant 0 : index
      %swap3A_71 = vector.load %arg12[%swap3A_69, %swap3A_70] : memref<64x1xf32, #tpu.memory_space<vmem>>, vector<64x1xf32>
      tpu.vector_store %arg12[%swap3A_69, %swap3A_70], %add3A_68 {strides = array<i32>} : memref<64x1xf32, #tpu.memory_space<vmem>>, vector<64x1xf32>,
    } else {
    }
    return
  }
  func.func @transform_0(%arg0: i32) -> (i32, i32) {
    %c0_i32 = arith.constant 0 : i32
    %c0_i32_0 = arith.constant 0 : i32
    return %arg0, %c0_i32 : i32, i32
  }
  func.func @transform_1(%arg0: i32) -> (i32, i32) {
    %c0_i32 = arith.constant 0 : i32
    %c0_i32_0 = arith.constant 0 : i32
    return %arg0, %c0_i32 : i32, i32
  }
  func.func @transform_2(%arg0: i32) -> (i32, i32) {
    %c0_i32 = arith.constant 0 : i32
    %c0_i32_0 = arith.constant 0 : i32
    return %arg0, %c0_i32 : i32, i32
  }
  func.func @transform_3(%arg0: i32) -> (i32, i32) {
    %c0_i32 = arith.constant 0 : i32
    %c0_i32_0 = arith.constant 0 : i32
    return %arg0, %c0_i32 : i32, i32
  }
  func.func @transform_4(%arg0: i32) -> (i32, i32) {
    %c0_i32 = arith.constant 0 : i32
    %c0_i32_0 = arith.constant 0 : i32
    return %arg0, %c0_i32 : i32, i32
  }
  func.func @transform_5(%arg0: i32) -> (i32, i32) {
    %c0_i32 = arith.constant 0 : i32
    %c0_i32_0 = arith.constant 0 : i32
    %c0_i32_1 = arith.constant 0 : i32
    return %c0_i32, %c0_i32_0 : i32, i32
  }
  func.func @transform_6(%arg0: i32) -> (i32, i32) {
    %c0_i32 = arith.constant 0 : i32
    %c0_i32_0 = arith.constant 0 : i32
    return %arg0, %c0_i32 : i32, i32
  }
  func.func @transform_7(%arg0: i32) -> (i32, i32) {
    %c0_i32 = arith.constant 0 : i32
    %c0_i32_0 = arith.constant 0 : i32
    %c0_i32_1 = arith.constant 0 : i32
    return %c0_i32, %c0_i32_0 : i32, i32
  }
  func.func @transform_8(%arg0: i32) -> (i32, i32) {
    %c0_i32 = arith.constant 0 : i32
    %c0_i32_0 = arith.constant 0 : i32
    %c0_i32_1 = arith.constant 0 : i32
    return %c0_i32, %c0_i32_0 : i32, i32
  }
  func.func @transform_9(%arg0: i32) -> (i32, i32) {
    %c0_i32 = arith.constant 0 : i32
    %c0_i32_0 = arith.constant 0 : i32
    %c0_i32_1 = arith.constant 0 : i32
    return %c0_i32, %c0_i32_0 : i32, i32
  }
  func.func @transform_10(%arg0: i32) -> (i32, i32) {
    %c0_i32 = arith.constant 0 : i32
    %c0_i32_0 = arith.constant 0 : i32
    %c0_i32_1 = arith.constant 0 : i32
    return %c0_i32, %c0_i32_0 : i32, i32
  }
  func.func @transform_11(%arg0: i32) -> (i32, i32) {
    %c0_i32 = arith.constant 0 : i32
    %c0_i32_0 = arith.constant 0 : i32
    %c0_i32_1 = arith.constant 0 : i32
    return %c0_i32, %c0_i32_0 : i32, i32
  }
}

</mosaic_0001>

<sc_bundles>
// kernel: kernel.10.cloned.1.call-start
scs
__scs_entry_jumppad:
0x0: {  	(pc) =	sbr.rel $0x88, $3  }
0x1: {  	(tag) =	ssettag $0x0;
	lr =	simm.s32 $0x1  }
0x2: {  	[smem:$0x3F96] =	sst lr;
	_ =	strace $0xD0000000  }
0x3: {  	_ = 	snop  }
0x4: {  	_ = 	snop  }
0x5: {  	_ = 	snop  }
0x6: {  	_ = 	snop  }
0x7: {  	_ = 	snop  }
__scs_overlays_trampoline_lowered:
0x8: {  	[smem:$0x3FA5] =	sst s0  }
0x9: {  	[smem:$0x3FA6] =	sst s1  }
0xa: {  	[smem:$0x3FA7] =	sst s2  }
0xb: {  	[smem:$0x3FA8] =	sst s3  }
0xc: {  	[smem:$0x3FA9] =	sst s4  }
0xd: {  	[smem:$0x3FAA] =	sst s5  }
0xe: {  	[smem:$0x3FAB] =	sst s6  }
0xf: {  	[smem:$0x3FAC] =	sst s7  }
0x10: {  	[smem:$0x3FAD] =	sst s8  }
0x11: {  	[smem:$0x3FAE] =	sst s9;
	s0 =	simm.s32 @!p0 $0x0  }
0x12: {  	s1 =	sld [smem:$0x3F94];
	s0 =	simm.s32 @p0 $0x1  }
0x13: {  	[smem:$0x3FAF] =	sst s0;
	s0 =	simm.s32 @!p1 $0x0  }
0x14: {  	s2 =	sld [smem:$0x3F93];
	s0 =	simm.s32 @p1 $0x1  }
0x15: {  	[smem:$0x3FB0] =	sst s0;
	s0 =	simm.s32 @!p2 $0x0  }
0x16: {  	s3 =	sld [smem:$0x3FDB];
	s0 =	simm.s32 @p2 $0x1  }
0x17: {  	s4 =	simm.s32 $0x1BF5;
	[smem:$0x3FB2] =	sst s0  }
0x18: {  	s0 =	sld [smem:$0x3F95];
	_ =	swait.ge [sflag:s4], $0x0  }
0x19: {  	s7 =	sld [smem:$0x3F96]  }
0x1a: {  	s8 =	sadd.s32 $0xFFFFE003, lr  }
0x1b: {  	s9 =	sadd.s32 $0xFFFFFEF7, lr;
	s5 =	simm.s32 $0xFFFFFFFF;
	p2 =	slt.u32 s8, $0xFFFFF086  }
0x1c: {  	p1 =	slt.u32 s9, $0xF7A;
	s5 =	simm.s32 @!p2 $0x0  }
0x1d: {  	s5 =	simm.s32 @p1 $0x1;
	p0 =	seq.s32 s7, s2  }
0x1e: {  	s7 =	smul.u32 @!p0 $0xF7A, s2;
	p2 =	seq.s32 @!p0 s5, $0x0  }
0x1f: {  	s9 =	smul.u32 $0xF7A, s1;
	s8 =	simm.s32 @!p0 $0x1BF5;
	p2 =	por !p2, p0  }
0x20: {  	[sflag:s8] =	ssyncset.s32 @!p0 $0xFFFFF086;
	s6 =	sadd.s32 @!p0 s3, s7;
	s7 =	simm.s32 @!p0 $0x108  }
0x21: {  	s3 =	sadd.s32 s3, s9;
	s6 =	sadd.s32 @!p0 $0x88, s6;
	s7 =	simm.s32 @p2 $0x1082  }
0x22: {  	[simem:s7], [sflag:s8] =	dma.local @!p0 [hbm:s6], $0xF7A  }
0x23: {  	s9 =	sor.u32 $0xD0000000, s2;
	s6 =	simm.s32 $0x108;
	_ =	swait.ge @!p0 [sflag:s8], $0x0  }
0x24: {  	s3 =	sadd.s32 $0x88, s3;
	s6 =	simm.s32 @!p1 $0x1082;
	[sflag:s4] =	ssyncset.s32 $0xFFFFF086  }
0x25: {  	[simem:s6], [sflag:s4] =	dma.local [hbm:s3], $0xF7A  }
0x26: {  	[smem:$0x3F96] =	sst s1;
	(tag) =	ssettag s2;
	_ =	strace s9  }
0x27: {  	s1 =	sld [smem:$0x3FA6]  }
0x28: {  	s2 =	sld [smem:$0x3FA7]  }
0x29: {  	s4 =	sld [smem:$0x3FA9]  }
0x2a: {  	p0 =	seq.s32 s5, $0x0;
	s5 =	sld [smem:$0x3FAA]  }
0x2b: {  	s6 =	sld [smem:$0x3FAB]  }
0x2c: {  	s7 =	sld [smem:$0x3FAC]  }
0x2d: {  	s3 =	simm.s32 $0x108;
	s8 =	sld [smem:$0x3FAD]  }
0x2e: {  	s3 =	simm.s32 @!p0 $0x1082;
	s9 =	sld [smem:$0x3FAE]  }
0x2f: {  	lr =	sadd.s32 s0, s3;
	s0 =	sld [smem:$0x3FA5]  }
0x30: {  	s3 =	sld [smem:$0x3FA8]  }
0x31: {  	[smem:$0x3FB1] =	sst s10  }
0x32: {  	s10 =	sld [smem:$0x3FAF];
	_ =	sdelay $0x3  }
0x33: {  	p0 =	seq.s32 s10, $0x1;
	s10 =	sld [smem:$0x3FB1];
	_ =	sdelay $0x3  }
0x34: {  	[smem:$0x3FB1] =	sst s10  }
0x35: {  	s10 =	sld [smem:$0x3FB0];
	_ =	sdelay $0x3  }
0x36: {  	p1 =	seq.s32 s10, $0x1;
	s10 =	sld [smem:$0x3FB1];
	_ =	sdelay $0x3  }
0x37: {  	[smem:$0x3FB1] =	sst s10  }
0x38: {  	s10 =	sld [smem:$0x3FB2]  }
0x39: {  	_ = 	snop;
	(pc) =	sbr.ind lr, $3  }
0x3a: {  	_ = 	snop  }
0x3b: {  	_ = 	snop  }
0x3c: {  	p2 =	seq.s32 s10, $0x1;
	s10 =	sld [smem:$0x3FB1]  }
0x3d: {  	_ =	shalt  }
0x3e: {  	_ =	shalt  }
0x3f: {  	_ =	shalt  }
0x40: {  	_ =	shalt  }
0x41: {  	_ =	shalt  }
0x42: {  	_ =	shalt  }
0x43: {  	_ =	shalt  }
0x44: {  	_ =	shalt  }
0x45: {  	_ =	shalt  }
0x46: {  	_ =	shalt  }
0x47: {  	_ =	shalt  }
0x48: {  	_ =	shalt  }
0x49: {  	_ =	shalt  }
0x4a: {  	_ =	shalt  }
0x4b: {  	_ =	shalt  }
0x4c: {  	_ =	shalt  }
0x4d: {  	_ =	shalt  }
0x4e: {  	_ =	shalt  }
0x4f: {  	_ =	shalt  }
0x50: {  	_ =	shalt  }
0x51: {  	_ =	shalt  }
0x52: {  	_ =	shalt  }
0x53: {  	_ =	shalt  }
0x54: {  	_ =	shalt  }
0x55: {  	_ =	shalt  }
0x56: {  	_ =	shalt  }
0x57: {  	_ =	shalt  }
0x58: {  	_ =	shalt  }
0x59: {  	_ =	shalt  }
0x5a: {  	_ =	shalt  }
0x5b: {  	_ =	shalt  }
0x5c: {  	_ =	shalt  }
0x5d: {  	_ =	shalt  }
0x5e: {  	_ =	shalt  }
0x5f: {  	_ =	shalt  }
0x60: {  	_ =	shalt  }
0x61: {  	_ =	shalt  }
0x62: {  	_ =	shalt  }
0x63: {  	_ =	shalt  }
0x64: {  	_ =	shalt  }
0x65: {  	_ =	shalt  }
0x66: {  	_ =	shalt  }
0x67: {  	_ =	shalt  }
0x68: {  	_ =	shalt  }
0x69: {  	_ =	shalt  }
0x6a: {  	_ =	shalt  }
0x6b: {  	_ =	shalt  }
0x6c: {  	_ =	shalt  }
0x6d: {  	_ =	shalt  }
0x6e: {  	_ =	shalt  }
0x6f: {  	_ =	shalt  }
0x70: {  	_ =	shalt  }
0x71: {  	_ =	shalt  }
0x72: {  	_ =	shalt  }
0x73: {  	_ =	shalt  }
0x74: {  	_ =	shalt  }
0x75: {  	_ =	shalt  }
0x76: {  	_ =	shalt  }
0x77: {  	_ =	shalt  }
0x78: {  	_ =	shalt  }
0x79: {  	_ =	shalt  }
0x7a: {  	_ =	shalt  }
0x7b: {  	_ =	shalt  }
0x7c: {  	_ =	shalt  }
0x7d: {  	_ =	shalt  }
0x7e: {  	_ =	shalt  }
0x7f: {  	_ =	shalt  }
0x80: {  	_ =	shalt  }
0x81: {  	_ =	shalt  }
0x82: {  	_ =	shalt  }
0x83: {  	_ =	shalt  }
0x84: {  	_ =	shalt  }
0x85: {  	_ =	shalt  }
0x86: {  	_ =	shalt  }
0x87: {  	_ =	shalt  }
.Lfunc_end0:
.L_simem_size_0:
called_computation_lowered:
.L_overlay_start_0:
0x88: {  	s2 =	sld [smem:$0x3FD9]  }
0x89: {  	s3 =	sld [smem:$0x3FFE];
	_ =	sdelay $0x1  }
0x8a: {  	s1 =	srdreg.scid  }
0x8b: {  	s0 =	sand.u32 $0x1, s1  }
0x8c: {  	s16 =	sshll.u32 s0, $0xA;
	s2 =	sadd.s32 s3, s2  }
0x8d: {  	s2 =	sadd.s32 s2, s16  }
0x8e: {  	[smem:$0x3FBD] =	sst s2  }
0x8f: {  	_ = 	snop  }
0x90: {  	(tm) =	ssettm $0x1  }
0x91: {  	s17 =	sld [smem:$0x3FFB];
	_ =	sdelay $0x3  }
0x92: {  	_ =	strace s17  }
0x93: {  	s2 =	sld [smem:$0x3FFC];
	_ =	sdelay $0x3  }
0x94: {  	_ =	strace s2  }
0x95: {  	s2 =	sld [smem:$0x3FFD];
	_ =	sdelay $0x3  }
0x96: {  	_ =	strace s2  }
0x97: {  	_ =	strace $0x8FFFFFFF  }
0x98: {  	s18 =	sld [smem:$0x3FDB];
	_ =	sdelay $0x1  }
0x99: {  	s19 =	simm.s32 $_scs_section_size  }
0x9a: {  	s4 =	simm.s32 $_size__tile_overlayer_lowered;
	s5 =	simm.s32 $_tile_overlayer_lowered  }
0x9b: {  	s22 =	simm.s32 $0x1BFF;
	s21 =	sshll.u32 s5, $0x1;
	s2 =	sadd.s32 s19, s18  }
0x9c: {  	s6 =	simm.s32 $0x0;
	s20 =	sshll.u32 s4, $0x1;
	s4 =	sadd.s32 s21, s2  }
0x9d: {  	[timem:s6], [sflag:s22] =	dma.local [hbm:s4], s20  }
0x9e: {  	_ =	swait.ge [sflag:s22], s20  }
0x9f: {  	s3 =	ssub.s32 $0x0, s20;
	[sflag:s22] =	ssyncset.done $0x0  }
0xa0: {  	[sflag:s22] =	ssyncadd.s32 s3;
	_ =	sdelay $0x1  }
0xa1: {  	s23 =	simm.s32 $0x1B8B  }
0xa2: {  	_ =	swait.ge [sflag:s23], $0x1  }
0xa3: {  	[sflag:s23] =	ssyncset.done $0x0  }
0xa4: {  	s25 =	simm.s32 $0x1B8E;
	s24 =	sld [smem:$0x3FFE];
	[sflag:s23] =	ssyncadd.s32 $0xFFFFFFFF  }
0xa5: {  	s26 =	simm.s32 $execute0_lowered;
	[smem:$0x3FD2] =	sst s25  }
0xa6: {  	s4 =	sshll.u32 s26, $0x1;
	_ =	strace $0x80000046;
	[dreg:$0x1] =	wrdreg $0xFFFFFFFF  }
0xa7: {  	s28 =	simm.s32 $_size_execute0_lowered;
	s2 =	sadd.s32 s2, s4;
	[dreg:$0x0] =	wrdreg $0x0  }
0xa8: {  	s4 =	sshll.u32 s28, $0x1;
	[dreg:$0x2] =	wrdreg s2  }
0xa9: {  	[dreg:$0x3] =	wrdreg s4  }
0xaa: {  	[dreg:$0x4] =	wrdreg $0xC0  }
0xab: {  	_ =	task [dreg:s6], $0x5FFFF  }
0xac: {  	[dreg:$0x1] =	wrdreg $0xFFFFFFFF  }
0xad: {  	[dreg:$0x0] =	wrdreg $0x60  }
0xae: {  	[dreg:$0x2] =	wrdreg s24  }
0xaf: {  	[dreg:$0x3] =	wrdreg $0x28800  }
0xb0: {  	[dreg:$0x4] =	wrdreg $0x9  }
0xb1: {  	_ =	task.clear_ibuf [dreg:s6], $0x5FFFF;
	_ =	strace $0x90000046  }
0xb2: {  	s29 =	simm.s32 $0x9;
	_ =	strace $0x80000048  }
0xb3: {  	_ =	swait.ge [sflag:s29], $0x1  }
0xb4: {  	[sflag:s29] =	ssyncadd.s32 $0xFFFFFFFF  }
0xb5: {  	_ =	strace $0x90000048  }
0xb6: {  	_ =	sfence  }
0xb7: {  	s30 =	sld [smem:$0x0];
	_ =	sdelay $0x2  }
0xb8: {  	s31 =	sshll.u32 s1, $0xD;
	s1 =	sshrl.u32 s1, $0x2  }
0xb9: {  	s3 =	sand.u32 $0x4000, s31;
	s1 =	sadd.s32 s1, s30  }
0xba: {  	s0 =	sor.u32 s3, s0;
	s1 =	sshll.u32 s1, $0x11  }
0xbb: {  	s0 =	sor.u32 s1, s0  }
0xbc: {  	s0 =	sadd.s32 $0x8F2B, s0  }
0xbd: {  	[sflag:s0] =	ssyncadd.remote.s32 $0x1  }
0xbe: {  	_ =	sfence.sel $0xFFFF  }
0xbf: {  	[dreg:$0x0] =	wrdreg $0xFFFFFFFF;
	(pc) =	sbr.abs _section_cstart, $3  }
0xc0: {  	[dreg:$0x1] =	wrdreg $0xFFFFFFFF  }
0xc1: {  	_ =	task.clear_ibuf [dreg:s6], $0x2FFFF;
	_ =	strace $0x9FFFFFFF  }
0xc2: {  	(tm) =	ssettm $0x7FFFFFFF  }
0xc3: {  	_ =	shalt  }
tec
execute0_lowered:
.L_overlay_start_1:
0x0: {  	(tag) =	ssettag $0x1  }
0x1: {  	s6 =	rddreg [dreg:$0x0]  }
0x2: {  	s2 =	rddreg [dreg:$0x1]  }
0x3: {  	s0 =	srdreg.scid;
	s1 =	rddreg [dreg:$0x2]  }
0x4: {  	s3 =	simm.s32 $0x0;
	s5 =	sand.u32 $0x1, s0;
	s0 =	stileid.u32  }
0x5: {  	[smem:$0x7FF] =	sst s3;
	s4 =	smul.u32 $0x27100, s5  }
0x6: {  	s13 =	simm.s32 $0x0;
	s7 =	smul.u32 $0x2710, s0;
	_ =	strace $0x80000047  }
0x7: {  	s29 =	ssub.s32 $0x2, s5;
	s10 =	smul.u32 $0x50000, s0;
	p0 =	seq.s32 s5, $0x1  }
0x8: {  	s5 =	simm.s32 $0x43A00;
	s31 =	smul.u32 $0x2800, s0;
	s11 =	sshll.u32 s0, $0x6  }
0x9: {  	s9 =	sshrl.u32 s29, $0x1;
	s5 =	simm.s32 @!p0 $0x1BA00;
	s4 =	sadd.s32 s7, s4  }
0xa: {  	s7 =	ssub.s32 s29, s9;
	s30 =	sshrl.u32 s10, $0x2;
	s12 =	sadd.s32 s5, s6  }
0xb: {  	s5 =	sor.u32 $0x1C01, s11;
	s10 =	simm.s32 $0x1;
	s4 =	sshrl.u32 s4, $0x3  }
0xc: {  	s11 =	simm.s32 $0x50;
	s9 =	sadd.s32 s30, s2;
	s8 =	sadd.s32 s4, s6  }
0xd: {  	s4 =	sadd.s32 $0x19200, s6;
	s6 =	smax.u32 s7, $0x1;
	s7 =	sadd.s32 s12, s31  }
0xe: {  	v0 =	vimm.f32 $1.000000000e+00;
	s9 =	sshrl.u32 s9, $0x3;
	s12 =	simm.s32 $0x80;
	s8 =	sadd.s32 $0xF400, s8  }
.LBB2_1:
0xf: {  	[spmem:s9], [sflag:s5] =	dma.local [hbm:s4], $0x2800  }
0x10: {  	_ =	swait.ge [sflag:s10], $0x2800  }
0x11: {  	[sflag:s10] =	ssyncset.done $0x0  }
0x12: {  	s14 =	simm.s32 $0x200;
	s15 =	simm.s32 $0x0;
	[sflag:s10] =	ssyncadd.s32 $0xFFFFD800  }
.LBB2_2:
0x13: {  	p0 =	sne.s32 s14, $0x9E00;
	[tilespmem:s15+$0x80] =	vst v0;
	s15 =	smov.u32 s14;
	s14 =	sadd.s32 $0x200, s14  }
.Ltmp0:
0x14: {  	(pc) =	sbr.rel @p0 .LBB2_2-.Ltmp0, $2  }
0x15: {  	_ =	sdelay $0x2  }
0x16: {  	s15 =	sshra.s32 s15, $0x2  }
0x17: {  	[tilespmem:s15+$0x80] =	vst v0  }
0x18: {  	s14 =	sadd.s32 $0x0, s8;
	[bflag:$0x0] =	sbarrier.arrive $0xFFFF  }
0x19: {  	[tilespmem:s3], [sflag:$0x1] =	stream.linear.gather [hbm4b:s14+s3], $0x50, $0x38;
	[tilespmem:$0x5080] =	vst v63  }
0x1a: {  	_ =	swait.ge [sflag:s10], $0x50  }
0x1b: {  	[sflag:s10] =	ssyncset.done $0x0  }
0x1c: {  	[sflag:s10] =	ssyncadd.s32 $0xFFFFFFB0  }
0x1d: {  	[spmem:s2] =	stream.indirect.scatter.add.f32 [tilespmem:s12], [sflag:$0x1], $0x10, s3, s11, $0xb8;
	[tilespmem:$0x5080] =	vst v63  }
0x1e: {  	_ =	swait.ge [sflag:s10], $0x500  }
0x1f: {  	s15 =	simm.s32 $0x14;
	s14 =	simm.s32 $0xA;
	[sflag:s10] =	ssyncset.done $0x0  }
.LBB2_4:
0x20: {  	s16 =	sadd.s32 s14, s8  }
0x21: {  	[sflag:s10] =	ssyncadd.s32 $0xFFFFFB00;
	s14 =	smov.u32 s15;
	s17 =	sadd.s32 $0xA, s15  }
0x22: {  	[tilespmem:s3], [sflag:$0x1] =	stream.linear.gather [hbm4b:s16+s3], $0x50, $0x38;
	[tilespmem:$0x5080] =	vst v63  }
0x23: {  	p0 =	sne.s32 s15, $0x4D8;
	_ =	swait.ge [sflag:s10], $0x50  }
.Ltmp1:
0x24: {  	[sflag:s10] =	ssyncset.done $0x0;
	(pc) =	sbr.rel @p0 .LBB2_4-.Ltmp1, $4  }
0x25: {  	[sflag:s10] =	ssyncadd.s32 $0xFFFFFFB0  }
0x26: {  	[spmem:s2] =	stream.indirect.scatter.add.f32 [tilespmem:s12], [sflag:$0x1], $0x10, s3, s11, $0xb8;
	[tilespmem:$0x5080] =	vst v63  }
0x27: {  	_ =	swait.ge [sflag:s10], $0x500  }
0x28: {  	s15 =	smov.u32 s17;
	[sflag:s10] =	ssyncset.done $0x0  }
0x29: {  	s14 =	sadd.s32 s14, s8;
	[sflag:s10] =	ssyncadd.s32 $0xFFFFFB00  }
0x2a: {  	[tilespmem:s3], [sflag:$0x1] =	stream.linear.gather [hbm4b:s14+s3], $0x50, $0x38;
	[tilespmem:$0x5080] =	vst v63  }
0x2b: {  	_ =	swait.ge [sflag:s10], $0x50  }
0x2c: {  	[sflag:s10] =	ssyncset.done $0x0  }
0x2d: {  	[sflag:s10] =	ssyncadd.s32 $0xFFFFFFB0  }
0x2e: {  	[spmem:s2] =	stream.indirect.scatter.add.f32 [tilespmem:s12], [sflag:$0x1], $0x10, s3, s11, $0xb8;
	[tilespmem:$0x5080] =	vst v63  }
0x2f: {  	_ =	swait.ge [sflag:s10], $0x500  }
0x30: {  	s13 =	sadd.s32 $0x1, s13;
	[sflag:s10] =	ssyncset.done $0x0  }
0x31: {  	p0 =	sne.s32 s13, s6;
	[sflag:s10] =	ssyncadd.s32 $0xFFFFFB00  }
.Ltmp2:
0x32: {  	[bflag:$0x0] =	sbarrier.arrive $0xFFFF;
	(pc) =	sbr.rel @p0 .LBB2_1-.Ltmp2, $4  }
0x33: {  	[hbm:s7], [sflag:s5] =	dma.local [spmem:s9], $0x2800  }
0x34: {  	_ =	swait.ge [sflag:s10], $0x2800  }
0x35: {  	[sflag:s10] =	ssyncset.done $0x0  }
0x36: {  	[sflag:s10] =	ssyncadd.s32 $0xFFFFD800  }
0x37: {  	_ =	sfence.sel $0x180000  }
0x38: {  	[bflag:$0x0] =	sbarrier.arrive $0xFFFF  }
0x39: {  	p0 =	sne.s32 s0, $0x0;
	_ =	strace $0x90000047  }
0x3a: {  	s0 =	sadd.s32 @!p0 $0x100000, s1;
	[bflag:$0x2] =	sbarrier.arrive $0xFFFF  }
0x3b: {  	[sflag:s0] =	ssyncadd.tile.s32 @!p0 $0x1;
	_ =	shalt  }
.Lfunc_end2:
_tile_overlayer_lowered:
.L_overlay_start_2:
0x3c: {  	(tag) =	ssettag $0x2  }
0x3d: {  	s0 =	rddreg [dreg:$0x0];
	s2 =	stileid.u32  }
0x3e: {  	s1 =	rddreg [dreg:$0x1];
	p0 =	sne.s32 s2, $0x0  }
0x3f: {  	s3 =	rddreg [dreg:$0x2];
	[bflag:$0x3] =	sbarrier.arrive $0xFFFF;
	s2 =	simm.s32 @!p0 $0x1C01  }
0x40: {  	[timem:s3], [sflag:s2] =	dma.local @!p0 [hbm:s0], s1  }
0x41: {  	s0 =	simm.s32 @!p0 $0x1  }
0x42: {  	_ =	swait.ge @!p0 [sflag:s0], s1  }
0x43: {  	s1 =	ssub.s32 @!p0 $0x0, s1;
	[sflag:s0] =	ssyncset.done @!p0 $0x0  }
0x44: {  	[sflag:s0] =	ssyncadd.s32 @!p0 s1  }
0x45: {  	[bflag:$0x3] =	sbarrier.arrive $0xFFFF  }
0x46: {  	_ =	shalt  }

// kernel: kernel.13.cloned.1.call-start
scs
__scs_entry_jumppad:
0x0: {  	(pc) =	sbr.rel $0x88, $3  }
0x1: {  	(tag) =	ssettag $0x0;
	lr =	simm.s32 $0x1  }
0x2: {  	[smem:$0x3F96] =	sst lr;
	_ =	strace $0xD0000000  }
0x3: {  	_ = 	snop  }
0x4: {  	_ = 	snop  }
0x5: {  	_ = 	snop  }
0x6: {  	_ = 	snop  }
0x7: {  	_ = 	snop  }
__scs_overlays_trampoline_lowered:
0x8: {  	[smem:$0x3FA5] =	sst s0  }
0x9: {  	[smem:$0x3FA6] =	sst s1  }
0xa: {  	[smem:$0x3FA7] =	sst s2  }
0xb: {  	[smem:$0x3FA8] =	sst s3  }
0xc: {  	[smem:$0x3FA9] =	sst s4  }
0xd: {  	[smem:$0x3FAA] =	sst s5  }
0xe: {  	[smem:$0x3FAB] =	sst s6  }
0xf: {  	[smem:$0x3FAC] =	sst s7  }
0x10: {  	[smem:$0x3FAD] =	sst s8  }
0x11: {  	[smem:$0x3FAE] =	sst s9;
	s0 =	simm.s32 @!p0 $0x0  }
0x12: {  	s1 =	sld [smem:$0x3F94];
	s0 =	simm.s32 @p0 $0x1  }
0x13: {  	[smem:$0x3FAF] =	sst s0;
	s0 =	simm.s32 @!p1 $0x0  }
0x14: {  	s2 =	sld [smem:$0x3F93];
	s0 =	simm.s32 @p1 $0x1  }
0x15: {  	[smem:$0x3FB0] =	sst s0;
	s0 =	simm.s32 @!p2 $0x0  }
0x16: {  	s3 =	sld [smem:$0x3FDB];
	s0 =	simm.s32 @p2 $0x1  }
0x17: {  	s4 =	simm.s32 $0x1BF5;
	[smem:$0x3FB2] =	sst s0  }
0x18: {  	s0 =	sld [smem:$0x3F95];
	_ =	swait.ge [sflag:s4], $0x0  }
0x19: {  	s7 =	sld [smem:$0x3F96]  }
0x1a: {  	s8 =	sadd.s32 $0xFFFFE003, lr  }
0x1b: {  	s9 =	sadd.s32 $0xFFFFFEF7, lr;
	s5 =	simm.s32 $0xFFFFFFFF;
	p2 =	slt.u32 s8, $0xFFFFF086  }
0x1c: {  	p1 =	slt.u32 s9, $0xF7A;
	s5 =	simm.s32 @!p2 $0x0  }
0x1d: {  	s5 =	simm.s32 @p1 $0x1;
	p0 =	seq.s32 s7, s2  }
0x1e: {  	s7 =	smul.u32 @!p0 $0xF7A, s2;
	p2 =	seq.s32 @!p0 s5, $0x0  }
0x1f: {  	s9 =	smul.u32 $0xF7A, s1;
	s8 =	simm.s32 @!p0 $0x1BF5;
	p2 =	por !p2, p0  }
0x20: {  	[sflag:s8] =	ssyncset.s32 @!p0 $0xFFFFF086;
	s6 =	sadd.s32 @!p0 s3, s7;
	s7 =	simm.s32 @!p0 $0x108  }
0x21: {  	s3 =	sadd.s32 s3, s9;
	s6 =	sadd.s32 @!p0 $0x88, s6;
	s7 =	simm.s32 @p2 $0x1082  }
0x22: {  	[simem:s7], [sflag:s8] =	dma.local @!p0 [hbm:s6], $0xF7A  }
0x23: {  	s9 =	sor.u32 $0xD0000000, s2;
	s6 =	simm.s32 $0x108;
	_ =	swait.ge @!p0 [sflag:s8], $0x0  }
0x24: {  	s3 =	sadd.s32 $0x88, s3;
	s6 =	simm.s32 @!p1 $0x1082;
	[sflag:s4] =	ssyncset.s32 $0xFFFFF086  }
0x25: {  	[simem:s6], [sflag:s4] =	dma.local [hbm:s3], $0xF7A  }
0x26: {  	[smem:$0x3F96] =	sst s1;
	(tag) =	ssettag s2;
	_ =	strace s9  }
0x27: {  	s1 =	sld [smem:$0x3FA6]  }
0x28: {  	s2 =	sld [smem:$0x3FA7]  }
0x29: {  	s4 =	sld [smem:$0x3FA9]  }
0x2a: {  	p0 =	seq.s32 s5, $0x0;
	s5 =	sld [smem:$0x3FAA]  }
0x2b: {  	s6 =	sld [smem:$0x3FAB]  }
0x2c: {  	s7 =	sld [smem:$0x3FAC]  }
0x2d: {  	s3 =	simm.s32 $0x108;
	s8 =	sld [smem:$0x3FAD]  }
0x2e: {  	s3 =	simm.s32 @!p0 $0x1082;
	s9 =	sld [smem:$0x3FAE]  }
0x2f: {  	lr =	sadd.s32 s0, s3;
	s0 =	sld [smem:$0x3FA5]  }
0x30: {  	s3 =	sld [smem:$0x3FA8]  }
0x31: {  	[smem:$0x3FB1] =	sst s10  }
0x32: {  	s10 =	sld [smem:$0x3FAF];
	_ =	sdelay $0x3  }
0x33: {  	p0 =	seq.s32 s10, $0x1;
	s10 =	sld [smem:$0x3FB1];
	_ =	sdelay $0x3  }
0x34: {  	[smem:$0x3FB1] =	sst s10  }
0x35: {  	s10 =	sld [smem:$0x3FB0];
	_ =	sdelay $0x3  }
0x36: {  	p1 =	seq.s32 s10, $0x1;
	s10 =	sld [smem:$0x3FB1];
	_ =	sdelay $0x3  }
0x37: {  	[smem:$0x3FB1] =	sst s10  }
0x38: {  	s10 =	sld [smem:$0x3FB2]  }
0x39: {  	_ = 	snop;
	(pc) =	sbr.ind lr, $3  }
0x3a: {  	_ = 	snop  }
0x3b: {  	_ = 	snop  }
0x3c: {  	p2 =	seq.s32 s10, $0x1;
	s10 =	sld [smem:$0x3FB1]  }
0x3d: {  	_ =	shalt  }
0x3e: {  	_ =	shalt  }
0x3f: {  	_ =	shalt  }
0x40: {  	_ =	shalt  }
0x41: {  	_ =	shalt  }
0x42: {  	_ =	shalt  }
0x43: {  	_ =	shalt  }
0x44: {  	_ =	shalt  }
0x45: {  	_ =	shalt  }
0x46: {  	_ =	shalt  }
0x47: {  	_ =	shalt  }
0x48: {  	_ =	shalt  }
0x49: {  	_ =	shalt  }
0x4a: {  	_ =	shalt  }
0x4b: {  	_ =	shalt  }
0x4c: {  	_ =	shalt  }
0x4d: {  	_ =	shalt  }
0x4e: {  	_ =	shalt  }
0x4f: {  	_ =	shalt  }
0x50: {  	_ =	shalt  }
0x51: {  	_ =	shalt  }
0x52: {  	_ =	shalt  }
0x53: {  	_ =	shalt  }
0x54: {  	_ =	shalt  }
0x55: {  	_ =	shalt  }
0x56: {  	_ =	shalt  }
0x57: {  	_ =	shalt  }
0x58: {  	_ =	shalt  }
0x59: {  	_ =	shalt  }
0x5a: {  	_ =	shalt  }
0x5b: {  	_ =	shalt  }
0x5c: {  	_ =	shalt  }
0x5d: {  	_ =	shalt  }
0x5e: {  	_ =	shalt  }
0x5f: {  	_ =	shalt  }
0x60: {  	_ =	shalt  }
0x61: {  	_ =	shalt  }
0x62: {  	_ =	shalt  }
0x63: {  	_ =	shalt  }
0x64: {  	_ =	shalt  }
0x65: {  	_ =	shalt  }
0x66: {  	_ =	shalt  }
0x67: {  	_ =	shalt  }
0x68: {  	_ =	shalt  }
0x69: {  	_ =	shalt  }
0x6a: {  	_ =	shalt  }
0x6b: {  	_ =	shalt  }
0x6c: {  	_ =	shalt  }
0x6d: {  	_ =	shalt  }
0x6e: {  	_ =	shalt  }
0x6f: {  	_ =	shalt  }
0x70: {  	_ =	shalt  }
0x71: {  	_ =	shalt  }
0x72: {  	_ =	shalt  }
0x73: {  	_ =	shalt  }
0x74: {  	_ =	shalt  }
0x75: {  	_ =	shalt  }
0x76: {  	_ =	shalt  }
0x77: {  	_ =	shalt  }
0x78: {  	_ =	shalt  }
0x79: {  	_ =	shalt  }
0x7a: {  	_ =	shalt  }
0x7b: {  	_ =	shalt  }
0x7c: {  	_ =	shalt  }
0x7d: {  	_ =	shalt  }
0x7e: {  	_ =	shalt  }
0x7f: {  	_ =	shalt  }
0x80: {  	_ =	shalt  }
0x81: {  	_ =	shalt  }
0x82: {  	_ =	shalt  }
0x83: {  	_ =	shalt  }
0x84: {  	_ =	shalt  }
0x85: {  	_ =	shalt  }
0x86: {  	_ =	shalt  }
0x87: {  	_ =	shalt  }
.Lfunc_end0:
.L_simem_size_0:
called_computation.1_lowered:
.L_overlay_start_0:
0x88: {  	s2 =	sld [smem:$0x3FD9]  }
0x89: {  	s3 =	sld [smem:$0x3FFE];
	_ =	sdelay $0x1  }
0x8a: {  	s1 =	srdreg.scid  }
0x8b: {  	s0 =	sand.u32 $0x1, s1  }
0x8c: {  	s16 =	sshll.u32 s0, $0xA;
	s2 =	sadd.s32 s3, s2  }
0x8d: {  	s2 =	sadd.s32 s2, s16  }
0x8e: {  	[smem:$0x3FBD] =	sst s2  }
0x8f: {  	_ = 	snop  }
0x90: {  	(tm) =	ssettm $0x1  }
0x91: {  	s17 =	sld [smem:$0x3FFB];
	_ =	sdelay $0x3  }
0x92: {  	_ =	strace s17  }
0x93: {  	s2 =	sld [smem:$0x3FFC];
	_ =	sdelay $0x3  }
0x94: {  	_ =	strace s2  }
0x95: {  	s2 =	sld [smem:$0x3FFD];
	_ =	sdelay $0x3  }
0x96: {  	_ =	strace s2  }
0x97: {  	_ =	strace $0x8FFFFFFF  }
0x98: {  	s18 =	sld [smem:$0x3FDB];
	_ =	sdelay $0x1  }
0x99: {  	s19 =	simm.s32 $_scs_section_size  }
0x9a: {  	s4 =	simm.s32 $_size__tile_overlayer_lowered;
	s5 =	simm.s32 $_tile_overlayer_lowered  }
0x9b: {  	s22 =	simm.s32 $0x1BFF;
	s21 =	sshll.u32 s5, $0x1;
	s2 =	sadd.s32 s19, s18  }
0x9c: {  	s6 =	simm.s32 $0x0;
	s20 =	sshll.u32 s4, $0x1;
	s4 =	sadd.s32 s21, s2  }
0x9d: {  	[timem:s6], [sflag:s22] =	dma.local [hbm:s4], s20  }
0x9e: {  	_ =	swait.ge [sflag:s22], s20  }
0x9f: {  	s3 =	ssub.s32 $0x0, s20;
	[sflag:s22] =	ssyncset.done $0x0  }
0xa0: {  	[sflag:s22] =	ssyncadd.s32 s3;
	_ =	sdelay $0x1  }
0xa1: {  	s23 =	simm.s32 $0x1B8B  }
0xa2: {  	_ =	swait.ge [sflag:s23], $0x1  }
0xa3: {  	[sflag:s23] =	ssyncset.done $0x0  }
0xa4: {  	s25 =	simm.s32 $0x1B8E;
	s24 =	sld [smem:$0x3FFE];
	[sflag:s23] =	ssyncadd.s32 $0xFFFFFFFF  }
0xa5: {  	s26 =	simm.s32 $execute0_lowered;
	[smem:$0x3FD2] =	sst s25  }
0xa6: {  	s4 =	sshll.u32 s26, $0x1;
	_ =	strace $0x80000049;
	[dreg:$0x1] =	wrdreg $0xFFFFFFFF  }
0xa7: {  	s28 =	simm.s32 $_size_execute0_lowered;
	s2 =	sadd.s32 s2, s4;
	[dreg:$0x0] =	wrdreg $0x0  }
0xa8: {  	s4 =	sshll.u32 s28, $0x1;
	[dreg:$0x2] =	wrdreg s2  }
0xa9: {  	[dreg:$0x3] =	wrdreg s4  }
0xaa: {  	[dreg:$0x4] =	wrdreg $0xC0  }
0xab: {  	_ =	task [dreg:s6], $0x5FFFF  }
0xac: {  	[dreg:$0x1] =	wrdreg $0xFFFFFFFF  }
0xad: {  	[dreg:$0x0] =	wrdreg $0x60  }
0xae: {  	[dreg:$0x2] =	wrdreg s24  }
0xaf: {  	[dreg:$0x3] =	wrdreg $0x52000  }
0xb0: {  	[dreg:$0x4] =	wrdreg $0x9  }
0xb1: {  	_ =	task.clear_ibuf [dreg:s6], $0x5FFFF;
	_ =	strace $0x90000049  }
0xb2: {  	s29 =	simm.s32 $0x9;
	_ =	strace $0x8000004B  }
0xb3: {  	_ =	swait.ge [sflag:s29], $0x1  }
0xb4: {  	[sflag:s29] =	ssyncadd.s32 $0xFFFFFFFF  }
0xb5: {  	_ =	strace $0x9000004B  }
0xb6: {  	_ =	sfence  }
0xb7: {  	s30 =	sld [smem:$0x0];
	_ =	sdelay $0x2  }
0xb8: {  	s31 =	sshll.u32 s1, $0xD;
	s1 =	sshrl.u32 s1, $0x2  }
0xb9: {  	s3 =	sand.u32 $0x4000, s31;
	s1 =	sadd.s32 s1, s30  }
0xba: {  	s0 =	sor.u32 s3, s0;
	s1 =	sshll.u32 s1, $0x11  }
0xbb: {  	s0 =	sor.u32 s1, s0  }
0xbc: {  	s0 =	sadd.s32 $0x8F2B, s0  }
0xbd: {  	[sflag:s0] =	ssyncadd.remote.s32 $0x1  }
0xbe: {  	_ =	sfence.sel $0xFFFF  }
0xbf: {  	[dreg:$0x0] =	wrdreg $0xFFFFFFFF;
	(pc) =	sbr.abs _section_cstart, $3  }
0xc0: {  	[dreg:$0x1] =	wrdreg $0xFFFFFFFF  }
0xc1: {  	_ =	task.clear_ibuf [dreg:s6], $0x2FFFF;
	_ =	strace $0x9FFFFFFF  }
0xc2: {  	(tm) =	ssettm $0x7FFFFFFF  }
0xc3: {  	_ =	shalt  }
tec
execute0_lowered:
.L_overlay_start_1:
0x0: {  	(tag) =	ssettag $0x1  }
0x1: {  	s8 =	rddreg [dreg:$0x0]  }
0x2: {  	s1 =	rddreg [dreg:$0x1];
	s2 =	simm.s32 $0x0  }
0x3: {  	s6 =	srdreg.scid;
	s0 =	stileid.u32;
	s21 =	simm.s32 $0x50  }
0x4: {  	s22 =	simm.s32 $0x200;
	s23 =	simm.s32 $0x80;
	s24 =	simm.s32 $0x180  }
0x5: {  	s25 =	simm.s32 $0x2A00;
	s26 =	simm.s32 $0x1;
	s28 =	simm.s32 $0x2  }
0x6: {  	s29 =	simm.s32 $0x0;
	[smem:$0x7FF] =	sst s2;
	s4 =	sadd.s32 $0x19200, s8  }
0x7: {  	s5 =	sadd.s32 $0x41200, s8;
	s17 =	sadd.s32 $0x5600, s8;
	s10 =	smul.u32 $0x50000, s0  }
0x8: {  	s18 =	sand.u32 $0x1, s6;
	s16 =	sadd.s32 $0xF400, s8;
	s12 =	smul.u32 $0x4E20, s0  }
0x9: {  	s6 =	sadd.s32 $0x91200, s8;
	s7 =	sadd.s32 $0x93A00, s8;
	s20 =	smul.u32 $0x9C4, s0  }
0xa: {  	s8 =	sadd.s32 $0xBBA00, s8;
	s31 =	sshll.u32 s0, $0x6;
	s14 =	smul.u32 $0x2800, s0  }
0xb: {  	_ =	strace $0x8000004A;
	s9 =	ssub.s32 $0x2, s18;
	p0 =	sne.s32 s18, $0x0  }
0xc: {  	s11 =	sshrl.u32 s9, $0x1;
	s30 =	sshrl.u32 s10, $0x2;
	s12 =	sshrl.u32 s12, $0x3  }
.Ltmp0:
0xd: {  	s15 =	ssub.s32 s9, s11;
	s19 =	sadd.s32 s30, s1;
	(pc) =	sbr.rel .LBB2_1-.Ltmp0, $4  }
0xe: {  	s9 =	sor.u32 $0x1C03, s31;
	s10 =	sadd.s32 s17, s12;
	s13 =	sadd.s32 $0xA, s12  }
0xf: {  	s11 =	sadd.s32 s16, s12;
	s12 =	sadd.s32 s17, s13;
	s13 =	sadd.s32 s16, s13  }
0x10: {  	s15 =	smax.u32 s15, $0x1;
	s16 =	sadd.s32 s20, s16;
	s17 =	sadd.s32 s20, s17  }
0x11: {  	s18 =	sshrl.u32 s19, $0x3;
	s19 =	simm.s32 $0x3;
	s20 =	simm.s32 $0x100  }
.LBB2_7:
0x12: {  	[tilespmem:s25], [sflag:$0x2] =	stream.indirect.gather [hbm4b:s5+s21], $0x80, s23, s21, $0xb8;
	[tilespmem:$0x19200] =	vst v63  }
0x13: {  	s31 =	smov.u32 s5;
	s30 =	smov.u32 s8  }
.LBB2_8:
0x14: {  	_ =	swait.ge [sflag:s26], $0x2800  }
0x15: {  	[sflag:s26] =	ssyncset.done $0x0  }
0x16: {  	[sflag:s26] =	ssyncadd.s32 $0xFFFFD800  }
0x17: {  	[spmem:s1] =	stream.indirect.scatter.add.f32 [tilespmem:s22], [sflag:$0x3], $0x80, s20, s21, $0xb8;
	[tilespmem:$0x19200] =	vst v63  }
0x18: {  	_ =	swait.ge [sflag:s19], $0x2800  }
0x19: {  	[sflag:s19] =	ssyncset.done $0x0  }
0x1a: {  	[sflag:s19] =	ssyncadd.s32 $0xFFFFD800  }
0x1b: {  	[tilespmem:s2], [sflag:$0x3] =	stream.linear.gather [hbm4b:s10+s2], $0x50, $0x38;
	[tilespmem:$0x19200] =	vst v63  }
0x1c: {  	_ =	swait.ge [sflag:s19], $0x50  }
0x1d: {  	[sflag:s19] =	ssyncset.done $0x0  }
0x1e: {  	[sflag:s19] =	ssyncadd.s32 $0xFFFFFFB0  }
0x1f: {  	[tilespmem:s20], [sflag:$0x3] =	stream.linear.gather [hbm4b:s11+s2], $0x50, $0x38;
	[tilespmem:$0x19200] =	vst v63  }
0x20: {  	_ =	swait.ge [sflag:s19], $0x50  }
0x21: {  	[sflag:s19] =	ssyncset.done $0x0  }
0x22: {  	[sflag:s19] =	ssyncadd.s32 $0xFFFFFFB0  }
0x23: {  	[tilespmem:s22], [sflag:$0x1] =	stream.indirect.gather [hbm4b:s31+s21], $0x80, s2, s21, $0xb8;
	[tilespmem:$0x19200] =	vst v63  }
0x24: {  	_ =	swait.ge [sflag:s28], $0x2800  }
0x25: {  	[sflag:s28] =	ssyncset.done $0x0  }
0x26: {  	[sflag:s28] =	ssyncadd.s32 $0xFFFFD800  }
0x27: {  	[spmem:s1] =	stream.indirect.scatter.add.f32 [tilespmem:s25], [sflag:$0x3], $0x80, s24, s21, $0xb8;
	[tilespmem:$0x19200] =	vst v63  }
0x28: {  	_ =	swait.ge [sflag:s19], $0x2800  }
0x29: {  	[sflag:s19] =	ssyncset.done $0x0  }
0x2a: {  	[sflag:s19] =	ssyncadd.s32 $0xFFFFD800  }
0x2b: {  	[tilespmem:s23], [sflag:$0x3] =	stream.linear.gather [hbm4b:s12+s2], $0x50, $0x38;
	[tilespmem:$0x19200] =	vst v63  }
0x2c: {  	_ =	swait.ge [sflag:s19], $0x50  }
0x2d: {  	[sflag:s19] =	ssyncset.done $0x0  }
0x2e: {  	[sflag:s19] =	ssyncadd.s32 $0xFFFFFFB0  }
0x2f: {  	[tilespmem:s24], [sflag:$0x3] =	stream.linear.gather [hbm4b:s13+s2], $0x50, $0x38;
	[tilespmem:$0x19200] =	vst v63  }
0x30: {  	_ =	swait.ge [sflag:s19], $0x50  }
0x31: {  	[sflag:s19] =	ssyncset.done $0x0  }
0x32: {  	[sflag:s19] =	ssyncadd.s32 $0xFFFFFFB0  }
0x33: {  	[tilespmem:s25], [sflag:$0x2] =	stream.indirect.gather [hbm4b:s31+s21], $0x80, s23, s21, $0xb8;
	[tilespmem:$0x19200] =	vst v63  }
0x34: {  	_ =	swait.ge [sflag:s26], $0x2800  }
0x35: {  	[sflag:s26] =	ssyncset.done $0x0  }
0x36: {  	[sflag:s26] =	ssyncadd.s32 $0xFFFFD800  }
0x37: {  	_ =	swait.ge [sflag:s28], $0x2800  }
0x38: {  	s29 =	sadd.s32 $0x1, s29;
	[sflag:s28] =	ssyncset.done $0x0  }
0x39: {  	p1 =	sne.s32 s29, s15;
	[sflag:s28] =	ssyncadd.s32 $0xFFFFD800  }
.Ltmp1:
0x3a: {  	s0 =	sadd.s32 s30, s14;
	[bflag:$0x0] =	sbarrier.arrive $0xFFFF;
	(pc) =	sbr.rel @!p1 .LBB2_9-.Ltmp1, $4  }
0x3b: {  	[hbm:s0], [sflag:s9] =	dma.local [spmem:s18], $0x2800  }
0x3c: {  	_ =	swait.ge [sflag:s19], $0x2800  }
0x3d: {  	[sflag:s19] =	ssyncset.done $0x0  }
0x3e: {  	[sflag:s19] =	ssyncadd.s32 $0xFFFFD800  }
.LBB2_1:
0x3f: {  	[spmem:s18], [sflag:s9] =	dma.local [hbm:s6], $0x2800  }
0x40: {  	_ =	swait.ge [sflag:s19], $0x2800  }
0x41: {  	[sflag:s19] =	ssyncset.done $0x0  }
0x42: {  	[sflag:s19] =	ssyncadd.s32 $0xFFFFD800  }
0x43: {  	[bflag:$0x0] =	sbarrier.arrive $0xFFFF  }
0x44: {  	[tilespmem:s2], [sflag:$0x3] =	stream.linear.gather [hbm4b:s10+s2], $0x50, $0x38;
	[tilespmem:$0x19200] =	vst v63  }
0x45: {  	_ =	swait.ge [sflag:s19], $0x50  }
0x46: {  	[sflag:s19] =	ssyncset.done $0x0  }
.Ltmp2:
0x47: {  	[sflag:s19] =	ssyncadd.s32 $0xFFFFFFB0;
	(pc) =	sbr.rel @p0 .LBB2_5-.Ltmp2, $4  }
0x48: {  	[tilespmem:s20], [sflag:$0x3] =	stream.linear.gather [hbm4b:s11+s2], $0x50, $0x38;
	[tilespmem:$0x19200] =	vst v63  }
0x49: {  	_ =	swait.ge [sflag:s19], $0x50  }
0x4a: {  	[sflag:s19] =	ssyncset.done $0x0  }
0x4b: {  	[sflag:s19] =	ssyncadd.s32 $0xFFFFFFB0  }
0x4c: {  	[tilespmem:s22], [sflag:$0x1] =	stream.indirect.gather [hbm4b:s4+s21], $0x80, s2, s21, $0xb8;
	[tilespmem:$0x19200] =	vst v63  }
0x4d: {  	_ = 	snop  }
0x4e: {  	[tilespmem:s23], [sflag:$0x3] =	stream.linear.gather [hbm4b:s12+s2], $0x50, $0x38;
	[tilespmem:$0x19200] =	vst v63  }
0x4f: {  	_ =	swait.ge [sflag:s19], $0x50  }
0x50: {  	[sflag:s19] =	ssyncset.done $0x0  }
0x51: {  	[sflag:s19] =	ssyncadd.s32 $0xFFFFFFB0  }
0x52: {  	[tilespmem:s24], [sflag:$0x3] =	stream.linear.gather [hbm4b:s13+s2], $0x50, $0x38;
	[tilespmem:$0x19200] =	vst v63  }
0x53: {  	_ =	swait.ge [sflag:s19], $0x50  }
0x54: {  	[sflag:s19] =	ssyncset.done $0x0  }
0x55: {  	[sflag:s19] =	ssyncadd.s32 $0xFFFFFFB0  }
0x56: {  	[tilespmem:s25], [sflag:$0x2] =	stream.indirect.gather [hbm4b:s4+s21], $0x80, s23, s21, $0xb8;
	[tilespmem:$0x19200] =	vst v63  }
0x57: {  	_ =	swait.ge [sflag:s26], $0x2800  }
0x58: {  	[sflag:s26] =	ssyncset.done $0x0  }
0x59: {  	[sflag:s26] =	ssyncadd.s32 $0xFFFFD800  }
0x5a: {  	[spmem:s1] =	stream.indirect.scatter.add.f32 [tilespmem:s22], [sflag:$0x3], $0x80, s20, s21, $0xb8;
	[tilespmem:$0x19200] =	vst v63  }
0x5b: {  	_ =	swait.ge [sflag:s19], $0x2800  }
0x5c: {  	s30 =	sadd.s32 $0xFFFFF650, s17;
	[sflag:s19] =	ssyncset.done $0x0  }
0x5d: {  	s31 =	sadd.s32 $0x9C4, s30;
	[sflag:s19] =	ssyncadd.s32 $0xFFFFD800  }
0x5e: {  	[tilespmem:s2], [sflag:$0x3] =	stream.linear.gather [hbm4b:s31+s2], $0x50, $0x38;
	[tilespmem:$0x19200] =	vst v63  }
0x5f: {  	_ =	swait.ge [sflag:s19], $0x50  }
0x60: {  	s31 =	sadd.s32 $0xFFFFF650, s16;
	[sflag:s19] =	ssyncset.done $0x0  }
0x61: {  	s0 =	sadd.s32 $0x9C4, s31;
	[sflag:s19] =	ssyncadd.s32 $0xFFFFFFB0  }
0x62: {  	[tilespmem:s20], [sflag:$0x3] =	stream.linear.gather [hbm4b:s0+s2], $0x50, $0x38;
	[tilespmem:$0x19200] =	vst v63  }
0x63: {  	_ =	swait.ge [sflag:s19], $0x50  }
0x64: {  	[sflag:s19] =	ssyncset.done $0x0  }
0x65: {  	[sflag:s19] =	ssyncadd.s32 $0xFFFFFFB0  }
0x66: {  	[tilespmem:s22], [sflag:$0x1] =	stream.indirect.gather [hbm4b:s4+s21], $0x80, s2, s21, $0xb8;
	[tilespmem:$0x19200] =	vst v63  }
0x67: {  	_ =	swait.ge [sflag:s28], $0x2800  }
0x68: {  	[sflag:s28] =	ssyncset.done $0x0  }
0x69: {  	[sflag:s28] =	ssyncadd.s32 $0xFFFFD800  }
0x6a: {  	[spmem:s1] =	stream.indirect.scatter.add.f32 [tilespmem:s25], [sflag:$0x3], $0x80, s24, s21, $0xb8;
	[tilespmem:$0x19200] =	vst v63  }
0x6b: {  	_ =	swait.ge [sflag:s19], $0x2800  }
0x6c: {  	[sflag:s19] =	ssyncset.done $0x0  }
0x6d: {  	s3 =	sadd.s32 $0x9CE, s30;
	[sflag:s19] =	ssyncadd.s32 $0xFFFFD800  }
0x6e: {  	[tilespmem:s23], [sflag:$0x3] =	stream.linear.gather [hbm4b:s3+s2], $0x50, $0x38;
	[tilespmem:$0x19200] =	vst v63  }
0x6f: {  	_ =	swait.ge [sflag:s19], $0x50  }
0x70: {  	[sflag:s19] =	ssyncset.done $0x0  }
0x71: {  	s31 =	sadd.s32 $0x9CE, s31;
	[sflag:s19] =	ssyncadd.s32 $0xFFFFFFB0  }
0x72: {  	[tilespmem:s24], [sflag:$0x3] =	stream.linear.gather [hbm4b:s31+s2], $0x50, $0x38;
	[tilespmem:$0x19200] =	vst v63  }
0x73: {  	_ =	swait.ge [sflag:s19], $0x50  }
0x74: {  	[sflag:s19] =	ssyncset.done $0x0  }
0x75: {  	s30 =	simm.s32 $0xFFFFF664;
	[sflag:s19] =	ssyncadd.s32 $0xFFFFFFB0  }
.LBB2_3:
0x76: {  	[tilespmem:s25], [sflag:$0x2] =	stream.indirect.gather [hbm4b:s4+s21], $0x80, s23, s21, $0xb8;
	[tilespmem:$0x19200] =	vst v63  }
0x77: {  	s0 =	smov.u32 s30  }
0x78: {  	p1 =	seq.s32 s30, $0xFFFFFFEC;
	s30 =	sadd.s32 $0x14, s30;
	_ =	swait.ge [sflag:s26], $0x2800  }
0x79: {  	[sflag:s26] =	ssyncset.done $0x0  }
0x7a: {  	[sflag:s26] =	ssyncadd.s32 $0xFFFFD800  }
0x7b: {  	[spmem:s1] =	stream.indirect.scatter.add.f32 [tilespmem:s22], [sflag:$0x3], $0x80, s20, s21, $0xb8;
	[tilespmem:$0x19200] =	vst v63  }
0x7c: {  	_ =	swait.ge [sflag:s19], $0x2800  }
0x7d: {  	s31 =	sadd.s32 s0, s17;
	[sflag:s19] =	ssyncset.done $0x0  }
0x7e: {  	s3 =	sadd.s32 $0x9C4, s31;
	[sflag:s19] =	ssyncadd.s32 $0xFFFFD800  }
0x7f: {  	[tilespmem:s2], [sflag:$0x3] =	stream.linear.gather [hbm4b:s3+s2], $0x50, $0x38;
	[tilespmem:$0x19200] =	vst v63  }
0x80: {  	_ =	swait.ge [sflag:s19], $0x50  }
0x81: {  	s0 =	sadd.s32 s0, s16;
	[sflag:s19] =	ssyncset.done $0x0  }
0x82: {  	s3 =	sadd.s32 $0x9C4, s0;
	[sflag:s19] =	ssyncadd.s32 $0xFFFFFFB0  }
0x83: {  	[tilespmem:s20], [sflag:$0x3] =	stream.linear.gather [hbm4b:s3+s2], $0x50, $0x38;
	[tilespmem:$0x19200] =	vst v63  }
0x84: {  	_ =	swait.ge [sflag:s19], $0x50  }
0x85: {  	[sflag:s19] =	ssyncset.done $0x0  }
0x86: {  	[sflag:s19] =	ssyncadd.s32 $0xFFFFFFB0  }
0x87: {  	[tilespmem:s22], [sflag:$0x1] =	stream.indirect.gather [hbm4b:s4+s21], $0x80, s2, s21, $0xb8;
	[tilespmem:$0x19200] =	vst v63  }
0x88: {  	_ =	swait.ge [sflag:s28], $0x2800  }
0x89: {  	[sflag:s28] =	ssyncset.done $0x0  }
0x8a: {  	[sflag:s28] =	ssyncadd.s32 $0xFFFFD800  }
0x8b: {  	[spmem:s1] =	stream.indirect.scatter.add.f32 [tilespmem:s25], [sflag:$0x3], $0x80, s24, s21, $0xb8;
	[tilespmem:$0x19200] =	vst v63  }
0x8c: {  	_ =	swait.ge [sflag:s19], $0x2800  }
0x8d: {  	[sflag:s19] =	ssyncset.done $0x0  }
0x8e: {  	s3 =	sadd.s32 $0x9CE, s31;
	[sflag:s19] =	ssyncadd.s32 $0xFFFFD800  }
0x8f: {  	[tilespmem:s23], [sflag:$0x3] =	stream.linear.gather [hbm4b:s3+s2], $0x50, $0x38;
	[tilespmem:$0x19200] =	vst v63  }
0x90: {  	_ =	swait.ge [sflag:s19], $0x50  }
0x91: {  	[sflag:s19] =	ssyncset.done $0x0  }
.Ltmp3:
0x92: {  	s0 =	sadd.s32 $0x9CE, s0;
	[sflag:s19] =	ssyncadd.s32 $0xFFFFFFB0;
	(pc) =	sbr.rel @!p1 .LBB2_3-.Ltmp3, $4  }
0x93: {  	[tilespmem:s24], [sflag:$0x3] =	stream.linear.gather [hbm4b:s0+s2], $0x50, $0x38;
	[tilespmem:$0x19200] =	vst v63  }
0x94: {  	_ =	swait.ge [sflag:s19], $0x50  }
0x95: {  	[sflag:s19] =	ssyncset.done $0x0  }
0x96: {  	[sflag:s19] =	ssyncadd.s32 $0xFFFFFFB0  }
.Ltmp4:
0x97: {  	(pc) =	sbr.rel .LBB2_8-.Ltmp4, $3  }
0x98: {  	_ =	sdelay $0x1  }
0x99: {  	[tilespmem:s25], [sflag:$0x2] =	stream.indirect.gather [hbm4b:s4+s21], $0x80, s23, s21, $0xb8;
	[tilespmem:$0x19200] =	vst v63  }
0x9a: {  	s31 =	smov.u32 s4;
	s30 =	smov.u32 s7  }
.LBB2_5:
0x9b: {  	[tilespmem:s22], [sflag:$0x1] =	stream.indirect.gather [hbm4b:s5+s21], $0x80, s2, s21, $0xb8;
	[tilespmem:$0x19200] =	vst v63  }
0x9c: {  	_ = 	snop  }
0x9d: {  	[tilespmem:s23], [sflag:$0x3] =	stream.linear.gather [hbm4b:s12+s2], $0x50, $0x38;
	[tilespmem:$0x19200] =	vst v63  }
0x9e: {  	_ =	swait.ge [sflag:s19], $0x50  }
0x9f: {  	[sflag:s19] =	ssyncset.done $0x0  }
0xa0: {  	[sflag:s19] =	ssyncadd.s32 $0xFFFFFFB0  }
0xa1: {  	[tilespmem:s24], [sflag:$0x3] =	stream.linear.gather [hbm4b:s13+s2], $0x50, $0x38;
	[tilespmem:$0x19200] =	vst v63  }
0xa2: {  	_ =	swait.ge [sflag:s19], $0x50  }
0xa3: {  	[sflag:s19] =	ssyncset.done $0x0  }
0xa4: {  	[sflag:s19] =	ssyncadd.s32 $0xFFFFFFB0  }
0xa5: {  	[tilespmem:s25], [sflag:$0x2] =	stream.indirect.gather [hbm4b:s5+s21], $0x80, s23, s21, $0xb8;
	[tilespmem:$0x19200] =	vst v63  }
0xa6: {  	_ =	swait.ge [sflag:s26], $0x2800  }
0xa7: {  	[sflag:s26] =	ssyncset.done $0x0  }
0xa8: {  	[sflag:s26] =	ssyncadd.s32 $0xFFFFD800  }
0xa9: {  	[spmem:s1] =	stream.indirect.scatter.add.f32 [tilespmem:s22], [sflag:$0x3], $0x80, s20, s21, $0xb8;
	[tilespmem:$0x19200] =	vst v63  }
0xaa: {  	_ =	swait.ge [sflag:s19], $0x2800  }
0xab: {  	s0 =	sadd.s32 $0xFFFFF650, s17;
	[sflag:s19] =	ssyncset.done $0x0  }
0xac: {  	s3 =	sadd.s32 $0x9C4, s0;
	[sflag:s19] =	ssyncadd.s32 $0xFFFFD800  }
0xad: {  	[tilespmem:s2], [sflag:$0x3] =	stream.linear.gather [hbm4b:s3+s2], $0x50, $0x38;
	[tilespmem:$0x19200] =	vst v63  }
0xae: {  	_ =	swait.ge [sflag:s19], $0x50  }
0xaf: {  	s31 =	sadd.s32 $0xFFFFF650, s16;
	[sflag:s19] =	ssyncset.done $0x0  }
0xb0: {  	s30 =	sadd.s32 $0x9C4, s31;
	[sflag:s19] =	ssyncadd.s32 $0xFFFFFFB0  }
0xb1: {  	[tilespmem:s20], [sflag:$0x3] =	stream.linear.gather [hbm4b:s30+s2], $0x50, $0x38;
	[tilespmem:$0x19200] =	vst v63  }
0xb2: {  	_ =	swait.ge [sflag:s19], $0x50  }
0xb3: {  	[sflag:s19] =	ssyncset.done $0x0  }
0xb4: {  	[sflag:s19] =	ssyncadd.s32 $0xFFFFFFB0  }
0xb5: {  	[tilespmem:s22], [sflag:$0x1] =	stream.indirect.gather [hbm4b:s5+s21], $0x80, s2, s21, $0xb8;
	[tilespmem:$0x19200] =	vst v63  }
0xb6: {  	_ =	swait.ge [sflag:s28], $0x2800  }
0xb7: {  	[sflag:s28] =	ssyncset.done $0x0  }
0xb8: {  	[sflag:s28] =	ssyncadd.s32 $0xFFFFD800  }
0xb9: {  	[spmem:s1] =	stream.indirect.scatter.add.f32 [tilespmem:s25], [sflag:$0x3], $0x80, s24, s21, $0xb8;
	[tilespmem:$0x19200] =	vst v63  }
0xba: {  	_ =	swait.ge [sflag:s19], $0x2800  }
0xbb: {  	[sflag:s19] =	ssyncset.done $0x0  }
0xbc: {  	s0 =	sadd.s32 $0x9CE, s0;
	[sflag:s19] =	ssyncadd.s32 $0xFFFFD800  }
0xbd: {  	[tilespmem:s23], [sflag:$0x3] =	stream.linear.gather [hbm4b:s0+s2], $0x50, $0x38;
	[tilespmem:$0x19200] =	vst v63  }
0xbe: {  	_ =	swait.ge [sflag:s19], $0x50  }
0xbf: {  	[sflag:s19] =	ssyncset.done $0x0  }
0xc0: {  	s31 =	sadd.s32 $0x9CE, s31;
	[sflag:s19] =	ssyncadd.s32 $0xFFFFFFB0  }
0xc1: {  	[tilespmem:s24], [sflag:$0x3] =	stream.linear.gather [hbm4b:s31+s2], $0x50, $0x38;
	[tilespmem:$0x19200] =	vst v63  }
0xc2: {  	_ =	swait.ge [sflag:s19], $0x50  }
0xc3: {  	[sflag:s19] =	ssyncset.done $0x0  }
0xc4: {  	s30 =	simm.s32 $0xFFFFF664;
	[sflag:s19] =	ssyncadd.s32 $0xFFFFFFB0  }
.LBB2_6:
0xc5: {  	[tilespmem:s25], [sflag:$0x2] =	stream.indirect.gather [hbm4b:s5+s21], $0x80, s23, s21, $0xb8;
	[tilespmem:$0x19200] =	vst v63  }
0xc6: {  	s0 =	smov.u32 s30  }
0xc7: {  	p1 =	sne.s32 s30, $0xFFFFFFEC;
	s30 =	sadd.s32 $0x14, s30;
	_ =	swait.ge [sflag:s26], $0x2800  }
0xc8: {  	[sflag:s26] =	ssyncset.done $0x0  }
0xc9: {  	[sflag:s26] =	ssyncadd.s32 $0xFFFFD800  }
0xca: {  	[spmem:s1] =	stream.indirect.scatter.add.f32 [tilespmem:s22], [sflag:$0x3], $0x80, s20, s21, $0xb8;
	[tilespmem:$0x19200] =	vst v63  }
0xcb: {  	_ =	swait.ge [sflag:s19], $0x2800  }
0xcc: {  	s3 =	sadd.s32 s0, s17;
	[sflag:s19] =	ssyncset.done $0x0  }
0xcd: {  	s31 =	sadd.s32 $0x9C4, s3;
	[sflag:s19] =	ssyncadd.s32 $0xFFFFD800  }
0xce: {  	[tilespmem:s2], [sflag:$0x3] =	stream.linear.gather [hbm4b:s31+s2], $0x50, $0x38;
	[tilespmem:$0x19200] =	vst v63  }
0xcf: {  	_ =	swait.ge [sflag:s19], $0x50  }
0xd0: {  	s0 =	sadd.s32 s0, s16;
	[sflag:s19] =	ssyncset.done $0x0  }
0xd1: {  	s31 =	sadd.s32 $0x9C4, s0;
	[sflag:s19] =	ssyncadd.s32 $0xFFFFFFB0  }
0xd2: {  	[tilespmem:s20], [sflag:$0x3] =	stream.linear.gather [hbm4b:s31+s2], $0x50, $0x38;
	[tilespmem:$0x19200] =	vst v63  }
0xd3: {  	_ =	swait.ge [sflag:s19], $0x50  }
0xd4: {  	[sflag:s19] =	ssyncset.done $0x0  }
0xd5: {  	[sflag:s19] =	ssyncadd.s32 $0xFFFFFFB0  }
0xd6: {  	[tilespmem:s22], [sflag:$0x1] =	stream.indirect.gather [hbm4b:s5+s21], $0x80, s2, s21, $0xb8;
	[tilespmem:$0x19200] =	vst v63  }
0xd7: {  	_ =	swait.ge [sflag:s28], $0x2800  }
0xd8: {  	[sflag:s28] =	ssyncset.done $0x0  }
0xd9: {  	[sflag:s28] =	ssyncadd.s32 $0xFFFFD800  }
0xda: {  	[spmem:s1] =	stream.indirect.scatter.add.f32 [tilespmem:s25], [sflag:$0x3], $0x80, s24, s21, $0xb8;
	[tilespmem:$0x19200] =	vst v63  }
0xdb: {  	_ =	swait.ge [sflag:s19], $0x2800  }
0xdc: {  	[sflag:s19] =	ssyncset.done $0x0  }
0xdd: {  	s3 =	sadd.s32 $0x9CE, s3;
	[sflag:s19] =	ssyncadd.s32 $0xFFFFD800  }
0xde: {  	[tilespmem:s23], [sflag:$0x3] =	stream.linear.gather [hbm4b:s3+s2], $0x50, $0x38;
	[tilespmem:$0x19200] =	vst v63  }
0xdf: {  	_ =	swait.ge [sflag:s19], $0x50  }
0xe0: {  	[sflag:s19] =	ssyncset.done $0x0  }
.Ltmp5:
0xe1: {  	s0 =	sadd.s32 $0x9CE, s0;
	[sflag:s19] =	ssyncadd.s32 $0xFFFFFFB0;
	(pc) =	sbr.rel @p1 .LBB2_6-.Ltmp5, $4  }
0xe2: {  	[tilespmem:s24], [sflag:$0x3] =	stream.linear.gather [hbm4b:s0+s2], $0x50, $0x38;
	[tilespmem:$0x19200] =	vst v63  }
0xe3: {  	_ =	swait.ge [sflag:s19], $0x50  }
0xe4: {  	[sflag:s19] =	ssyncset.done $0x0  }
0xe5: {  	[sflag:s19] =	ssyncadd.s32 $0xFFFFFFB0  }
.Ltmp6:
0xe6: {  	_ = 	snop;
	(pc) =	sbr.rel .LBB2_7-.Ltmp6, $1  }
0xe7: {  	_ =	sdelay $0x3  }
.LBB2_9:
0xe8: {  	_ =	sfence.sel $0x180000  }
0xe9: {  	[bflag:$0x0] =	sbarrier.arrive $0xFFFF  }
0xea: {  	_ =	strace $0x9000004A  }
0xeb: {  	s0 =	stileid.u32;
	[bflag:$0x2] =	sbarrier.arrive $0xFFFF  }
0xec: {  	p0 =	sne.s32 s0, $0x0;
	s0 =	rddreg [dreg:$0x2]  }
0xed: {  	s0 =	sadd.s32 @!p0 $0x100000, s0  }
0xee: {  	[sflag:s0] =	ssyncadd.tile.s32 @!p0 $0x1;
	_ =	shalt  }
.Lfunc_end2:
_tile_overlayer_lowered:
.L_overlay_start_2:
0xef: {  	(tag) =	ssettag $0x2  }
0xf0: {  	s0 =	rddreg [dreg:$0x0];
	s2 =	stileid.u32  }
0xf1: {  	s1 =	rddreg [dreg:$0x1];
	p0 =	sne.s32 s2, $0x0  }
0xf2: {  	s3 =	rddreg [dreg:$0x2];
	[bflag:$0x3] =	sbarrier.arrive $0xFFFF;
	s2 =	simm.s32 @!p0 $0x1C03  }
0xf3: {  	[timem:s3], [sflag:s2] =	dma.local @!p0 [hbm:s0], s1  }
0xf4: {  	s0 =	simm.s32 @!p0 $0x3  }
0xf5: {  	_ =	swait.ge @!p0 [sflag:s0], s1  }
0xf6: {  	s1 =	ssub.s32 @!p0 $0x0, s1;
	[sflag:s0] =	ssyncset.done @!p0 $0x0  }
0xf7: {  	[sflag:s0] =	ssyncadd.s32 @!p0 s1  }
0xf8: {  	[bflag:$0x3] =	sbarrier.arrive $0xFFFF  }
0xf9: {  	_ =	shalt  }

// kernel: kernel.16.cloned.1.call-start
scs
__scs_entry_jumppad:
0x0: {  	(pc) =	sbr.rel $0x88, $3  }
0x1: {  	(tag) =	ssettag $0x0;
	lr =	simm.s32 $0x1  }
0x2: {  	[smem:$0x3F96] =	sst lr;
	_ =	strace $0xD0000000  }
0x3: {  	_ = 	snop  }
0x4: {  	_ = 	snop  }
0x5: {  	_ = 	snop  }
0x6: {  	_ = 	snop  }
0x7: {  	_ = 	snop  }
__scs_overlays_trampoline_lowered:
0x8: {  	[smem:$0x3FA5] =	sst s0  }
0x9: {  	[smem:$0x3FA6] =	sst s1  }
0xa: {  	[smem:$0x3FA7] =	sst s2  }
0xb: {  	[smem:$0x3FA8] =	sst s3  }
0xc: {  	[smem:$0x3FA9] =	sst s4  }
0xd: {  	[smem:$0x3FAA] =	sst s5  }
0xe: {  	[smem:$0x3FAB] =	sst s6  }
0xf: {  	[smem:$0x3FAC] =	sst s7  }
0x10: {  	[smem:$0x3FAD] =	sst s8  }
0x11: {  	[smem:$0x3FAE] =	sst s9;
	s0 =	simm.s32 @!p0 $0x0  }
0x12: {  	s1 =	sld [smem:$0x3F94];
	s0 =	simm.s32 @p0 $0x1  }
0x13: {  	[smem:$0x3FAF] =	sst s0;
	s0 =	simm.s32 @!p1 $0x0  }
0x14: {  	s2 =	sld [smem:$0x3F93];
	s0 =	simm.s32 @p1 $0x1  }
0x15: {  	[smem:$0x3FB0] =	sst s0;
	s0 =	simm.s32 @!p2 $0x0  }
0x16: {  	s3 =	sld [smem:$0x3FDB];
	s0 =	simm.s32 @p2 $0x1  }
0x17: {  	s4 =	simm.s32 $0x1BF5;
	[smem:$0x3FB2] =	sst s0  }
0x18: {  	s0 =	sld [smem:$0x3F95];
	_ =	swait.ge [sflag:s4], $0x0  }
0x19: {  	s7 =	sld [smem:$0x3F96]  }
0x1a: {  	s8 =	sadd.s32 $0xFFFFE003, lr  }
0x1b: {  	s9 =	sadd.s32 $0xFFFFFEF7, lr;
	s5 =	simm.s32 $0xFFFFFFFF;
	p2 =	slt.u32 s8, $0xFFFFF086  }
0x1c: {  	p1 =	slt.u32 s9, $0xF7A;
	s5 =	simm.s32 @!p2 $0x0  }
0x1d: {  	s5 =	simm.s32 @p1 $0x1;
	p0 =	seq.s32 s7, s2  }
0x1e: {  	s7 =	smul.u32 @!p0 $0xF7A, s2;
	p2 =	seq.s32 @!p0 s5, $0x0  }
0x1f: {  	s9 =	smul.u32 $0xF7A, s1;
	s8 =	simm.s32 @!p0 $0x1BF5;
	p2 =	por !p2, p0  }
0x20: {  	[sflag:s8] =	ssyncset.s32 @!p0 $0xFFFFF086;
	s6 =	sadd.s32 @!p0 s3, s7;
	s7 =	simm.s32 @!p0 $0x108  }
0x21: {  	s3 =	sadd.s32 s3, s9;
	s6 =	sadd.s32 @!p0 $0x88, s6;
	s7 =	simm.s32 @p2 $0x1082  }
0x22: {  	[simem:s7], [sflag:s8] =	dma.local @!p0 [hbm:s6], $0xF7A  }
0x23: {  	s9 =	sor.u32 $0xD0000000, s2;
	s6 =	simm.s32 $0x108;
	_ =	swait.ge @!p0 [sflag:s8], $0x0  }
0x24: {  	s3 =	sadd.s32 $0x88, s3;
	s6 =	simm.s32 @!p1 $0x1082;
	[sflag:s4] =	ssyncset.s32 $0xFFFFF086  }
0x25: {  	[simem:s6], [sflag:s4] =	dma.local [hbm:s3], $0xF7A  }
0x26: {  	[smem:$0x3F96] =	sst s1;
	(tag) =	ssettag s2;
	_ =	strace s9  }
0x27: {  	s1 =	sld [smem:$0x3FA6]  }
0x28: {  	s2 =	sld [smem:$0x3FA7]  }
0x29: {  	s4 =	sld [smem:$0x3FA9]  }
0x2a: {  	p0 =	seq.s32 s5, $0x0;
	s5 =	sld [smem:$0x3FAA]  }
0x2b: {  	s6 =	sld [smem:$0x3FAB]  }
0x2c: {  	s7 =	sld [smem:$0x3FAC]  }
0x2d: {  	s3 =	simm.s32 $0x108;
	s8 =	sld [smem:$0x3FAD]  }
0x2e: {  	s3 =	simm.s32 @!p0 $0x1082;
	s9 =	sld [smem:$0x3FAE]  }
0x2f: {  	lr =	sadd.s32 s0, s3;
	s0 =	sld [smem:$0x3FA5]  }
0x30: {  	s3 =	sld [smem:$0x3FA8]  }
0x31: {  	[smem:$0x3FB1] =	sst s10  }
0x32: {  	s10 =	sld [smem:$0x3FAF];
	_ =	sdelay $0x3  }
0x33: {  	p0 =	seq.s32 s10, $0x1;
	s10 =	sld [smem:$0x3FB1];
	_ =	sdelay $0x3  }
0x34: {  	[smem:$0x3FB1] =	sst s10  }
0x35: {  	s10 =	sld [smem:$0x3FB0];
	_ =	sdelay $0x3  }
0x36: {  	p1 =	seq.s32 s10, $0x1;
	s10 =	sld [smem:$0x3FB1];
	_ =	sdelay $0x3  }
0x37: {  	[smem:$0x3FB1] =	sst s10  }
0x38: {  	s10 =	sld [smem:$0x3FB2]  }
0x39: {  	_ = 	snop;
	(pc) =	sbr.ind lr, $3  }
0x3a: {  	_ = 	snop  }
0x3b: {  	_ = 	snop  }
0x3c: {  	p2 =	seq.s32 s10, $0x1;
	s10 =	sld [smem:$0x3FB1]  }
0x3d: {  	_ =	shalt  }
0x3e: {  	_ =	shalt  }
0x3f: {  	_ =	shalt  }
0x40: {  	_ =	shalt  }
0x41: {  	_ =	shalt  }
0x42: {  	_ =	shalt  }
0x43: {  	_ =	shalt  }
0x44: {  	_ =	shalt  }
0x45: {  	_ =	shalt  }
0x46: {  	_ =	shalt  }
0x47: {  	_ =	shalt  }
0x48: {  	_ =	shalt  }
0x49: {  	_ =	shalt  }
0x4a: {  	_ =	shalt  }
0x4b: {  	_ =	shalt  }
0x4c: {  	_ =	shalt  }
0x4d: {  	_ =	shalt  }
0x4e: {  	_ =	shalt  }
0x4f: {  	_ =	shalt  }
0x50: {  	_ =	shalt  }
0x51: {  	_ =	shalt  }
0x52: {  	_ =	shalt  }
0x53: {  	_ =	shalt  }
0x54: {  	_ =	shalt  }
0x55: {  	_ =	shalt  }
0x56: {  	_ =	shalt  }
0x57: {  	_ =	shalt  }
0x58: {  	_ =	shalt  }
0x59: {  	_ =	shalt  }
0x5a: {  	_ =	shalt  }
0x5b: {  	_ =	shalt  }
0x5c: {  	_ =	shalt  }
0x5d: {  	_ =	shalt  }
0x5e: {  	_ =	shalt  }
0x5f: {  	_ =	shalt  }
0x60: {  	_ =	shalt  }
0x61: {  	_ =	shalt  }
0x62: {  	_ =	shalt  }
0x63: {  	_ =	shalt  }
0x64: {  	_ =	shalt  }
0x65: {  	_ =	shalt  }
0x66: {  	_ =	shalt  }
0x67: {  	_ =	shalt  }
0x68: {  	_ =	shalt  }
0x69: {  	_ =	shalt  }
0x6a: {  	_ =	shalt  }
0x6b: {  	_ =	shalt  }
0x6c: {  	_ =	shalt  }
0x6d: {  	_ =	shalt  }
0x6e: {  	_ =	shalt  }
0x6f: {  	_ =	shalt  }
0x70: {  	_ =	shalt  }
0x71: {  	_ =	shalt  }
0x72: {  	_ =	shalt  }
0x73: {  	_ =	shalt  }
0x74: {  	_ =	shalt  }
0x75: {  	_ =	shalt  }
0x76: {  	_ =	shalt  }
0x77: {  	_ =	shalt  }
0x78: {  	_ =	shalt  }
0x79: {  	_ =	shalt  }
0x7a: {  	_ =	shalt  }
0x7b: {  	_ =	shalt  }
0x7c: {  	_ =	shalt  }
0x7d: {  	_ =	shalt  }
0x7e: {  	_ =	shalt  }
0x7f: {  	_ =	shalt  }
0x80: {  	_ =	shalt  }
0x81: {  	_ =	shalt  }
0x82: {  	_ =	shalt  }
0x83: {  	_ =	shalt  }
0x84: {  	_ =	shalt  }
0x85: {  	_ =	shalt  }
0x86: {  	_ =	shalt  }
0x87: {  	_ =	shalt  }
.Lfunc_end0:
.L_simem_size_0:
called_computation.2_lowered:
.L_overlay_start_0:
0x88: {  	s2 =	sld [smem:$0x3FD9]  }
0x89: {  	s3 =	sld [smem:$0x3FFE];
	_ =	sdelay $0x1  }
0x8a: {  	s1 =	srdreg.scid  }
0x8b: {  	s0 =	sand.u32 $0x1, s1  }
0x8c: {  	s16 =	sshll.u32 s0, $0xA;
	s2 =	sadd.s32 s3, s2  }
0x8d: {  	s2 =	sadd.s32 s2, s16  }
0x8e: {  	[smem:$0x3FBD] =	sst s2  }
0x8f: {  	_ = 	snop  }
0x90: {  	(tm) =	ssettm $0x1  }
0x91: {  	s17 =	sld [smem:$0x3FFB];
	_ =	sdelay $0x3  }
0x92: {  	_ =	strace s17  }
0x93: {  	s2 =	sld [smem:$0x3FFC];
	_ =	sdelay $0x3  }
0x94: {  	_ =	strace s2  }
0x95: {  	s2 =	sld [smem:$0x3FFD];
	_ =	sdelay $0x3  }
0x96: {  	_ =	strace s2  }
0x97: {  	_ =	strace $0x8FFFFFFF  }
0x98: {  	s18 =	sld [smem:$0x3FDB];
	_ =	sdelay $0x1  }
0x99: {  	s19 =	simm.s32 $_scs_section_size  }
0x9a: {  	s4 =	simm.s32 $_size__tile_overlayer_lowered;
	s5 =	simm.s32 $_tile_overlayer_lowered  }
0x9b: {  	s22 =	simm.s32 $0x1BFF;
	s21 =	sshll.u32 s5, $0x1;
	s2 =	sadd.s32 s19, s18  }
0x9c: {  	s6 =	simm.s32 $0x0;
	s20 =	sshll.u32 s4, $0x1;
	s4 =	sadd.s32 s21, s2  }
0x9d: {  	[timem:s6], [sflag:s22] =	dma.local [hbm:s4], s20  }
0x9e: {  	_ =	swait.ge [sflag:s22], s20  }
0x9f: {  	s3 =	ssub.s32 $0x0, s20;
	[sflag:s22] =	ssyncset.done $0x0  }
0xa0: {  	[sflag:s22] =	ssyncadd.s32 s3;
	_ =	sdelay $0x1  }
0xa1: {  	s23 =	simm.s32 $0x1B8B  }
0xa2: {  	_ =	swait.ge [sflag:s23], $0x1  }
0xa3: {  	[sflag:s23] =	ssyncset.done $0x0  }
0xa4: {  	s25 =	simm.s32 $0x1B8E;
	s24 =	sld [smem:$0x3FFE];
	[sflag:s23] =	ssyncadd.s32 $0xFFFFFFFF  }
0xa5: {  	s26 =	simm.s32 $execute0_lowered;
	[smem:$0x3FD2] =	sst s25  }
0xa6: {  	s4 =	sshll.u32 s26, $0x1;
	_ =	strace $0x8000004C;
	[dreg:$0x1] =	wrdreg $0xFFFFFFFF  }
0xa7: {  	s28 =	simm.s32 $_size_execute0_lowered;
	s2 =	sadd.s32 s2, s4;
	[dreg:$0x0] =	wrdreg $0x0  }
0xa8: {  	s4 =	sshll.u32 s28, $0x1;
	[dreg:$0x2] =	wrdreg s2  }
0xa9: {  	[dreg:$0x3] =	wrdreg s4  }
0xaa: {  	[dreg:$0x4] =	wrdreg $0xC0  }
0xab: {  	_ =	task [dreg:s6], $0x5FFFF  }
0xac: {  	[dreg:$0x1] =	wrdreg $0xFFFFFFFF  }
0xad: {  	[dreg:$0x0] =	wrdreg $0x60  }
0xae: {  	[dreg:$0x2] =	wrdreg s24  }
0xaf: {  	[dreg:$0x3] =	wrdreg $0x52000  }
0xb0: {  	[dreg:$0x4] =	wrdreg $0x9  }
0xb1: {  	_ =	task.clear_ibuf [dreg:s6], $0x5FFFF;
	_ =	strace $0x9000004C  }
0xb2: {  	s29 =	simm.s32 $0x9;
	_ =	strace $0x8000004E  }
0xb3: {  	_ =	swait.ge [sflag:s29], $0x1  }
0xb4: {  	[sflag:s29] =	ssyncadd.s32 $0xFFFFFFFF  }
0xb5: {  	_ =	strace $0x9000004E  }
0xb6: {  	_ =	sfence  }
0xb7: {  	s30 =	sld [smem:$0x0];
	_ =	sdelay $0x2  }
0xb8: {  	s31 =	sshll.u32 s1, $0xD;
	s1 =	sshrl.u32 s1, $0x2  }
0xb9: {  	s3 =	sand.u32 $0x4000, s31;
	s1 =	sadd.s32 s1, s30  }
0xba: {  	s0 =	sor.u32 s3, s0;
	s1 =	sshll.u32 s1, $0x11  }
0xbb: {  	s0 =	sor.u32 s1, s0  }
0xbc: {  	s0 =	sadd.s32 $0x8F2B, s0  }
0xbd: {  	[sflag:s0] =	ssyncadd.remote.s32 $0x1  }
0xbe: {  	_ =	sfence.sel $0xFFFF  }
0xbf: {  	[dreg:$0x0] =	wrdreg $0xFFFFFFFF;
	(pc) =	sbr.abs _section_cstart, $3  }
0xc0: {  	[dreg:$0x1] =	wrdreg $0xFFFFFFFF  }
0xc1: {  	_ =	task.clear_ibuf [dreg:s6], $0x2FFFF;
	_ =	strace $0x9FFFFFFF  }
0xc2: {  	(tm) =	ssettm $0x7FFFFFFF  }
0xc3: {  	_ =	shalt  }
tec
execute0_lowered:
.L_overlay_start_1:
0x0: {  	(tag) =	ssettag $0x1  }
0x1: {  	s8 =	rddreg [dreg:$0x0]  }
0x2: {  	s1 =	rddreg [dreg:$0x1];
	s2 =	simm.s32 $0x0  }
0x3: {  	s6 =	srdreg.scid;
	s0 =	stileid.u32;
	s21 =	simm.s32 $0x50  }
0x4: {  	s22 =	simm.s32 $0x200;
	s23 =	simm.s32 $0x80;
	s24 =	simm.s32 $0x180  }
0x5: {  	s25 =	simm.s32 $0x2A00;
	s26 =	simm.s32 $0x1;
	s28 =	simm.s32 $0x2  }
0x6: {  	s29 =	simm.s32 $0x0;
	[smem:$0x7FF] =	sst s2;
	s4 =	sadd.s32 $0x19200, s8  }
0x7: {  	s5 =	sadd.s32 $0x41200, s8;
	s17 =	sadd.s32 $0x5600, s8;
	s10 =	smul.u32 $0x50000, s0  }
0x8: {  	s18 =	sand.u32 $0x1, s6;
	s16 =	sadd.s32 $0xF400, s8;
	s12 =	smul.u32 $0x4E20, s0  }
0x9: {  	s6 =	sadd.s32 $0x91200, s8;
	s7 =	sadd.s32 $0x93A00, s8;
	s20 =	smul.u32 $0x9C4, s0  }
0xa: {  	s8 =	sadd.s32 $0xBBA00, s8;
	s31 =	sshll.u32 s0, $0x6;
	s14 =	smul.u32 $0x2800, s0  }
0xb: {  	_ =	strace $0x8000004D;
	s9 =	ssub.s32 $0x2, s18;
	p0 =	sne.s32 s18, $0x0  }
0xc: {  	s11 =	sshrl.u32 s9, $0x1;
	s30 =	sshrl.u32 s10, $0x2;
	s12 =	sshrl.u32 s12, $0x3  }
.Ltmp0:
0xd: {  	s15 =	ssub.s32 s9, s11;
	s19 =	sadd.s32 s30, s1;
	(pc) =	sbr.rel .LBB2_1-.Ltmp0, $4  }
0xe: {  	s9 =	sor.u32 $0x1C03, s31;
	s10 =	sadd.s32 s17, s12;
	s13 =	sadd.s32 $0xA, s12  }
0xf: {  	s11 =	sadd.s32 s16, s12;
	s12 =	sadd.s32 s17, s13;
	s13 =	sadd.s32 s16, s13  }
0x10: {  	s15 =	smax.u32 s15, $0x1;
	s16 =	sadd.s32 s20, s16;
	s17 =	sadd.s32 s20, s17  }
0x11: {  	s18 =	sshrl.u32 s19, $0x3;
	s19 =	simm.s32 $0x3;
	s20 =	simm.s32 $0x100  }
.LBB2_7:
0x12: {  	[tilespmem:s25], [sflag:$0x2] =	stream.indirect.gather [hbm4b:s5+s21], $0x80, s23, s21, $0xb8;
	[tilespmem:$0x19200] =	vst v63  }
0x13: {  	s31 =	smov.u32 s5;
	s30 =	smov.u32 s8  }
.LBB2_8:
0x14: {  	_ =	swait.ge [sflag:s26], $0x2800  }
0x15: {  	[sflag:s26] =	ssyncset.done $0x0  }
0x16: {  	[sflag:s26] =	ssyncadd.s32 $0xFFFFD800  }
0x17: {  	[spmem:s1] =	stream.indirect.scatter.add.f32 [tilespmem:s22], [sflag:$0x3], $0x80, s20, s21, $0xb8;
	[tilespmem:$0x19200] =	vst v63  }
0x18: {  	_ =	swait.ge [sflag:s19], $0x2800  }
0x19: {  	[sflag:s19] =	ssyncset.done $0x0  }
0x1a: {  	[sflag:s19] =	ssyncadd.s32 $0xFFFFD800  }
0x1b: {  	[tilespmem:s2], [sflag:$0x3] =	stream.linear.gather [hbm4b:s10+s2], $0x50, $0x38;
	[tilespmem:$0x19200] =	vst v63  }
0x1c: {  	_ =	swait.ge [sflag:s19], $0x50  }
0x1d: {  	[sflag:s19] =	ssyncset.done $0x0  }
0x1e: {  	[sflag:s19] =	ssyncadd.s32 $0xFFFFFFB0  }
0x1f: {  	[tilespmem:s20], [sflag:$0x3] =	stream.linear.gather [hbm4b:s11+s2], $0x50, $0x38;
	[tilespmem:$0x19200] =	vst v63  }
0x20: {  	_ =	swait.ge [sflag:s19], $0x50  }
0x21: {  	[sflag:s19] =	ssyncset.done $0x0  }
0x22: {  	[sflag:s19] =	ssyncadd.s32 $0xFFFFFFB0  }
0x23: {  	[tilespmem:s22], [sflag:$0x1] =	stream.indirect.gather [hbm4b:s31+s21], $0x80, s2, s21, $0xb8;
	[tilespmem:$0x19200] =	vst v63  }
0x24: {  	_ =	swait.ge [sflag:s28], $0x2800  }
0x25: {  	[sflag:s28] =	ssyncset.done $0x0  }
0x26: {  	[sflag:s28] =	ssyncadd.s32 $0xFFFFD800  }
0x27: {  	[spmem:s1] =	stream.indirect.scatter.add.f32 [tilespmem:s25], [sflag:$0x3], $0x80, s24, s21, $0xb8;
	[tilespmem:$0x19200] =	vst v63  }
0x28: {  	_ =	swait.ge [sflag:s19], $0x2800  }
0x29: {  	[sflag:s19] =	ssyncset.done $0x0  }
0x2a: {  	[sflag:s19] =	ssyncadd.s32 $0xFFFFD800  }
0x2b: {  	[tilespmem:s23], [sflag:$0x3] =	stream.linear.gather [hbm4b:s12+s2], $0x50, $0x38;
	[tilespmem:$0x19200] =	vst v63  }
0x2c: {  	_ =	swait.ge [sflag:s19], $0x50  }
0x2d: {  	[sflag:s19] =	ssyncset.done $0x0  }
0x2e: {  	[sflag:s19] =	ssyncadd.s32 $0xFFFFFFB0  }
0x2f: {  	[tilespmem:s24], [sflag:$0x3] =	stream.linear.gather [hbm4b:s13+s2], $0x50, $0x38;
	[tilespmem:$0x19200] =	vst v63  }
0x30: {  	_ =	swait.ge [sflag:s19], $0x50  }
0x31: {  	[sflag:s19] =	ssyncset.done $0x0  }
0x32: {  	[sflag:s19] =	ssyncadd.s32 $0xFFFFFFB0  }
0x33: {  	[tilespmem:s25], [sflag:$0x2] =	stream.indirect.gather [hbm4b:s31+s21], $0x80, s23, s21, $0xb8;
	[tilespmem:$0x19200] =	vst v63  }
0x34: {  	_ =	swait.ge [sflag:s26], $0x2800  }
0x35: {  	[sflag:s26] =	ssyncset.done $0x0  }
0x36: {  	[sflag:s26] =	ssyncadd.s32 $0xFFFFD800  }
0x37: {  	_ =	swait.ge [sflag:s28], $0x2800  }
0x38: {  	s29 =	sadd.s32 $0x1, s29;
	[sflag:s28] =	ssyncset.done $0x0  }
0x39: {  	p1 =	sne.s32 s29, s15;
	[sflag:s28] =	ssyncadd.s32 $0xFFFFD800  }
.Ltmp1:
0x3a: {  	s0 =	sadd.s32 s30, s14;
	[bflag:$0x0] =	sbarrier.arrive $0xFFFF;
	(pc) =	sbr.rel @!p1 .LBB2_9-.Ltmp1, $4  }
0x3b: {  	[hbm:s0], [sflag:s9] =	dma.local [spmem:s18], $0x2800  }
0x3c: {  	_ =	swait.ge [sflag:s19], $0x2800  }
0x3d: {  	[sflag:s19] =	ssyncset.done $0x0  }
0x3e: {  	[sflag:s19] =	ssyncadd.s32 $0xFFFFD800  }
.LBB2_1:
0x3f: {  	[spmem:s18], [sflag:s9] =	dma.local [hbm:s6], $0x2800  }
0x40: {  	_ =	swait.ge [sflag:s19], $0x2800  }
0x41: {  	[sflag:s19] =	ssyncset.done $0x0  }
0x42: {  	[sflag:s19] =	ssyncadd.s32 $0xFFFFD800  }
0x43: {  	[bflag:$0x0] =	sbarrier.arrive $0xFFFF  }
0x44: {  	[tilespmem:s2], [sflag:$0x3] =	stream.linear.gather [hbm4b:s10+s2], $0x50, $0x38;
	[tilespmem:$0x19200] =	vst v63  }
0x45: {  	_ =	swait.ge [sflag:s19], $0x50  }
0x46: {  	[sflag:s19] =	ssyncset.done $0x0  }
.Ltmp2:
0x47: {  	[sflag:s19] =	ssyncadd.s32 $0xFFFFFFB0;
	(pc) =	sbr.rel @p0 .LBB2_5-.Ltmp2, $4  }
0x48: {  	[tilespmem:s20], [sflag:$0x3] =	stream.linear.gather [hbm4b:s11+s2], $0x50, $0x38;
	[tilespmem:$0x19200] =	vst v63  }
0x49: {  	_ =	swait.ge [sflag:s19], $0x50  }
0x4a: {  	[sflag:s19] =	ssyncset.done $0x0  }
0x4b: {  	[sflag:s19] =	ssyncadd.s32 $0xFFFFFFB0  }
0x4c: {  	[tilespmem:s22], [sflag:$0x1] =	stream.indirect.gather [hbm4b:s4+s21], $0x80, s2, s21, $0xb8;
	[tilespmem:$0x19200] =	vst v63  }
0x4d: {  	_ = 	snop  }
0x4e: {  	[tilespmem:s23], [sflag:$0x3] =	stream.linear.gather [hbm4b:s12+s2], $0x50, $0x38;
	[tilespmem:$0x19200] =	vst v63  }
0x4f: {  	_ =	swait.ge [sflag:s19], $0x50  }
0x50: {  	[sflag:s19] =	ssyncset.done $0x0  }
0x51: {  	[sflag:s19] =	ssyncadd.s32 $0xFFFFFFB0  }
0x52: {  	[tilespmem:s24], [sflag:$0x3] =	stream.linear.gather [hbm4b:s13+s2], $0x50, $0x38;
	[tilespmem:$0x19200] =	vst v63  }
0x53: {  	_ =	swait.ge [sflag:s19], $0x50  }
0x54: {  	[sflag:s19] =	ssyncset.done $0x0  }
0x55: {  	[sflag:s19] =	ssyncadd.s32 $0xFFFFFFB0  }
0x56: {  	[tilespmem:s25], [sflag:$0x2] =	stream.indirect.gather [hbm4b:s4+s21], $0x80, s23, s21, $0xb8;
	[tilespmem:$0x19200] =	vst v63  }
0x57: {  	_ =	swait.ge [sflag:s26], $0x2800  }
0x58: {  	[sflag:s26] =	ssyncset.done $0x0  }
0x59: {  	[sflag:s26] =	ssyncadd.s32 $0xFFFFD800  }
0x5a: {  	[spmem:s1] =	stream.indirect.scatter.add.f32 [tilespmem:s22], [sflag:$0x3], $0x80, s20, s21, $0xb8;
	[tilespmem:$0x19200] =	vst v63  }
0x5b: {  	_ =	swait.ge [sflag:s19], $0x2800  }
0x5c: {  	s30 =	sadd.s32 $0xFFFFF650, s17;
	[sflag:s19] =	ssyncset.done $0x0  }
0x5d: {  	s31 =	sadd.s32 $0x9C4, s30;
	[sflag:s19] =	ssyncadd.s32 $0xFFFFD800  }
0x5e: {  	[tilespmem:s2], [sflag:$0x3] =	stream.linear.gather [hbm4b:s31+s2], $0x50, $0x38;
	[tilespmem:$0x19200] =	vst v63  }
0x5f: {  	_ =	swait.ge [sflag:s19], $0x50  }
0x60: {  	s31 =	sadd.s32 $0xFFFFF650, s16;
	[sflag:s19] =	ssyncset.done $0x0  }
0x61: {  	s0 =	sadd.s32 $0x9C4, s31;
	[sflag:s19] =	ssyncadd.s32 $0xFFFFFFB0  }
0x62: {  	[tilespmem:s20], [sflag:$0x3] =	stream.linear.gather [hbm4b:s0+s2], $0x50, $0x38;
	[tilespmem:$0x19200] =	vst v63  }
0x63: {  	_ =	swait.ge [sflag:s19], $0x50  }
0x64: {  	[sflag:s19] =	ssyncset.done $0x0  }
0x65: {  	[sflag:s19] =	ssyncadd.s32 $0xFFFFFFB0  }
0x66: {  	[tilespmem:s22], [sflag:$0x1] =	stream.indirect.gather [hbm4b:s4+s21], $0x80, s2, s21, $0xb8;
	[tilespmem:$0x19200] =	vst v63  }
0x67: {  	_ =	swait.ge [sflag:s28], $0x2800  }
0x68: {  	[sflag:s28] =	ssyncset.done $0x0  }
0x69: {  	[sflag:s28] =	ssyncadd.s32 $0xFFFFD800  }
0x6a: {  	[spmem:s1] =	stream.indirect.scatter.add.f32 [tilespmem:s25], [sflag:$0x3], $0x80, s24, s21, $0xb8;
	[tilespmem:$0x19200] =	vst v63  }
0x6b: {  	_ =	swait.ge [sflag:s19], $0x2800  }
0x6c: {  	[sflag:s19] =	ssyncset.done $0x0  }
0x6d: {  	s3 =	sadd.s32 $0x9CE, s30;
	[sflag:s19] =	ssyncadd.s32 $0xFFFFD800  }
0x6e: {  	[tilespmem:s23], [sflag:$0x3] =	stream.linear.gather [hbm4b:s3+s2], $0x50, $0x38;
	[tilespmem:$0x19200] =	vst v63  }
0x6f: {  	_ =	swait.ge [sflag:s19], $0x50  }
0x70: {  	[sflag:s19] =	ssyncset.done $0x0  }
0x71: {  	s31 =	sadd.s32 $0x9CE, s31;
	[sflag:s19] =	ssyncadd.s32 $0xFFFFFFB0  }
0x72: {  	[tilespmem:s24], [sflag:$0x3] =	stream.linear.gather [hbm4b:s31+s2], $0x50, $0x38;
	[tilespmem:$0x19200] =	vst v63  }
0x73: {  	_ =	swait.ge [sflag:s19], $0x50  }
0x74: {  	[sflag:s19] =	ssyncset.done $0x0  }
0x75: {  	s30 =	simm.s32 $0xFFFFF664;
	[sflag:s19] =	ssyncadd.s32 $0xFFFFFFB0  }
.LBB2_3:
0x76: {  	[tilespmem:s25], [sflag:$0x2] =	stream.indirect.gather [hbm4b:s4+s21], $0x80, s23, s21, $0xb8;
	[tilespmem:$0x19200] =	vst v63  }
0x77: {  	s0 =	smov.u32 s30  }
0x78: {  	p1 =	seq.s32 s30, $0xFFFFFFEC;
	s30 =	sadd.s32 $0x14, s30;
	_ =	swait.ge [sflag:s26], $0x2800  }
0x79: {  	[sflag:s26] =	ssyncset.done $0x0  }
0x7a: {  	[sflag:s26] =	ssyncadd.s32 $0xFFFFD800  }
0x7b: {  	[spmem:s1] =	stream.indirect.scatter.add.f32 [tilespmem:s22], [sflag:$0x3], $0x80, s20, s21, $0xb8;
	[tilespmem:$0x19200] =	vst v63  }
0x7c: {  	_ =	swait.ge [sflag:s19], $0x2800  }
0x7d: {  	s31 =	sadd.s32 s0, s17;
	[sflag:s19] =	ssyncset.done $0x0  }
0x7e: {  	s3 =	sadd.s32 $0x9C4, s31;
	[sflag:s19] =	ssyncadd.s32 $0xFFFFD800  }
0x7f: {  	[tilespmem:s2], [sflag:$0x3] =	stream.linear.gather [hbm4b:s3+s2], $0x50, $0x38;
	[tilespmem:$0x19200] =	vst v63  }
0x80: {  	_ =	swait.ge [sflag:s19], $0x50  }
0x81: {  	s0 =	sadd.s32 s0, s16;
	[sflag:s19] =	ssyncset.done $0x0  }
0x82: {  	s3 =	sadd.s32 $0x9C4, s0;
	[sflag:s19] =	ssyncadd.s32 $0xFFFFFFB0  }
0x83: {  	[tilespmem:s20], [sflag:$0x3] =	stream.linear.gather [hbm4b:s3+s2], $0x50, $0x38;
	[tilespmem:$0x19200] =	vst v63  }
0x84: {  	_ =	swait.ge [sflag:s19], $0x50  }
0x85: {  	[sflag:s19] =	ssyncset.done $0x0  }
0x86: {  	[sflag:s19] =	ssyncadd.s32 $0xFFFFFFB0  }
0x87: {  	[tilespmem:s22], [sflag:$0x1] =	stream.indirect.gather [hbm4b:s4+s21], $0x80, s2, s21, $0xb8;
	[tilespmem:$0x19200] =	vst v63  }
0x88: {  	_ =	swait.ge [sflag:s28], $0x2800  }
0x89: {  	[sflag:s28] =	ssyncset.done $0x0  }
0x8a: {  	[sflag:s28] =	ssyncadd.s32 $0xFFFFD800  }
0x8b: {  	[spmem:s1] =	stream.indirect.scatter.add.f32 [tilespmem:s25], [sflag:$0x3], $0x80, s24, s21, $0xb8;
	[tilespmem:$0x19200] =	vst v63  }
0x8c: {  	_ =	swait.ge [sflag:s19], $0x2800  }
0x8d: {  	[sflag:s19] =	ssyncset.done $0x0  }
0x8e: {  	s3 =	sadd.s32 $0x9CE, s31;
	[sflag:s19] =	ssyncadd.s32 $0xFFFFD800  }
0x8f: {  	[tilespmem:s23], [sflag:$0x3] =	stream.linear.gather [hbm4b:s3+s2], $0x50, $0x38;
	[tilespmem:$0x19200] =	vst v63  }
0x90: {  	_ =	swait.ge [sflag:s19], $0x50  }
0x91: {  	[sflag:s19] =	ssyncset.done $0x0  }
.Ltmp3:
0x92: {  	s0 =	sadd.s32 $0x9CE, s0;
	[sflag:s19] =	ssyncadd.s32 $0xFFFFFFB0;
	(pc) =	sbr.rel @!p1 .LBB2_3-.Ltmp3, $4  }
0x93: {  	[tilespmem:s24], [sflag:$0x3] =	stream.linear.gather [hbm4b:s0+s2], $0x50, $0x38;
	[tilespmem:$0x19200] =	vst v63  }
0x94: {  	_ =	swait.ge [sflag:s19], $0x50  }
0x95: {  	[sflag:s19] =	ssyncset.done $0x0  }
0x96: {  	[sflag:s19] =	ssyncadd.s32 $0xFFFFFFB0  }
.Ltmp4:
0x97: {  	(pc) =	sbr.rel .LBB2_8-.Ltmp4, $3  }
0x98: {  	_ =	sdelay $0x1  }
0x99: {  	[tilespmem:s25], [sflag:$0x2] =	stream.indirect.gather [hbm4b:s4+s21], $0x80, s23, s21, $0xb8;
	[tilespmem:$0x19200] =	vst v63  }
0x9a: {  	s31 =	smov.u32 s4;
	s30 =	smov.u32 s7  }
.LBB2_5:
0x9b: {  	[tilespmem:s22], [sflag:$0x1] =	stream.indirect.gather [hbm4b:s5+s21], $0x80, s2, s21, $0xb8;
	[tilespmem:$0x19200] =	vst v63  }
0x9c: {  	_ = 	snop  }
0x9d: {  	[tilespmem:s23], [sflag:$0x3] =	stream.linear.gather [hbm4b:s12+s2], $0x50, $0x38;
	[tilespmem:$0x19200] =	vst v63  }
0x9e: {  	_ =	swait.ge [sflag:s19], $0x50  }
0x9f: {  	[sflag:s19] =	ssyncset.done $0x0  }
0xa0: {  	[sflag:s19] =	ssyncadd.s32 $0xFFFFFFB0  }
0xa1: {  	[tilespmem:s24], [sflag:$0x3] =	stream.linear.gather [hbm4b:s13+s2], $0x50, $0x38;
	[tilespmem:$0x19200] =	vst v63  }
0xa2: {  	_ =	swait.ge [sflag:s19], $0x50  }
0xa3: {  	[sflag:s19] =	ssyncset.done $0x0  }
0xa4: {  	[sflag:s19] =	ssyncadd.s32 $0xFFFFFFB0  }
0xa5: {  	[tilespmem:s25], [sflag:$0x2] =	stream.indirect.gather [hbm4b:s5+s21], $0x80, s23, s21, $0xb8;
	[tilespmem:$0x19200] =	vst v63  }
0xa6: {  	_ =	swait.ge [sflag:s26], $0x2800  }
0xa7: {  	[sflag:s26] =	ssyncset.done $0x0  }
0xa8: {  	[sflag:s26] =	ssyncadd.s32 $0xFFFFD800  }
0xa9: {  	[spmem:s1] =	stream.indirect.scatter.add.f32 [tilespmem:s22], [sflag:$0x3], $0x80, s20, s21, $0xb8;
	[tilespmem:$0x19200] =	vst v63  }
0xaa: {  	_ =	swait.ge [sflag:s19], $0x2800  }
0xab: {  	s0 =	sadd.s32 $0xFFFFF650, s17;
	[sflag:s19] =	ssyncset.done $0x0  }
0xac: {  	s3 =	sadd.s32 $0x9C4, s0;
	[sflag:s19] =	ssyncadd.s32 $0xFFFFD800  }
0xad: {  	[tilespmem:s2], [sflag:$0x3] =	stream.linear.gather [hbm4b:s3+s2], $0x50, $0x38;
	[tilespmem:$0x19200] =	vst v63  }
0xae: {  	_ =	swait.ge [sflag:s19], $0x50  }
0xaf: {  	s31 =	sadd.s32 $0xFFFFF650, s16;
	[sflag:s19] =	ssyncset.done $0x0  }
0xb0: {  	s30 =	sadd.s32 $0x9C4, s31;
	[sflag:s19] =	ssyncadd.s32 $0xFFFFFFB0  }
0xb1: {  	[tilespmem:s20], [sflag:$0x3] =	stream.linear.gather [hbm4b:s30+s2], $0x50, $0x38;
	[tilespmem:$0x19200] =	vst v63  }
0xb2: {  	_ =	swait.ge [sflag:s19], $0x50  }
0xb3: {  	[sflag:s19] =	ssyncset.done $0x0  }
0xb4: {  	[sflag:s19] =	ssyncadd.s32 $0xFFFFFFB0  }
0xb5: {  	[tilespmem:s22], [sflag:$0x1] =	stream.indirect.gather [hbm4b:s5+s21], $0x80, s2, s21, $0xb8;
	[tilespmem:$0x19200] =	vst v63  }
0xb6: {  	_ =	swait.ge [sflag:s28], $0x2800  }
0xb7: {  	[sflag:s28] =	ssyncset.done $0x0  }
0xb8: {  	[sflag:s28] =	ssyncadd.s32 $0xFFFFD800  }
0xb9: {  	[spmem:s1] =	stream.indirect.scatter.add.f32 [tilespmem:s25], [sflag:$0x3], $0x80, s24, s21, $0xb8;
	[tilespmem:$0x19200] =	vst v63  }
0xba: {  	_ =	swait.ge [sflag:s19], $0x2800  }
0xbb: {  	[sflag:s19] =	ssyncset.done $0x0  }
0xbc: {  	s0 =	sadd.s32 $0x9CE, s0;
	[sflag:s19] =	ssyncadd.s32 $0xFFFFD800  }
0xbd: {  	[tilespmem:s23], [sflag:$0x3] =	stream.linear.gather [hbm4b:s0+s2], $0x50, $0x38;
	[tilespmem:$0x19200] =	vst v63  }
0xbe: {  	_ =	swait.ge [sflag:s19], $0x50  }
0xbf: {  	[sflag:s19] =	ssyncset.done $0x0  }
0xc0: {  	s31 =	sadd.s32 $0x9CE, s31;
	[sflag:s19] =	ssyncadd.s32 $0xFFFFFFB0  }
0xc1: {  	[tilespmem:s24], [sflag:$0x3] =	stream.linear.gather [hbm4b:s31+s2], $0x50, $0x38;
	[tilespmem:$0x19200] =	vst v63  }
0xc2: {  	_ =	swait.ge [sflag:s19], $0x50  }
0xc3: {  	[sflag:s19] =	ssyncset.done $0x0  }
0xc4: {  	s30 =	simm.s32 $0xFFFFF664;
	[sflag:s19] =	ssyncadd.s32 $0xFFFFFFB0  }
.LBB2_6:
0xc5: {  	[tilespmem:s25], [sflag:$0x2] =	stream.indirect.gather [hbm4b:s5+s21], $0x80, s23, s21, $0xb8;
	[tilespmem:$0x19200] =	vst v63  }
0xc6: {  	s0 =	smov.u32 s30  }
0xc7: {  	p1 =	sne.s32 s30, $0xFFFFFFEC;
	s30 =	sadd.s32 $0x14, s30;
	_ =	swait.ge [sflag:s26], $0x2800  }
0xc8: {  	[sflag:s26] =	ssyncset.done $0x0  }
0xc9: {  	[sflag:s26] =	ssyncadd.s32 $0xFFFFD800  }
0xca: {  	[spmem:s1] =	stream.indirect.scatter.add.f32 [tilespmem:s22], [sflag:$0x3], $0x80, s20, s21, $0xb8;
	[tilespmem:$0x19200] =	vst v63  }
0xcb: {  	_ =	swait.ge [sflag:s19], $0x2800  }
0xcc: {  	s3 =	sadd.s32 s0, s17;
	[sflag:s19] =	ssyncset.done $0x0  }
0xcd: {  	s31 =	sadd.s32 $0x9C4, s3;
	[sflag:s19] =	ssyncadd.s32 $0xFFFFD800  }
0xce: {  	[tilespmem:s2], [sflag:$0x3] =	stream.linear.gather [hbm4b:s31+s2], $0x50, $0x38;
	[tilespmem:$0x19200] =	vst v63  }
0xcf: {  	_ =	swait.ge [sflag:s19], $0x50  }
0xd0: {  	s0 =	sadd.s32 s0, s16;
	[sflag:s19] =	ssyncset.done $0x0  }
0xd1: {  	s31 =	sadd.s32 $0x9C4, s0;
	[sflag:s19] =	ssyncadd.s32 $0xFFFFFFB0  }
0xd2: {  	[tilespmem:s20], [sflag:$0x3] =	stream.linear.gather [hbm4b:s31+s2], $0x50, $0x38;
	[tilespmem:$0x19200] =	vst v63  }
0xd3: {  	_ =	swait.ge [sflag:s19], $0x50  }
0xd4: {  	[sflag:s19] =	ssyncset.done $0x0  }
0xd5: {  	[sflag:s19] =	ssyncadd.s32 $0xFFFFFFB0  }
0xd6: {  	[tilespmem:s22], [sflag:$0x1] =	stream.indirect.gather [hbm4b:s5+s21], $0x80, s2, s21, $0xb8;
	[tilespmem:$0x19200] =	vst v63  }
0xd7: {  	_ =	swait.ge [sflag:s28], $0x2800  }
0xd8: {  	[sflag:s28] =	ssyncset.done $0x0  }
0xd9: {  	[sflag:s28] =	ssyncadd.s32 $0xFFFFD800  }
0xda: {  	[spmem:s1] =	stream.indirect.scatter.add.f32 [tilespmem:s25], [sflag:$0x3], $0x80, s24, s21, $0xb8;
	[tilespmem:$0x19200] =	vst v63  }
0xdb: {  	_ =	swait.ge [sflag:s19], $0x2800  }
0xdc: {  	[sflag:s19] =	ssyncset.done $0x0  }
0xdd: {  	s3 =	sadd.s32 $0x9CE, s3;
	[sflag:s19] =	ssyncadd.s32 $0xFFFFD800  }
0xde: {  	[tilespmem:s23], [sflag:$0x3] =	stream.linear.gather [hbm4b:s3+s2], $0x50, $0x38;
	[tilespmem:$0x19200] =	vst v63  }
0xdf: {  	_ =	swait.ge [sflag:s19], $0x50  }
0xe0: {  	[sflag:s19] =	ssyncset.done $0x0  }
.Ltmp5:
0xe1: {  	s0 =	sadd.s32 $0x9CE, s0;
	[sflag:s19] =	ssyncadd.s32 $0xFFFFFFB0;
	(pc) =	sbr.rel @p1 .LBB2_6-.Ltmp5, $4  }
0xe2: {  	[tilespmem:s24], [sflag:$0x3] =	stream.linear.gather [hbm4b:s0+s2], $0x50, $0x38;
	[tilespmem:$0x19200] =	vst v63  }
0xe3: {  	_ =	swait.ge [sflag:s19], $0x50  }
0xe4: {  	[sflag:s19] =	ssyncset.done $0x0  }
0xe5: {  	[sflag:s19] =	ssyncadd.s32 $0xFFFFFFB0  }
.Ltmp6:
0xe6: {  	_ = 	snop;
	(pc) =	sbr.rel .LBB2_7-.Ltmp6, $1  }
0xe7: {  	_ =	sdelay $0x3  }
.LBB2_9:
0xe8: {  	_ =	sfence.sel $0x180000  }
0xe9: {  	[bflag:$0x0] =	sbarrier.arrive $0xFFFF  }
0xea: {  	_ =	strace $0x9000004D  }
0xeb: {  	s0 =	stileid.u32;
	[bflag:$0x2] =	sbarrier.arrive $0xFFFF  }
0xec: {  	p0 =	sne.s32 s0, $0x0;
	s0 =	rddreg [dreg:$0x2]  }
0xed: {  	s0 =	sadd.s32 @!p0 $0x100000, s0  }
0xee: {  	[sflag:s0] =	ssyncadd.tile.s32 @!p0 $0x1;
	_ =	shalt  }
.Lfunc_end2:
_tile_overlayer_lowered:
.L_overlay_start_2:
0xef: {  	(tag) =	ssettag $0x2  }
0xf0: {  	s0 =	rddreg [dreg:$0x0];
	s2 =	stileid.u32  }
0xf1: {  	s1 =	rddreg [dreg:$0x1];
	p0 =	sne.s32 s2, $0x0  }
0xf2: {  	s3 =	rddreg [dreg:$0x2];
	[bflag:$0x3] =	sbarrier.arrive $0xFFFF;
	s2 =	simm.s32 @!p0 $0x1C03  }
0xf3: {  	[timem:s3], [sflag:s2] =	dma.local @!p0 [hbm:s0], s1  }
0xf4: {  	s0 =	simm.s32 @!p0 $0x3  }
0xf5: {  	_ =	swait.ge @!p0 [sflag:s0], s1  }
0xf6: {  	s1 =	ssub.s32 @!p0 $0x0, s1;
	[sflag:s0] =	ssyncset.done @!p0 $0x0  }
0xf7: {  	[sflag:s0] =	ssyncadd.s32 @!p0 s1  }
0xf8: {  	[bflag:$0x3] =	sbarrier.arrive $0xFFFF  }
0xf9: {  	_ =	shalt  }

// kernel: kernel.19.cloned.1.call-start
scs
__scs_entry_jumppad:
0x0: {  	(pc) =	sbr.rel $0x88, $3  }
0x1: {  	(tag) =	ssettag $0x0;
	lr =	simm.s32 $0x1  }
0x2: {  	[smem:$0x3F96] =	sst lr;
	_ =	strace $0xD0000000  }
0x3: {  	_ = 	snop  }
0x4: {  	_ = 	snop  }
0x5: {  	_ = 	snop  }
0x6: {  	_ = 	snop  }
0x7: {  	_ = 	snop  }
__scs_overlays_trampoline_lowered:
0x8: {  	[smem:$0x3FA5] =	sst s0  }
0x9: {  	[smem:$0x3FA6] =	sst s1  }
0xa: {  	[smem:$0x3FA7] =	sst s2  }
0xb: {  	[smem:$0x3FA8] =	sst s3  }
0xc: {  	[smem:$0x3FA9] =	sst s4  }
0xd: {  	[smem:$0x3FAA] =	sst s5  }
0xe: {  	[smem:$0x3FAB] =	sst s6  }
0xf: {  	[smem:$0x3FAC] =	sst s7  }
0x10: {  	[smem:$0x3FAD] =	sst s8  }
0x11: {  	[smem:$0x3FAE] =	sst s9;
	s0 =	simm.s32 @!p0 $0x0  }
0x12: {  	s1 =	sld [smem:$0x3F94];
	s0 =	simm.s32 @p0 $0x1  }
0x13: {  	[smem:$0x3FAF] =	sst s0;
	s0 =	simm.s32 @!p1 $0x0  }
0x14: {  	s2 =	sld [smem:$0x3F93];
	s0 =	simm.s32 @p1 $0x1  }
0x15: {  	[smem:$0x3FB0] =	sst s0;
	s0 =	simm.s32 @!p2 $0x0  }
0x16: {  	s3 =	sld [smem:$0x3FDB];
	s0 =	simm.s32 @p2 $0x1  }
0x17: {  	s4 =	simm.s32 $0x1BF5;
	[smem:$0x3FB2] =	sst s0  }
0x18: {  	s0 =	sld [smem:$0x3F95];
	_ =	swait.ge [sflag:s4], $0x0  }
0x19: {  	s7 =	sld [smem:$0x3F96]  }
0x1a: {  	s8 =	sadd.s32 $0xFFFFE003, lr  }
0x1b: {  	s9 =	sadd.s32 $0xFFFFFEF7, lr;
	s5 =	simm.s32 $0xFFFFFFFF;
	p2 =	slt.u32 s8, $0xFFFFF086  }
0x1c: {  	p1 =	slt.u32 s9, $0xF7A;
	s5 =	simm.s32 @!p2 $0x0  }
0x1d: {  	s5 =	simm.s32 @p1 $0x1;
	p0 =	seq.s32 s7, s2  }
0x1e: {  	s7 =	smul.u32 @!p0 $0xF7A, s2;
	p2 =	seq.s32 @!p0 s5, $0x0  }
0x1f: {  	s9 =	smul.u32 $0xF7A, s1;
	s8 =	simm.s32 @!p0 $0x1BF5;
	p2 =	por !p2, p0  }
0x20: {  	[sflag:s8] =	ssyncset.s32 @!p0 $0xFFFFF086;
	s6 =	sadd.s32 @!p0 s3, s7;
	s7 =	simm.s32 @!p0 $0x108  }
0x21: {  	s3 =	sadd.s32 s3, s9;
	s6 =	sadd.s32 @!p0 $0x88, s6;
	s7 =	simm.s32 @p2 $0x1082  }
0x22: {  	[simem:s7], [sflag:s8] =	dma.local @!p0 [hbm:s6], $0xF7A  }
0x23: {  	s9 =	sor.u32 $0xD0000000, s2;
	s6 =	simm.s32 $0x108;
	_ =	swait.ge @!p0 [sflag:s8], $0x0  }
0x24: {  	s3 =	sadd.s32 $0x88, s3;
	s6 =	simm.s32 @!p1 $0x1082;
	[sflag:s4] =	ssyncset.s32 $0xFFFFF086  }
0x25: {  	[simem:s6], [sflag:s4] =	dma.local [hbm:s3], $0xF7A  }
0x26: {  	[smem:$0x3F96] =	sst s1;
	(tag) =	ssettag s2;
	_ =	strace s9  }
0x27: {  	s1 =	sld [smem:$0x3FA6]  }
0x28: {  	s2 =	sld [smem:$0x3FA7]  }
0x29: {  	s4 =	sld [smem:$0x3FA9]  }
0x2a: {  	p0 =	seq.s32 s5, $0x0;
	s5 =	sld [smem:$0x3FAA]  }
0x2b: {  	s6 =	sld [smem:$0x3FAB]  }
0x2c: {  	s7 =	sld [smem:$0x3FAC]  }
0x2d: {  	s3 =	simm.s32 $0x108;
	s8 =	sld [smem:$0x3FAD]  }
0x2e: {  	s3 =	simm.s32 @!p0 $0x1082;
	s9 =	sld [smem:$0x3FAE]  }
0x2f: {  	lr =	sadd.s32 s0, s3;
	s0 =	sld [smem:$0x3FA5]  }
0x30: {  	s3 =	sld [smem:$0x3FA8]  }
0x31: {  	[smem:$0x3FB1] =	sst s10  }
0x32: {  	s10 =	sld [smem:$0x3FAF];
	_ =	sdelay $0x3  }
0x33: {  	p0 =	seq.s32 s10, $0x1;
	s10 =	sld [smem:$0x3FB1];
	_ =	sdelay $0x3  }
0x34: {  	[smem:$0x3FB1] =	sst s10  }
0x35: {  	s10 =	sld [smem:$0x3FB0];
	_ =	sdelay $0x3  }
0x36: {  	p1 =	seq.s32 s10, $0x1;
	s10 =	sld [smem:$0x3FB1];
	_ =	sdelay $0x3  }
0x37: {  	[smem:$0x3FB1] =	sst s10  }
0x38: {  	s10 =	sld [smem:$0x3FB2]  }
0x39: {  	_ = 	snop;
	(pc) =	sbr.ind lr, $3  }
0x3a: {  	_ = 	snop  }
0x3b: {  	_ = 	snop  }
0x3c: {  	p2 =	seq.s32 s10, $0x1;
	s10 =	sld [smem:$0x3FB1]  }
0x3d: {  	_ =	shalt  }
0x3e: {  	_ =	shalt  }
0x3f: {  	_ =	shalt  }
0x40: {  	_ =	shalt  }
0x41: {  	_ =	shalt  }
0x42: {  	_ =	shalt  }
0x43: {  	_ =	shalt  }
0x44: {  	_ =	shalt  }
0x45: {  	_ =	shalt  }
0x46: {  	_ =	shalt  }
0x47: {  	_ =	shalt  }
0x48: {  	_ =	shalt  }
0x49: {  	_ =	shalt  }
0x4a: {  	_ =	shalt  }
0x4b: {  	_ =	shalt  }
0x4c: {  	_ =	shalt  }
0x4d: {  	_ =	shalt  }
0x4e: {  	_ =	shalt  }
0x4f: {  	_ =	shalt  }
0x50: {  	_ =	shalt  }
0x51: {  	_ =	shalt  }
0x52: {  	_ =	shalt  }
0x53: {  	_ =	shalt  }
0x54: {  	_ =	shalt  }
0x55: {  	_ =	shalt  }
0x56: {  	_ =	shalt  }
0x57: {  	_ =	shalt  }
0x58: {  	_ =	shalt  }
0x59: {  	_ =	shalt  }
0x5a: {  	_ =	shalt  }
0x5b: {  	_ =	shalt  }
0x5c: {  	_ =	shalt  }
0x5d: {  	_ =	shalt  }
0x5e: {  	_ =	shalt  }
0x5f: {  	_ =	shalt  }
0x60: {  	_ =	shalt  }
0x61: {  	_ =	shalt  }
0x62: {  	_ =	shalt  }
0x63: {  	_ =	shalt  }
0x64: {  	_ =	shalt  }
0x65: {  	_ =	shalt  }
0x66: {  	_ =	shalt  }
0x67: {  	_ =	shalt  }
0x68: {  	_ =	shalt  }
0x69: {  	_ =	shalt  }
0x6a: {  	_ =	shalt  }
0x6b: {  	_ =	shalt  }
0x6c: {  	_ =	shalt  }
0x6d: {  	_ =	shalt  }
0x6e: {  	_ =	shalt  }
0x6f: {  	_ =	shalt  }
0x70: {  	_ =	shalt  }
0x71: {  	_ =	shalt  }
0x72: {  	_ =	shalt  }
0x73: {  	_ =	shalt  }
0x74: {  	_ =	shalt  }
0x75: {  	_ =	shalt  }
0x76: {  	_ =	shalt  }
0x77: {  	_ =	shalt  }
0x78: {  	_ =	shalt  }
0x79: {  	_ =	shalt  }
0x7a: {  	_ =	shalt  }
0x7b: {  	_ =	shalt  }
0x7c: {  	_ =	shalt  }
0x7d: {  	_ =	shalt  }
0x7e: {  	_ =	shalt  }
0x7f: {  	_ =	shalt  }
0x80: {  	_ =	shalt  }
0x81: {  	_ =	shalt  }
0x82: {  	_ =	shalt  }
0x83: {  	_ =	shalt  }
0x84: {  	_ =	shalt  }
0x85: {  	_ =	shalt  }
0x86: {  	_ =	shalt  }
0x87: {  	_ =	shalt  }
.Lfunc_end0:
.L_simem_size_0:
called_computation.3_lowered:
.L_overlay_start_0:
0x88: {  	s2 =	sld [smem:$0x3FD9]  }
0x89: {  	s3 =	sld [smem:$0x3FFE];
	_ =	sdelay $0x1  }
0x8a: {  	s1 =	srdreg.scid  }
0x8b: {  	s0 =	sand.u32 $0x1, s1  }
0x8c: {  	s16 =	sshll.u32 s0, $0xA;
	s2 =	sadd.s32 s3, s2  }
0x8d: {  	s2 =	sadd.s32 s2, s16  }
0x8e: {  	[smem:$0x3FBD] =	sst s2  }
0x8f: {  	_ = 	snop  }
0x90: {  	(tm) =	ssettm $0x1  }
0x91: {  	s17 =	sld [smem:$0x3FFB];
	_ =	sdelay $0x3  }
0x92: {  	_ =	strace s17  }
0x93: {  	s2 =	sld [smem:$0x3FFC];
	_ =	sdelay $0x3  }
0x94: {  	_ =	strace s2  }
0x95: {  	s2 =	sld [smem:$0x3FFD];
	_ =	sdelay $0x3  }
0x96: {  	_ =	strace s2  }
0x97: {  	_ =	strace $0x8FFFFFFF  }
0x98: {  	s18 =	sld [smem:$0x3FDB];
	_ =	sdelay $0x1  }
0x99: {  	s19 =	simm.s32 $_scs_section_size  }
0x9a: {  	s4 =	simm.s32 $_size__tile_overlayer_lowered;
	s5 =	simm.s32 $_tile_overlayer_lowered  }
0x9b: {  	s22 =	simm.s32 $0x1BFF;
	s21 =	sshll.u32 s5, $0x1;
	s2 =	sadd.s32 s19, s18  }
0x9c: {  	s6 =	simm.s32 $0x0;
	s20 =	sshll.u32 s4, $0x1;
	s4 =	sadd.s32 s21, s2  }
0x9d: {  	[timem:s6], [sflag:s22] =	dma.local [hbm:s4], s20  }
0x9e: {  	_ =	swait.ge [sflag:s22], s20  }
0x9f: {  	s3 =	ssub.s32 $0x0, s20;
	[sflag:s22] =	ssyncset.done $0x0  }
0xa0: {  	[sflag:s22] =	ssyncadd.s32 s3;
	_ =	sdelay $0x1  }
0xa1: {  	s23 =	simm.s32 $0x1B8B  }
0xa2: {  	_ =	swait.ge [sflag:s23], $0x1  }
0xa3: {  	[sflag:s23] =	ssyncset.done $0x0  }
0xa4: {  	s25 =	simm.s32 $0x1B8E;
	s24 =	sld [smem:$0x3FFE];
	[sflag:s23] =	ssyncadd.s32 $0xFFFFFFFF  }
0xa5: {  	s26 =	simm.s32 $execute0_lowered;
	[smem:$0x3FD2] =	sst s25  }
0xa6: {  	s4 =	sshll.u32 s26, $0x1;
	_ =	strace $0x8000004F;
	[dreg:$0x1] =	wrdreg $0xFFFFFFFF  }
0xa7: {  	s28 =	simm.s32 $_size_execute0_lowered;
	s2 =	sadd.s32 s2, s4;
	[dreg:$0x0] =	wrdreg $0x0  }
0xa8: {  	s4 =	sshll.u32 s28, $0x1;
	[dreg:$0x2] =	wrdreg s2  }
0xa9: {  	[dreg:$0x3] =	wrdreg s4  }
0xaa: {  	[dreg:$0x4] =	wrdreg $0xC0  }
0xab: {  	_ =	task [dreg:s6], $0x5FFFF  }
0xac: {  	[dreg:$0x1] =	wrdreg $0xFFFFFFFF  }
0xad: {  	[dreg:$0x0] =	wrdreg $0x60  }
0xae: {  	[dreg:$0x2] =	wrdreg s24  }
0xaf: {  	[dreg:$0x3] =	wrdreg $0x52000  }
0xb0: {  	[dreg:$0x4] =	wrdreg $0x9  }
0xb1: {  	_ =	task.clear_ibuf [dreg:s6], $0x5FFFF;
	_ =	strace $0x9000004F  }
0xb2: {  	s29 =	simm.s32 $0x9;
	_ =	strace $0x80000051  }
0xb3: {  	_ =	swait.ge [sflag:s29], $0x1  }
0xb4: {  	[sflag:s29] =	ssyncadd.s32 $0xFFFFFFFF  }
0xb5: {  	_ =	strace $0x90000051  }
0xb6: {  	_ =	sfence  }
0xb7: {  	s30 =	sld [smem:$0x0];
	_ =	sdelay $0x2  }
0xb8: {  	s31 =	sshll.u32 s1, $0xD;
	s1 =	sshrl.u32 s1, $0x2  }
0xb9: {  	s3 =	sand.u32 $0x4000, s31;
	s1 =	sadd.s32 s1, s30  }
0xba: {  	s0 =	sor.u32 s3, s0;
	s1 =	sshll.u32 s1, $0x11  }
0xbb: {  	s0 =	sor.u32 s1, s0  }
0xbc: {  	s0 =	sadd.s32 $0x8F2B, s0  }
0xbd: {  	[sflag:s0] =	ssyncadd.remote.s32 $0x1  }
0xbe: {  	_ =	sfence.sel $0xFFFF  }
0xbf: {  	[dreg:$0x0] =	wrdreg $0xFFFFFFFF;
	(pc) =	sbr.abs _section_cstart, $3  }
0xc0: {  	[dreg:$0x1] =	wrdreg $0xFFFFFFFF  }
0xc1: {  	_ =	task.clear_ibuf [dreg:s6], $0x2FFFF;
	_ =	strace $0x9FFFFFFF  }
0xc2: {  	(tm) =	ssettm $0x7FFFFFFF  }
0xc3: {  	_ =	shalt  }
tec
execute0_lowered:
.L_overlay_start_1:
0x0: {  	(tag) =	ssettag $0x1  }
0x1: {  	s8 =	rddreg [dreg:$0x0]  }
0x2: {  	s1 =	rddreg [dreg:$0x1];
	s2 =	simm.s32 $0x0  }
0x3: {  	s6 =	srdreg.scid;
	s0 =	stileid.u32;
	s21 =	simm.s32 $0x50  }
0x4: {  	s22 =	simm.s32 $0x200;
	s23 =	simm.s32 $0x80;
	s24 =	simm.s32 $0x180  }
0x5: {  	s25 =	simm.s32 $0x2A00;
	s26 =	simm.s32 $0x1;
	s28 =	simm.s32 $0x2  }
0x6: {  	s29 =	simm.s32 $0x0;
	[smem:$0x7FF] =	sst s2;
	s4 =	sadd.s32 $0x19200, s8  }
0x7: {  	s5 =	sadd.s32 $0x41200, s8;
	s17 =	sadd.s32 $0x5600, s8;
	s10 =	smul.u32 $0x50000, s0  }
0x8: {  	s18 =	sand.u32 $0x1, s6;
	s16 =	sadd.s32 $0xF400, s8;
	s12 =	smul.u32 $0x4E20, s0  }
0x9: {  	s6 =	sadd.s32 $0x91200, s8;
	s7 =	sadd.s32 $0x93A00, s8;
	s20 =	smul.u32 $0x9C4, s0  }
0xa: {  	s8 =	sadd.s32 $0xBBA00, s8;
	s31 =	sshll.u32 s0, $0x6;
	s14 =	smul.u32 $0x2800, s0  }
0xb: {  	_ =	strace $0x80000050;
	s9 =	ssub.s32 $0x2, s18;
	p0 =	sne.s32 s18, $0x0  }
0xc: {  	s11 =	sshrl.u32 s9, $0x1;
	s30 =	sshrl.u32 s10, $0x2;
	s12 =	sshrl.u32 s12, $0x3  }
.Ltmp0:
0xd: {  	s15 =	ssub.s32 s9, s11;
	s19 =	sadd.s32 s30, s1;
	(pc) =	sbr.rel .LBB2_1-.Ltmp0, $4  }
0xe: {  	s9 =	sor.u32 $0x1C03, s31;
	s10 =	sadd.s32 s17, s12;
	s13 =	sadd.s32 $0xA, s12  }
0xf: {  	s11 =	sadd.s32 s16, s12;
	s12 =	sadd.s32 s17, s13;
	s13 =	sadd.s32 s16, s13  }
0x10: {  	s15 =	smax.u32 s15, $0x1;
	s16 =	sadd.s32 s20, s16;
	s17 =	sadd.s32 s20, s17  }
0x11: {  	s18 =	sshrl.u32 s19, $0x3;
	s19 =	simm.s32 $0x3;
	s20 =	simm.s32 $0x100  }
.LBB2_7:
0x12: {  	[tilespmem:s25], [sflag:$0x2] =	stream.indirect.gather [hbm4b:s5+s21], $0x80, s23, s21, $0xb8;
	[tilespmem:$0x19200] =	vst v63  }
0x13: {  	s31 =	smov.u32 s5;
	s30 =	smov.u32 s8  }
.LBB2_8:
0x14: {  	_ =	swait.ge [sflag:s26], $0x2800  }
0x15: {  	[sflag:s26] =	ssyncset.done $0x0  }
0x16: {  	[sflag:s26] =	ssyncadd.s32 $0xFFFFD800  }
0x17: {  	[spmem:s1] =	stream.indirect.scatter.add.f32 [tilespmem:s22], [sflag:$0x3], $0x80, s20, s21, $0xb8;
	[tilespmem:$0x19200] =	vst v63  }
0x18: {  	_ =	swait.ge [sflag:s19], $0x2800  }
0x19: {  	[sflag:s19] =	ssyncset.done $0x0  }
0x1a: {  	[sflag:s19] =	ssyncadd.s32 $0xFFFFD800  }
0x1b: {  	[tilespmem:s2], [sflag:$0x3] =	stream.linear.gather [hbm4b:s10+s2], $0x50, $0x38;
	[tilespmem:$0x19200] =	vst v63  }
0x1c: {  	_ =	swait.ge [sflag:s19], $0x50  }
0x1d: {  	[sflag:s19] =	ssyncset.done $0x0  }
0x1e: {  	[sflag:s19] =	ssyncadd.s32 $0xFFFFFFB0  }
0x1f: {  	[tilespmem:s20], [sflag:$0x3] =	stream.linear.gather [hbm4b:s11+s2], $0x50, $0x38;
	[tilespmem:$0x19200] =	vst v63  }
0x20: {  	_ =	swait.ge [sflag:s19], $0x50  }
0x21: {  	[sflag:s19] =	ssyncset.done $0x0  }
0x22: {  	[sflag:s19] =	ssyncadd.s32 $0xFFFFFFB0  }
0x23: {  	[tilespmem:s22], [sflag:$0x1] =	stream.indirect.gather [hbm4b:s31+s21], $0x80, s2, s21, $0xb8;
	[tilespmem:$0x19200] =	vst v63  }
0x24: {  	_ =	swait.ge [sflag:s28], $0x2800  }
0x25: {  	[sflag:s28] =	ssyncset.done $0x0  }
0x26: {  	[sflag:s28] =	ssyncadd.s32 $0xFFFFD800  }
0x27: {  	[spmem:s1] =	stream.indirect.scatter.add.f32 [tilespmem:s25], [sflag:$0x3], $0x80, s24, s21, $0xb8;
	[tilespmem:$0x19200] =	vst v63  }
0x28: {  	_ =	swait.ge [sflag:s19], $0x2800  }
0x29: {  	[sflag:s19] =	ssyncset.done $0x0  }
0x2a: {  	[sflag:s19] =	ssyncadd.s32 $0xFFFFD800  }
0x2b: {  	[tilespmem:s23], [sflag:$0x3] =	stream.linear.gather [hbm4b:s12+s2], $0x50, $0x38;
	[tilespmem:$0x19200] =	vst v63  }
0x2c: {  	_ =	swait.ge [sflag:s19], $0x50  }
0x2d: {  	[sflag:s19] =	ssyncset.done $0x0  }
0x2e: {  	[sflag:s19] =	ssyncadd.s32 $0xFFFFFFB0  }
0x2f: {  	[tilespmem:s24], [sflag:$0x3] =	stream.linear.gather [hbm4b:s13+s2], $0x50, $0x38;
	[tilespmem:$0x19200] =	vst v63  }
0x30: {  	_ =	swait.ge [sflag:s19], $0x50  }
0x31: {  	[sflag:s19] =	ssyncset.done $0x0  }
0x32: {  	[sflag:s19] =	ssyncadd.s32 $0xFFFFFFB0  }
0x33: {  	[tilespmem:s25], [sflag:$0x2] =	stream.indirect.gather [hbm4b:s31+s21], $0x80, s23, s21, $0xb8;
	[tilespmem:$0x19200] =	vst v63  }
0x34: {  	_ =	swait.ge [sflag:s26], $0x2800  }
0x35: {  	[sflag:s26] =	ssyncset.done $0x0  }
0x36: {  	[sflag:s26] =	ssyncadd.s32 $0xFFFFD800  }
0x37: {  	_ =	swait.ge [sflag:s28], $0x2800  }
0x38: {  	s29 =	sadd.s32 $0x1, s29;
	[sflag:s28] =	ssyncset.done $0x0  }
0x39: {  	p1 =	sne.s32 s29, s15;
	[sflag:s28] =	ssyncadd.s32 $0xFFFFD800  }
.Ltmp1:
0x3a: {  	s0 =	sadd.s32 s30, s14;
	[bflag:$0x0] =	sbarrier.arrive $0xFFFF;
	(pc) =	sbr.rel @!p1 .LBB2_9-.Ltmp1, $4  }
0x3b: {  	[hbm:s0], [sflag:s9] =	dma.local [spmem:s18], $0x2800  }
0x3c: {  	_ =	swait.ge [sflag:s19], $0x2800  }
0x3d: {  	[sflag:s19] =	ssyncset.done $0x0  }
0x3e: {  	[sflag:s19] =	ssyncadd.s32 $0xFFFFD800  }
.LBB2_1:
0x3f: {  	[spmem:s18], [sflag:s9] =	dma.local [hbm:s6], $0x2800  }
0x40: {  	_ =	swait.ge [sflag:s19], $0x2800  }
0x41: {  	[sflag:s19] =	ssyncset.done $0x0  }
0x42: {  	[sflag:s19] =	ssyncadd.s32 $0xFFFFD800  }
0x43: {  	[bflag:$0x0] =	sbarrier.arrive $0xFFFF  }
0x44: {  	[tilespmem:s2], [sflag:$0x3] =	stream.linear.gather [hbm4b:s10+s2], $0x50, $0x38;
	[tilespmem:$0x19200] =	vst v63  }
0x45: {  	_ =	swait.ge [sflag:s19], $0x50  }
0x46: {  	[sflag:s19] =	ssyncset.done $0x0  }
.Ltmp2:
0x47: {  	[sflag:s19] =	ssyncadd.s32 $0xFFFFFFB0;
	(pc) =	sbr.rel @p0 .LBB2_5-.Ltmp2, $4  }
0x48: {  	[tilespmem:s20], [sflag:$0x3] =	stream.linear.gather [hbm4b:s11+s2], $0x50, $0x38;
	[tilespmem:$0x19200] =	vst v63  }
0x49: {  	_ =	swait.ge [sflag:s19], $0x50  }
0x4a: {  	[sflag:s19] =	ssyncset.done $0x0  }
0x4b: {  	[sflag:s19] =	ssyncadd.s32 $0xFFFFFFB0  }
0x4c: {  	[tilespmem:s22], [sflag:$0x1] =	stream.indirect.gather [hbm4b:s4+s21], $0x80, s2, s21, $0xb8;
	[tilespmem:$0x19200] =	vst v63  }
0x4d: {  	_ = 	snop  }
0x4e: {  	[tilespmem:s23], [sflag:$0x3] =	stream.linear.gather [hbm4b:s12+s2], $0x50, $0x38;
	[tilespmem:$0x19200] =	vst v63  }
0x4f: {  	_ =	swait.ge [sflag:s19], $0x50  }
0x50: {  	[sflag:s19] =	ssyncset.done $0x0  }
0x51: {  	[sflag:s19] =	ssyncadd.s32 $0xFFFFFFB0  }
0x52: {  	[tilespmem:s24], [sflag:$0x3] =	stream.linear.gather [hbm4b:s13+s2], $0x50, $0x38;
	[tilespmem:$0x19200] =	vst v63  }
0x53: {  	_ =	swait.ge [sflag:s19], $0x50  }
0x54: {  	[sflag:s19] =	ssyncset.done $0x0  }
0x55: {  	[sflag:s19] =	ssyncadd.s32 $0xFFFFFFB0  }
0x56: {  	[tilespmem:s25], [sflag:$0x2] =	stream.indirect.gather [hbm4b:s4+s21], $0x80, s23, s21, $0xb8;
	[tilespmem:$0x19200] =	vst v63  }
0x57: {  	_ =	swait.ge [sflag:s26], $0x2800  }
0x58: {  	[sflag:s26] =	ssyncset.done $0x0  }
0x59: {  	[sflag:s26] =	ssyncadd.s32 $0xFFFFD800  }
0x5a: {  	[spmem:s1] =	stream.indirect.scatter.add.f32 [tilespmem:s22], [sflag:$0x3], $0x80, s20, s21, $0xb8;
	[tilespmem:$0x19200] =	vst v63  }
0x5b: {  	_ =	swait.ge [sflag:s19], $0x2800  }
0x5c: {  	s30 =	sadd.s32 $0xFFFFF650, s17;
	[sflag:s19] =	ssyncset.done $0x0  }
0x5d: {  	s31 =	sadd.s32 $0x9C4, s30;
	[sflag:s19] =	ssyncadd.s32 $0xFFFFD800  }
0x5e: {  	[tilespmem:s2], [sflag:$0x3] =	stream.linear.gather [hbm4b:s31+s2], $0x50, $0x38;
	[tilespmem:$0x19200] =	vst v63  }
0x5f: {  	_ =	swait.ge [sflag:s19], $0x50  }
0x60: {  	s31 =	sadd.s32 $0xFFFFF650, s16;
	[sflag:s19] =	ssyncset.done $0x0  }
0x61: {  	s0 =	sadd.s32 $0x9C4, s31;
	[sflag:s19] =	ssyncadd.s32 $0xFFFFFFB0  }
0x62: {  	[tilespmem:s20], [sflag:$0x3] =	stream.linear.gather [hbm4b:s0+s2], $0x50, $0x38;
	[tilespmem:$0x19200] =	vst v63  }
0x63: {  	_ =	swait.ge [sflag:s19], $0x50  }
0x64: {  	[sflag:s19] =	ssyncset.done $0x0  }
0x65: {  	[sflag:s19] =	ssyncadd.s32 $0xFFFFFFB0  }
0x66: {  	[tilespmem:s22], [sflag:$0x1] =	stream.indirect.gather [hbm4b:s4+s21], $0x80, s2, s21, $0xb8;
	[tilespmem:$0x19200] =	vst v63  }
0x67: {  	_ =	swait.ge [sflag:s28], $0x2800  }
0x68: {  	[sflag:s28] =	ssyncset.done $0x0  }
0x69: {  	[sflag:s28] =	ssyncadd.s32 $0xFFFFD800  }
0x6a: {  	[spmem:s1] =	stream.indirect.scatter.add.f32 [tilespmem:s25], [sflag:$0x3], $0x80, s24, s21, $0xb8;
	[tilespmem:$0x19200] =	vst v63  }
0x6b: {  	_ =	swait.ge [sflag:s19], $0x2800  }
0x6c: {  	[sflag:s19] =	ssyncset.done $0x0  }
0x6d: {  	s3 =	sadd.s32 $0x9CE, s30;
	[sflag:s19] =	ssyncadd.s32 $0xFFFFD800  }
0x6e: {  	[tilespmem:s23], [sflag:$0x3] =	stream.linear.gather [hbm4b:s3+s2], $0x50, $0x38;
	[tilespmem:$0x19200] =	vst v63  }
0x6f: {  	_ =	swait.ge [sflag:s19], $0x50  }
0x70: {  	[sflag:s19] =	ssyncset.done $0x0  }
0x71: {  	s31 =	sadd.s32 $0x9CE, s31;
	[sflag:s19] =	ssyncadd.s32 $0xFFFFFFB0  }
0x72: {  	[tilespmem:s24], [sflag:$0x3] =	stream.linear.gather [hbm4b:s31+s2], $0x50, $0x38;
	[tilespmem:$0x19200] =	vst v63  }
0x73: {  	_ =	swait.ge [sflag:s19], $0x50  }
0x74: {  	[sflag:s19] =	ssyncset.done $0x0  }
0x75: {  	s30 =	simm.s32 $0xFFFFF664;
	[sflag:s19] =	ssyncadd.s32 $0xFFFFFFB0  }
.LBB2_3:
0x76: {  	[tilespmem:s25], [sflag:$0x2] =	stream.indirect.gather [hbm4b:s4+s21], $0x80, s23, s21, $0xb8;
	[tilespmem:$0x19200] =	vst v63  }
0x77: {  	s0 =	smov.u32 s30  }
0x78: {  	p1 =	seq.s32 s30, $0xFFFFFFEC;
	s30 =	sadd.s32 $0x14, s30;
	_ =	swait.ge [sflag:s26], $0x2800  }
0x79: {  	[sflag:s26] =	ssyncset.done $0x0  }
0x7a: {  	[sflag:s26] =	ssyncadd.s32 $0xFFFFD800  }
0x7b: {  	[spmem:s1] =	stream.indirect.scatter.add.f32 [tilespmem:s22], [sflag:$0x3], $0x80, s20, s21, $0xb8;
	[tilespmem:$0x19200] =	vst v63  }
0x7c: {  	_ =	swait.ge [sflag:s19], $0x2800  }
0x7d: {  	s31 =	sadd.s32 s0, s17;
	[sflag:s19] =	ssyncset.done $0x0  }
0x7e: {  	s3 =	sadd.s32 $0x9C4, s31;
	[sflag:s19] =	ssyncadd.s32 $0xFFFFD800  }
0x7f: {  	[tilespmem:s2], [sflag:$0x3] =	stream.linear.gather [hbm4b:s3+s2], $0x50, $0x38;
	[tilespmem:$0x19200] =	vst v63  }
0x80: {  	_ =	swait.ge [sflag:s19], $0x50  }
0x81: {  	s0 =	sadd.s32 s0, s16;
	[sflag:s19] =	ssyncset.done $0x0  }
0x82: {  	s3 =	sadd.s32 $0x9C4, s0;
	[sflag:s19] =	ssyncadd.s32 $0xFFFFFFB0  }
0x83: {  	[tilespmem:s20], [sflag:$0x3] =	stream.linear.gather [hbm4b:s3+s2], $0x50, $0x38;
	[tilespmem:$0x19200] =	vst v63  }
0x84: {  	_ =	swait.ge [sflag:s19], $0x50  }
0x85: {  	[sflag:s19] =	ssyncset.done $0x0  }
0x86: {  	[sflag:s19] =	ssyncadd.s32 $0xFFFFFFB0  }
0x87: {  	[tilespmem:s22], [sflag:$0x1] =	stream.indirect.gather [hbm4b:s4+s21], $0x80, s2, s21, $0xb8;
	[tilespmem:$0x19200] =	vst v63  }
0x88: {  	_ =	swait.ge [sflag:s28], $0x2800  }
0x89: {  	[sflag:s28] =	ssyncset.done $0x0  }
0x8a: {  	[sflag:s28] =	ssyncadd.s32 $0xFFFFD800  }
0x8b: {  	[spmem:s1] =	stream.indirect.scatter.add.f32 [tilespmem:s25], [sflag:$0x3], $0x80, s24, s21, $0xb8;
	[tilespmem:$0x19200] =	vst v63  }
0x8c: {  	_ =	swait.ge [sflag:s19], $0x2800  }
0x8d: {  	[sflag:s19] =	ssyncset.done $0x0  }
0x8e: {  	s3 =	sadd.s32 $0x9CE, s31;
	[sflag:s19] =	ssyncadd.s32 $0xFFFFD800  }
0x8f: {  	[tilespmem:s23], [sflag:$0x3] =	stream.linear.gather [hbm4b:s3+s2], $0x50, $0x38;
	[tilespmem:$0x19200] =	vst v63  }
0x90: {  	_ =	swait.ge [sflag:s19], $0x50  }
0x91: {  	[sflag:s19] =	ssyncset.done $0x0  }
.Ltmp3:
0x92: {  	s0 =	sadd.s32 $0x9CE, s0;
	[sflag:s19] =	ssyncadd.s32 $0xFFFFFFB0;
	(pc) =	sbr.rel @!p1 .LBB2_3-.Ltmp3, $4  }
0x93: {  	[tilespmem:s24], [sflag:$0x3] =	stream.linear.gather [hbm4b:s0+s2], $0x50, $0x38;
	[tilespmem:$0x19200] =	vst v63  }
0x94: {  	_ =	swait.ge [sflag:s19], $0x50  }
0x95: {  	[sflag:s19] =	ssyncset.done $0x0  }
0x96: {  	[sflag:s19] =	ssyncadd.s32 $0xFFFFFFB0  }
.Ltmp4:
0x97: {  	(pc) =	sbr.rel .LBB2_8-.Ltmp4, $3  }
0x98: {  	_ =	sdelay $0x1  }
0x99: {  	[tilespmem:s25], [sflag:$0x2] =	stream.indirect.gather [hbm4b:s4+s21], $0x80, s23, s21, $0xb8;
	[tilespmem:$0x19200] =	vst v63  }
0x9a: {  	s31 =	smov.u32 s4;
	s30 =	smov.u32 s7  }
.LBB2_5:
0x9b: {  	[tilespmem:s22], [sflag:$0x1] =	stream.indirect.gather [hbm4b:s5+s21], $0x80, s2, s21, $0xb8;
	[tilespmem:$0x19200] =	vst v63  }
0x9c: {  	_ = 	snop  }
0x9d: {  	[tilespmem:s23], [sflag:$0x3] =	stream.linear.gather [hbm4b:s12+s2], $0x50, $0x38;
	[tilespmem:$0x19200] =	vst v63  }
0x9e: {  	_ =	swait.ge [sflag:s19], $0x50  }
0x9f: {  	[sflag:s19] =	ssyncset.done $0x0  }
0xa0: {  	[sflag:s19] =	ssyncadd.s32 $0xFFFFFFB0  }
0xa1: {  	[tilespmem:s24], [sflag:$0x3] =	stream.linear.gather [hbm4b:s13+s2], $0x50, $0x38;
	[tilespmem:$0x19200] =	vst v63  }
0xa2: {  	_ =	swait.ge [sflag:s19], $0x50  }
0xa3: {  	[sflag:s19] =	ssyncset.done $0x0  }
0xa4: {  	[sflag:s19] =	ssyncadd.s32 $0xFFFFFFB0  }
0xa5: {  	[tilespmem:s25], [sflag:$0x2] =	stream.indirect.gather [hbm4b:s5+s21], $0x80, s23, s21, $0xb8;
	[tilespmem:$0x19200] =	vst v63  }
0xa6: {  	_ =	swait.ge [sflag:s26], $0x2800  }
0xa7: {  	[sflag:s26] =	ssyncset.done $0x0  }
0xa8: {  	[sflag:s26] =	ssyncadd.s32 $0xFFFFD800  }
0xa9: {  	[spmem:s1] =	stream.indirect.scatter.add.f32 [tilespmem:s22], [sflag:$0x3], $0x80, s20, s21, $0xb8;
	[tilespmem:$0x19200] =	vst v63  }
0xaa: {  	_ =	swait.ge [sflag:s19], $0x2800  }
0xab: {  	s0 =	sadd.s32 $0xFFFFF650, s17;
	[sflag:s19] =	ssyncset.done $0x0  }
0xac: {  	s3 =	sadd.s32 $0x9C4, s0;
	[sflag:s19] =	ssyncadd.s32 $0xFFFFD800  }
0xad: {  	[tilespmem:s2], [sflag:$0x3] =	stream.linear.gather [hbm4b:s3+s2], $0x50, $0x38;
	[tilespmem:$0x19200] =	vst v63  }
0xae: {  	_ =	swait.ge [sflag:s19], $0x50  }
0xaf: {  	s31 =	sadd.s32 $0xFFFFF650, s16;
	[sflag:s19] =	ssyncset.done $0x0  }
0xb0: {  	s30 =	sadd.s32 $0x9C4, s31;
	[sflag:s19] =	ssyncadd.s32 $0xFFFFFFB0  }
0xb1: {  	[tilespmem:s20], [sflag:$0x3] =	stream.linear.gather [hbm4b:s30+s2], $0x50, $0x38;
	[tilespmem:$0x19200] =	vst v63  }
0xb2: {  	_ =	swait.ge [sflag:s19], $0x50  }
0xb3: {  	[sflag:s19] =	ssyncset.done $0x0  }
0xb4: {  	[sflag:s19] =	ssyncadd.s32 $0xFFFFFFB0  }
0xb5: {  	[tilespmem:s22], [sflag:$0x1] =	stream.indirect.gather [hbm4b:s5+s21], $0x80, s2, s21, $0xb8;
	[tilespmem:$0x19200] =	vst v63  }
0xb6: {  	_ =	swait.ge [sflag:s28], $0x2800  }
0xb7: {  	[sflag:s28] =	ssyncset.done $0x0  }
0xb8: {  	[sflag:s28] =	ssyncadd.s32 $0xFFFFD800  }
0xb9: {  	[spmem:s1] =	stream.indirect.scatter.add.f32 [tilespmem:s25], [sflag:$0x3], $0x80, s24, s21, $0xb8;
	[tilespmem:$0x19200] =	vst v63  }
0xba: {  	_ =	swait.ge [sflag:s19], $0x2800  }
0xbb: {  	[sflag:s19] =	ssyncset.done $0x0  }
0xbc: {  	s0 =	sadd.s32 $0x9CE, s0;
	[sflag:s19] =	ssyncadd.s32 $0xFFFFD800  }
0xbd: {  	[tilespmem:s23], [sflag:$0x3] =	stream.linear.gather [hbm4b:s0+s2], $0x50, $0x38;
	[tilespmem:$0x19200] =	vst v63  }
0xbe: {  	_ =	swait.ge [sflag:s19], $0x50  }
0xbf: {  	[sflag:s19] =	ssyncset.done $0x0  }
0xc0: {  	s31 =	sadd.s32 $0x9CE, s31;
	[sflag:s19] =	ssyncadd.s32 $0xFFFFFFB0  }
0xc1: {  	[tilespmem:s24], [sflag:$0x3] =	stream.linear.gather [hbm4b:s31+s2], $0x50, $0x38;
	[tilespmem:$0x19200] =	vst v63  }
0xc2: {  	_ =	swait.ge [sflag:s19], $0x50  }
0xc3: {  	[sflag:s19] =	ssyncset.done $0x0  }
0xc4: {  	s30 =	simm.s32 $0xFFFFF664;
	[sflag:s19] =	ssyncadd.s32 $0xFFFFFFB0  }
.LBB2_6:
0xc5: {  	[tilespmem:s25], [sflag:$0x2] =	stream.indirect.gather [hbm4b:s5+s21], $0x80, s23, s21, $0xb8;
	[tilespmem:$0x19200] =	vst v63  }
0xc6: {  	s0 =	smov.u32 s30  }
0xc7: {  	p1 =	sne.s32 s30, $0xFFFFFFEC;
	s30 =	sadd.s32 $0x14, s30;
	_ =	swait.ge [sflag:s26], $0x2800  }
0xc8: {  	[sflag:s26] =	ssyncset.done $0x0  }
0xc9: {  	[sflag:s26] =	ssyncadd.s32 $0xFFFFD800  }
0xca: {  	[spmem:s1] =	stream.indirect.scatter.add.f32 [tilespmem:s22], [sflag:$0x3], $0x80, s20, s21, $0xb8;
	[tilespmem:$0x19200] =	vst v63  }
0xcb: {  	_ =	swait.ge [sflag:s19], $0x2800  }
0xcc: {  	s3 =	sadd.s32 s0, s17;
	[sflag:s19] =	ssyncset.done $0x0  }
0xcd: {  	s31 =	sadd.s32 $0x9C4, s3;
	[sflag:s19] =	ssyncadd.s32 $0xFFFFD800  }
0xce: {  	[tilespmem:s2], [sflag:$0x3] =	stream.linear.gather [hbm4b:s31+s2], $0x50, $0x38;
	[tilespmem:$0x19200] =	vst v63  }
0xcf: {  	_ =	swait.ge [sflag:s19], $0x50  }
0xd0: {  	s0 =	sadd.s32 s0, s16;
	[sflag:s19] =	ssyncset.done $0x0  }
0xd1: {  	s31 =	sadd.s32 $0x9C4, s0;
	[sflag:s19] =	ssyncadd.s32 $0xFFFFFFB0  }
0xd2: {  	[tilespmem:s20], [sflag:$0x3] =	stream.linear.gather [hbm4b:s31+s2], $0x50, $0x38;
	[tilespmem:$0x19200] =	vst v63  }
0xd3: {  	_ =	swait.ge [sflag:s19], $0x50  }
0xd4: {  	[sflag:s19] =	ssyncset.done $0x0  }
0xd5: {  	[sflag:s19] =	ssyncadd.s32 $0xFFFFFFB0  }
0xd6: {  	[tilespmem:s22], [sflag:$0x1] =	stream.indirect.gather [hbm4b:s5+s21], $0x80, s2, s21, $0xb8;
	[tilespmem:$0x19200] =	vst v63  }
0xd7: {  	_ =	swait.ge [sflag:s28], $0x2800  }
0xd8: {  	[sflag:s28] =	ssyncset.done $0x0  }
0xd9: {  	[sflag:s28] =	ssyncadd.s32 $0xFFFFD800  }
0xda: {  	[spmem:s1] =	stream.indirect.scatter.add.f32 [tilespmem:s25], [sflag:$0x3], $0x80, s24, s21, $0xb8;
	[tilespmem:$0x19200] =	vst v63  }
0xdb: {  	_ =	swait.ge [sflag:s19], $0x2800  }
0xdc: {  	[sflag:s19] =	ssyncset.done $0x0  }
0xdd: {  	s3 =	sadd.s32 $0x9CE, s3;
	[sflag:s19] =	ssyncadd.s32 $0xFFFFD800  }
0xde: {  	[tilespmem:s23], [sflag:$0x3] =	stream.linear.gather [hbm4b:s3+s2], $0x50, $0x38;
	[tilespmem:$0x19200] =	vst v63  }
0xdf: {  	_ =	swait.ge [sflag:s19], $0x50  }
0xe0: {  	[sflag:s19] =	ssyncset.done $0x0  }
.Ltmp5:
0xe1: {  	s0 =	sadd.s32 $0x9CE, s0;
	[sflag:s19] =	ssyncadd.s32 $0xFFFFFFB0;
	(pc) =	sbr.rel @p1 .LBB2_6-.Ltmp5, $4  }
0xe2: {  	[tilespmem:s24], [sflag:$0x3] =	stream.linear.gather [hbm4b:s0+s2], $0x50, $0x38;
	[tilespmem:$0x19200] =	vst v63  }
0xe3: {  	_ =	swait.ge [sflag:s19], $0x50  }
0xe4: {  	[sflag:s19] =	ssyncset.done $0x0  }
0xe5: {  	[sflag:s19] =	ssyncadd.s32 $0xFFFFFFB0  }
.Ltmp6:
0xe6: {  	_ = 	snop;
	(pc) =	sbr.rel .LBB2_7-.Ltmp6, $1  }
0xe7: {  	_ =	sdelay $0x3  }
.LBB2_9:
0xe8: {  	_ =	sfence.sel $0x180000  }
0xe9: {  	[bflag:$0x0] =	sbarrier.arrive $0xFFFF  }
0xea: {  	_ =	strace $0x90000050  }
0xeb: {  	s0 =	stileid.u32;
	[bflag:$0x2] =	sbarrier.arrive $0xFFFF  }
0xec: {  	p0 =	sne.s32 s0, $0x0;
	s0 =	rddreg [dreg:$0x2]  }
0xed: {  	s0 =	sadd.s32 @!p0 $0x100000, s0  }
0xee: {  	[sflag:s0] =	ssyncadd.tile.s32 @!p0 $0x1;
	_ =	shalt  }
.Lfunc_end2:
_tile_overlayer_lowered:
.L_overlay_start_2:
0xef: {  	(tag) =	ssettag $0x2  }
0xf0: {  	s0 =	rddreg [dreg:$0x0];
	s2 =	stileid.u32  }
0xf1: {  	s1 =	rddreg [dreg:$0x1];
	p0 =	sne.s32 s2, $0x0  }
0xf2: {  	s3 =	rddreg [dreg:$0x2];
	[bflag:$0x3] =	sbarrier.arrive $0xFFFF;
	s2 =	simm.s32 @!p0 $0x1C03  }
0xf3: {  	[timem:s3], [sflag:s2] =	dma.local @!p0 [hbm:s0], s1  }
0xf4: {  	s0 =	simm.s32 @!p0 $0x3  }
0xf5: {  	_ =	swait.ge @!p0 [sflag:s0], s1  }
0xf6: {  	s1 =	ssub.s32 @!p0 $0x0, s1;
	[sflag:s0] =	ssyncset.done @!p0 $0x0  }
0xf7: {  	[sflag:s0] =	ssyncadd.s32 @!p0 s1  }
0xf8: {  	[bflag:$0x3] =	sbarrier.arrive $0xFFFF  }
0xf9: {  	_ =	shalt  }

</sc_bundles>
